<compile_context>
chip_gen: v7x
topology: tpu7x:2x2x1
jax: 0.10.2.dev20260603
libtpu: 0.0.44.dev20260713+nightly
codegen_flags: <defaults>
</compile_context>

<pallas_src>
import functools

import jax
import jax.numpy as jnp
from jax import lax
from jax.experimental import pallas as pl
from jax.experimental.pallas import tpu as pltpu
from jax.experimental.pallas import tpu_sc as plsc

NC, NS = 2, 16
NW = NC * NS
CHP = 64
CHM = 64
CHA = 64


def _pad_rows(x, n):
    return jnp.pad(x, ((0, n - x.shape[0]),) + ((0, 0),) * (x.ndim - 1))


def _bd(a, b):
    z1 = jnp.zeros((a.shape[0], b.shape[1]), a.dtype)
    z2 = jnp.zeros((b.shape[0], a.shape[1]), a.dtype)
    return jnp.block([[a, z1], [z2, b]])


def _prep_kernel(wsp, wp1, wpt, wp2, wp3, wmv, wm1, wmt, wm2,
                 wit, wi1, wic, wi2, bip, wab, wa1, wef, wa2, bap,
                 psp, pt1, pt2, pmv, pmt, pit, pic, pab, pef):
    dot = functools.partial(jnp.dot, preferred_element_type=jnp.float32)
    psp[...] = dot(wsp[...], wp1[...])
    pt1[...] = dot(wpt[...], wp2[...])
    pt2[...] = dot(wpt[...], wp3[...])
    pmv[...] = dot(wmv[...], wm1[...])
    pmt[...] = dot(wmt[...], wm2[...])
    pit[...] = dot(wit[...], wi1[...])
    pic[...] = dot(wic[...], wi2[...]) + bip[...]
    pab[...] = dot(wab[...], wa1[...])
    pef[...] = dot(wef[...], wa2[...]) + bap[...]


def _dense_kernel(t1, t2, bs, mte, mto, mp2,
                  pt1, pt2, pmtl, pmtr,
                  ws1, bs1, ws2, bs2, wp4, bpp,
                  wq1, bq1, wq2, bq2, wm3, bmp,
                  pok_o, mov_o):
    f32 = jnp.float32
    dot = functools.partial(jnp.dot, preferred_element_type=f32)

    def onehot(ids, n):
        r = ids.shape[0]
        return (ids.reshape(r, 1) ==
                lax.broadcasted_iota(jnp.int32, (r, n), 1)).astype(f32)

    st = jnp.maximum(dot(bs[...], ws1[...]) + bs1[...], 0.0)
    st = dot(st, ws2[...]) + bs2[...]
    pok = dot(onehot(t1[0, 0], 32), pt1[...])
    pok += dot(onehot(t2[0, 0], 32), pt2[...])
    pok += dot(st, wp4[...]) + bpp[...]
    pok_o[...] = pok.reshape(pok_o.shape)

    pe = jnp.maximum(dot(mp2[...], wq1[...]) + bq1[...], 0.0)
    pe = dot(pe, wq2[...]) + bq2[...]
    mov = dot(onehot(mte[0, 0], 32), pmtl[...])
    mov += dot(onehot(mto[0, 0], 32), pmtr[...])
    mov += dot(pe, wm3[...]) + bmp[...]
    mov_o[...] = mov.reshape(mov_o.shape)


def _sc_main(sid_hbm, mv_hbm, iid_hbm, ic_hbm, aid_hbm, ef_hbm,
             psp_hbm, pmv_hbm, pit_hbm, pic_hbm, pab_hbm, pef_hbm,
             poktc_hbm, movtc_hbm,
             pok_out, mov_out, itm_out, abl_out,
             idxp, g0, g1, t0, t1, mg0, mg1, mt0, mt1,
             ag0, ag1, ah0, ah1, ao0, ao1,
             imx0, imx1, imy0, imy1,
             sg0, sg1, st0, st1, so0, so1, sh0, sh1):
    wid = lax.axis_index("s") * NC + lax.axis_index("c")
    n1 = sid_hbm.shape[0] // NW
    n2 = mv_hbm.shape[0] // NW

    pltpu.sync_copy(sid_hbm.at[pl.ds(wid * n1, n1)], idxp)

    bufs_p = ((g0, t0, sg0, st0, so0), (g1, t1, sg1, st1, so1))

    def pok_pair(kk, _):
        cps = []
        for b, (g, t, sg, st, so) in enumerate(bufs_p):
            k = kk * 2 + b
            base = wid * n1 + k * CHP
            cg = pltpu.async_copy(psp_hbm.at[idxp.at[pl.ds(k * CHP, CHP)]],
                                  g, sg)
            ct = pltpu.async_copy(poktc_hbm.at[pl.ds(base * 128, CHP * 128)],
                                  t, st)
            cps.append((cg, ct))
        outs = []
        for b, (g, t, sg, st, so) in enumerate(bufs_p):
            k = kk * 2 + b
            base = wid * n1 + k * CHP
            cps[b][0].wait()
            cps[b][1].wait()

            def add_body(i, _):
                for j in range(8):
                    t[pl.ds(i * 128 + j * 16, 16)] = (
                        t[pl.ds(i * 128 + j * 16, 16)]
                        + g[i, pl.ds(j * 16, 16)])
                return 0

            lax.fori_loop(0, CHP, add_body, 0)
            outs.append(pltpu.async_copy(
                t, pok_out.at[pl.ds(base * 128, CHP * 128)], so))
        for co in outs:
            co.wait()
        return 0

    lax.fori_loop(0, n1 // CHP // 2, pok_pair, 0)

    bufs_m = ((mg0, mt0, imx0, sg0, st0, so0),
              (mg1, mt1, imx1, sg1, st1, so1))

    def mov_pair(kk, _):
        cps = []
        for b, (mg, mt, imx, sg, st, so) in enumerate(bufs_m):
            k = kk * 2 + b
            base = wid * n2 + k * CHM
            pltpu.sync_copy(mv_hbm.at[pl.ds(base, CHM)], imx)
            cg = pltpu.async_copy(pmv_hbm.at[imx], mg, sg)
            ct = pltpu.async_copy(movtc_hbm.at[pl.ds(base * 64, CHM * 64)],
                                  mt, st)
            cps.append((cg, ct))
        outs = []
        for b, (mg, mt, imx, sg, st, so) in enumerate(bufs_m):
            k = kk * 2 + b
            base = wid * n2 + k * CHM
            cps[b][0].wait()
            cps[b][1].wait()

            def add_body(i, _):
                for j in range(4):
                    mt[pl.ds(i * 64 + j * 16, 16)] = (
                        mt[pl.ds(i * 64 + j * 16, 16)]
                        + mg[i, pl.ds(j * 16, 16)])
                return 0

            lax.fori_loop(0, CHM, add_body, 0)
            outs.append(pltpu.async_copy(
                mt, mov_out.at[pl.ds(base * 64, CHM * 64)], so))
        for co in outs:
            co.wait()
        return 0

    lax.fori_loop(0, n2 // CHM // 2, mov_pair, 0)

    def pair_family(idA_hbm, idB_hbm, tA_hbm, tB_hbm, out_hbm):
        bufs = ((ag0, ah0, ao0, imx0, imy0, sg0, st0, so0, sh0),
                (ag1, ah1, ao1, imx1, imy1, sg1, st1, so1, sh1))

        def body(kk, _):
            cps = []
            for b, (ga, gb, ao, imx, imy, sg, st, so, sh) in enumerate(bufs):
                k = kk * 2 + b
                base = wid * n1 + k * CHA
                pltpu.sync_copy(idA_hbm.at[pl.ds(base, CHA)], imx)
                pltpu.sync_copy(idB_hbm.at[pl.ds(base, CHA)], imy)
                ca = pltpu.async_copy(tA_hbm.at[imx], ga, sg)
                cb = pltpu.async_copy(tB_hbm.at[imy], gb, sh)
                cps.append((ca, cb))
            outs = []
            for b, (ga, gb, ao, imx, imy, sg, st, so, sh) in enumerate(bufs):
                k = kk * 2 + b
                base = wid * n1 + k * CHA
                cps[b][0].wait()
                cps[b][1].wait()

                def add_body(i, _):
                    for j in range(2):
                        ao[pl.ds(i * 32 + j * 16, 16)] = (
                            ga[i, pl.ds(j * 16, 16)]
                            + gb[i, pl.ds(j * 16, 16)])
                    return 0

                lax.fori_loop(0, CHA, add_body, 0)
                outs.append(pltpu.async_copy(
                    ao, out_hbm.at[pl.ds(base * 32, CHA * 32)], so))
            for co in outs:
                co.wait()
            return 0

        lax.fori_loop(0, n1 // CHA // 2, body, 0)

    pair_family(iid_hbm, ic_hbm, pit_hbm, pic_hbm, itm_out)
    pair_family(aid_hbm, ef_hbm, pab_hbm, pef_hbm, abl_out)


def kernel(species_ids, type1_ids, type2_ids, base_stats, move_ids,
           move_type_ids, move_properties, item_ids, item_category_ids,
           ability_ids, effect_ids, W_species, W_ptype, W_stat1, b_stat1,
           W_stat2, b_stat2, W_pproj, b_pproj, W_move, W_mtype, W_prop1,
           b_prop1, W_prop2, b_prop2, W_mproj, b_mproj, W_item, W_icat,
           W_iproj, b_iproj, W_ability, W_effect, W_aproj, b_aproj):
    B, T = species_ids.shape
    M = move_ids.shape[2]
    N = B * T
    NM2 = N * M
    R = 512
    G = N // R
    RM = R * M
    RM2 = RM // 2
    pd, md, idm, ad = 128, 64, 32, 32
    f32 = jnp.float32
    row = lambda v: v.reshape(1, -1)

    prep_in = [
        _pad_rows(W_species, 2048), W_pproj[0:128],
        _pad_rows(W_ptype, 32), W_pproj[128:144], W_pproj[144:160],
        _pad_rows(W_move, 1024), W_mproj[0:64],
        _pad_rows(W_mtype, 32), W_mproj[64:80],
        _pad_rows(W_item, 512), W_iproj[0:32],
        _pad_rows(W_icat, 32), W_iproj[32:40], row(b_iproj),
        _pad_rows(W_ability, 512), W_aproj[0:32],
        _pad_rows(W_effect, 32), W_aproj[32:40], row(b_aproj),
    ]
    prep_out = [
        jax.ShapeDtypeStruct((2048, pd), f32),
        jax.ShapeDtypeStruct((32, pd), f32),
        jax.ShapeDtypeStruct((32, pd), f32),
        jax.ShapeDtypeStruct((1024, md), f32),
        jax.ShapeDtypeStruct((32, md), f32),
        jax.ShapeDtypeStruct((512, idm), f32),
        jax.ShapeDtypeStruct((32, idm), f32),
        jax.ShapeDtypeStruct((512, ad), f32),
        jax.ShapeDtypeStruct((32, ad), f32),
    ]
    (psp, pt1, pt2, pmv, pmt, pit, pic, pab, pef) = pl.pallas_call(
        _prep_kernel, out_shape=prep_out)(*prep_in)

    t1 = type1_ids.reshape(G, 1, R).astype(jnp.int32)
    t2 = type2_ids.reshape(G, 1, R).astype(jnp.int32)
    mtf = move_type_ids.reshape(NM2).astype(jnp.int32)
    mte = mtf[0::2].reshape(G, 1, RM2)
    mto = mtf[1::2].reshape(G, 1, RM2)
    bs = jnp.pad(base_stats.reshape(N, 6), ((0, 0), (0, 2))).reshape(G, R, 8)
    mp2 = jnp.pad(move_properties.reshape(NM2, 20),
                  ((0, 0), (0, 12))).reshape(G, RM2, 64)
    ws1 = _pad_rows(W_stat1, 8)
    wq1p = _pad_rows(W_prop1, 32)
    wm3 = W_mproj[80:112]
    pmtl = jnp.pad(pmt, ((0, 0), (0, 64)))
    pmtr = jnp.pad(pmt, ((0, 0), (64, 0)))
    cat2 = lambda v: jnp.concatenate([v, v]).reshape(1, -1)

    idx_spec = lambda r: pl.BlockSpec((1, 1, r), lambda i: (i, 0, 0))
    dense_spec = lambda r, c: pl.BlockSpec((1, r, c), lambda i: (i, 0, 0))
    full = lambda *s: pl.BlockSpec(s, lambda i: (0,) * len(s))

    in_specs = (
        [idx_spec(R), idx_spec(R), pl.BlockSpec((1, R, 8), lambda i: (i, 0, 0)),
         idx_spec(RM2), idx_spec(RM2),
         pl.BlockSpec((1, RM2, 64), lambda i: (i, 0, 0))]
        + [full(32, pd), full(32, pd), full(32, pd), full(32, pd)]
        + [full(8, 32), full(1, 32), full(32, 32), full(1, 32),
           full(32, pd), full(1, pd),
           full(64, 64), full(1, 64), full(64, 64), full(1, 64),
           full(64, pd), full(1, pd)]
    )
    pok_tc, mov_tc = pl.pallas_call(
        _dense_kernel,
        grid=(G,),
        in_specs=in_specs,
        out_specs=[dense_spec(R, pd), dense_spec(RM2, pd)],
        out_shape=[jax.ShapeDtypeStruct((G, R, pd), f32),
                   jax.ShapeDtypeStruct((G, RM2, pd), f32)],
    )(t1, t2, bs, mte, mto, mp2, pt1, pt2, pmtl, pmtr,
      ws1, row(b_stat1), W_stat2, row(b_stat2), W_pproj[160:192],
      row(b_pproj), _bd(wq1p, wq1p), cat2(b_prop1), _bd(W_prop2, W_prop2),
      cat2(b_prop2), _bd(wm3, wm3), cat2(b_mproj))

    n1t = N // NW
    mesh = plsc.VectorSubcoreMesh(core_axis_name="c", subcore_axis_name="s")
    sc = pl.kernel(
        _sc_main,
        out_type=[jax.ShapeDtypeStruct((N * pd,), f32),
                  jax.ShapeDtypeStruct((NM2 * md,), f32),
                  jax.ShapeDtypeStruct((N * idm,), f32),
                  jax.ShapeDtypeStruct((N * ad,), f32)],
        mesh=mesh,
        compiler_params=pltpu.CompilerParams(needs_layout_passes=False,
                                             use_tc_tiling_on_sc=False),
        scratch_types=[
            pltpu.VMEM((n1t,), jnp.int32),
            pltpu.VMEM((CHP, pd), f32),
            pltpu.VMEM((CHP, pd), f32),
            pltpu.VMEM((CHP * pd,), f32),
            pltpu.VMEM((CHP * pd,), f32),
            pltpu.VMEM((CHM, md), f32),
            pltpu.VMEM((CHM, md), f32),
            pltpu.VMEM((CHM * md,), f32),
            pltpu.VMEM((CHM * md,), f32),
            pltpu.VMEM((CHA, idm), f32),
            pltpu.VMEM((CHA, idm), f32),
            pltpu.VMEM((CHA, idm), f32),
            pltpu.VMEM((CHA, idm), f32),
            pltpu.VMEM((CHA * idm,), f32),
            pltpu.VMEM((CHA * idm,), f32),
            pltpu.VMEM((CHM,), jnp.int32),
            pltpu.VMEM((CHM,), jnp.int32),
            pltpu.VMEM((CHA,), jnp.int32),
            pltpu.VMEM((CHA,), jnp.int32),
        ] + [pltpu.SemaphoreType.DMA] * 8,
    )
    pok, mov, itm, abl = sc(
        species_ids.reshape(N).astype(jnp.int32),
        move_ids.reshape(NM2).astype(jnp.int32),
        item_ids.reshape(N).astype(jnp.int32),
        item_category_ids.reshape(N).astype(jnp.int32),
        ability_ids.reshape(N).astype(jnp.int32),
        effect_ids.reshape(N).astype(jnp.int32),
        psp, pmv, pit, pic, pab, pef,
        pok_tc.reshape(N * pd), mov_tc.reshape(NM2 * md))

    return (pok.reshape(B, T, pd), mov.reshape(B, T, M, md),
            itm.reshape(B, T, idm), abl.reshape(B, T, ad))

# --- scband reference (transcript-rebuilt; emitter-appended) ---
"""Pipeline reference for scband-shared-embeddings-62062277427443 (READ-ONLY COPY).

The authoritative reference and input builder live on the scoring server;
editing this copy changes nothing except your own understanding.
"""

import jax, jax.numpy as jnp
import numpy as np


def setup_inputs(seed: int = 0):
    key = jax.random.key(seed)
    ks = jax.random.split(key, 32)
    B, T, M = 16384, 6, 4
    NP, NM, NI, NA, NT = 2000, 1000, 500, 400, 18
    pd, md, idm, ad, td, sd = 128, 64, 32, 32, 16, 32
    inp = {}
    inp['species_ids'] = jax.random.randint(ks[0], (B, T), 0, NP + 1)
    inp['type1_ids'] = jax.random.randint(ks[1], (B, T), 0, NT + 1)
    inp['type2_ids'] = jax.random.randint(ks[2], (B, T), 0, NT + 1)
    inp['base_stats'] = jax.random.uniform(ks[3], (B, T, 6))
    inp['move_ids'] = jax.random.randint(ks[4], (B, T, M), 0, NM + 1)
    inp['move_type_ids'] = jax.random.randint(ks[5], (B, T, M), 0, NT + 1)
    inp['move_properties'] = jax.random.normal(ks[6], (B, T, M, 20))
    inp['item_ids'] = jax.random.randint(ks[7], (B, T), 0, NI + 1)
    inp['item_category_ids'] = jax.random.randint(ks[8], (B, T), 0, 20)
    inp['ability_ids'] = jax.random.randint(ks[9], (B, T), 0, NA + 1)
    inp['effect_ids'] = jax.random.randint(ks[10], (B, T), 0, 30)
    def w(k, shape, s=0.02):
        return jax.random.normal(k, shape) * s
    inp['W_species'] = w(ks[11], (NP + 1, pd))
    inp['W_ptype'] = w(ks[12], (NT + 1, td), 0.1)
    inp['W_stat1'] = w(ks[13], (6, sd), 0.1)
    inp['b_stat1'] = jnp.zeros((sd,))
    inp['W_stat2'] = w(ks[14], (sd, sd), 0.1)
    inp['b_stat2'] = jnp.zeros((sd,))
    inp['W_pproj'] = w(ks[15], (pd + 2 * td + sd, pd), 0.05)
    inp['b_pproj'] = jnp.zeros((pd,))
    inp['W_move'] = w(ks[16], (NM + 1, md))
    inp['W_mtype'] = w(ks[17], (NT + 1, td), 0.1)
    inp['W_prop1'] = w(ks[18], (20, md // 2), 0.1)
    inp['b_prop1'] = jnp.zeros((md // 2,))
    inp['W_prop2'] = w(ks[19], (md // 2, md // 2), 0.1)
    inp['b_prop2'] = jnp.zeros((md // 2,))
    inp['W_mproj'] = w(ks[20], (md + td + md // 2, md), 0.05)
    inp['b_mproj'] = jnp.zeros((md,))
    inp['W_item'] = w(ks[21], (NI + 1, idm))
    inp['W_icat'] = w(ks[22], (20, idm // 4), 0.1)
    inp['W_iproj'] = w(ks[23], (idm + idm // 4, idm), 0.05)
    inp['b_iproj'] = jnp.zeros((idm,))
    inp['W_ability'] = w(ks[24], (NA + 1, ad))
    inp['W_effect'] = w(ks[25], (30, ad // 4), 0.1)
    inp['W_aproj'] = w(ks[26], (ad + ad // 4, ad), 0.05)
    inp['b_aproj'] = jnp.zeros((ad,))
    return inp


def reference(species_ids, type1_ids, type2_ids, base_stats, move_ids, move_type_ids, move_properties, item_ids, item_category_ids, ability_ids, effect_ids, W_species, W_ptype, W_stat1, b_stat1, W_stat2, b_stat2, W_pproj, b_pproj, W_move, W_mtype, W_prop1, b_prop1, W_prop2, b_prop2, W_mproj, b_mproj, W_item, W_icat, W_iproj, b_iproj, W_ability, W_effect, W_aproj, b_aproj):
    # PokemonEmbedding
    sp = jnp.take(W_species, species_ids, axis=0)
    t1 = jnp.take(W_ptype, type1_ids, axis=0)
    t2 = jnp.take(W_ptype, type2_ids, axis=0)
    st = jax.nn.relu(base_stats @ W_stat1 + b_stat1) @ W_stat2 + b_stat2
    pokemon = jnp.concatenate([sp, t1, t2, st], axis=-1) @ W_pproj + b_pproj
    # MoveEmbedding
    mv = jnp.take(W_move, move_ids, axis=0)
    mt = jnp.take(W_mtype, move_type_ids, axis=0)
    pe = jax.nn.relu(move_properties @ W_prop1 + b_prop1) @ W_prop2 + b_prop2
    move = jnp.concatenate([mv, mt, pe], axis=-1) @ W_mproj + b_mproj
    # ItemEmbedding
    it = jnp.take(W_item, item_ids, axis=0)
    ic = jnp.take(W_icat, item_category_ids, axis=0)
    item = jnp.concatenate([it, ic], axis=-1) @ W_iproj + b_iproj
    # AbilityEmbedding
    ab = jnp.take(W_ability, ability_ids, axis=0)
    ef = jnp.take(W_effect, effect_ids, axis=0)
    ability = jnp.concatenate([ab, ef], axis=-1) @ W_aproj + b_aproj
    return (pokemon, move, item, ability)

if __name__ == "__main__":
    import jax
    _d = setup_inputs()
    print(jax.jit(kernel)(*tuple(_d.values())))

</pallas_src>

<mosaic_0001>
#map = affine_map<(d0, d1) -> (0)>
#map1 = affine_map<(d0, d1) -> (0, 0)>
module attributes {stable_mosaic.version = 14 : i64} {
  func.func @_sc_main(%arg0: i32, %arg1: i32, %arg2: memref<98304xi32, #tpu.memory_space<hbm>>, %arg3: memref<393216xi32, #tpu.memory_space<hbm>>, %arg4: memref<98304xi32, #tpu.memory_space<hbm>>, %arg5: memref<98304xi32, #tpu.memory_space<hbm>>, %arg6: memref<98304xi32, #tpu.memory_space<hbm>>, %arg7: memref<98304xi32, #tpu.memory_space<hbm>>, %arg8: memref<2048x128xf32, #tpu.memory_space<hbm>>, %arg9: memref<1024x64xf32, #tpu.memory_space<hbm>>, %arg10: memref<512x32xf32, #tpu.memory_space<hbm>>, %arg11: memref<32x32xf32, #tpu.memory_space<hbm>>, %arg12: memref<512x32xf32, #tpu.memory_space<hbm>>, %arg13: memref<32x32xf32, #tpu.memory_space<hbm>>, %arg14: memref<12582912xf32, #tpu.memory_space<hbm>>, %arg15: memref<25165824xf32, #tpu.memory_space<hbm>>, %arg16: memref<12582912xf32, #tpu.memory_space<hbm>>, %arg17: memref<25165824xf32, #tpu.memory_space<hbm>>, %arg18: memref<3145728xf32, #tpu.memory_space<hbm>>, %arg19: memref<3145728xf32, #tpu.memory_space<hbm>>, %arg20: memref<3072xi32, #tpu.memory_space<vmem>>, %arg21: memref<64x128xf32, #tpu.memory_space<vmem>>, %arg22: memref<64x128xf32, #tpu.memory_space<vmem>>, %arg23: memref<8192xf32, #tpu.memory_space<vmem>>, %arg24: memref<8192xf32, #tpu.memory_space<vmem>>, %arg25: memref<64x64xf32, #tpu.memory_space<vmem>>, %arg26: memref<64x64xf32, #tpu.memory_space<vmem>>, %arg27: memref<4096xf32, #tpu.memory_space<vmem>>, %arg28: memref<4096xf32, #tpu.memory_space<vmem>>, %arg29: memref<64x32xf32, #tpu.memory_space<vmem>>, %arg30: memref<64x32xf32, #tpu.memory_space<vmem>>, %arg31: memref<64x32xf32, #tpu.memory_space<vmem>>, %arg32: memref<64x32xf32, #tpu.memory_space<vmem>>, %arg33: memref<2048xf32, #tpu.memory_space<vmem>>, %arg34: memref<2048xf32, #tpu.memory_space<vmem>>, %arg35: memref<64xi32, #tpu.memory_space<vmem>>, %arg36: memref<64xi32, #tpu.memory_space<vmem>>, %arg37: memref<64xi32, #tpu.memory_space<vmem>>, %arg38: memref<64xi32, #tpu.memory_space<vmem>>, %arg39: memref<!tpu.dma_semaphore, #tpu.memory_space<semaphore_mem>>, %arg40: memref<!tpu.dma_semaphore, #tpu.memory_space<semaphore_mem>>, %arg41: memref<!tpu.dma_semaphore, #tpu.memory_space<semaphore_mem>>, %arg42: memref<!tpu.dma_semaphore, #tpu.memory_space<semaphore_mem>>, %arg43: memref<!tpu.dma_semaphore, #tpu.memory_space<semaphore_mem>>, %arg44: memref<!tpu.dma_semaphore, #tpu.memory_space<semaphore_mem>>, %arg45: memref<!tpu.dma_semaphore, #tpu.memory_space<semaphore_mem>>, %arg46: memref<!tpu.dma_semaphore, #tpu.memory_space<semaphore_mem>>) attributes {dimension_semantics = [#tpu.dimension_semantics<core_parallel>, #tpu.dimension_semantics<subcore_parallel>], iteration_bounds = array<i64: 2, 16>, scalar_prefetch = 0 : i64, scratch_operands = 27 : i64, tpu.core_type = #tpu.core_type<sc_vector_subcore>, window_params = [{transform_indices = #map}, {transform_indices = #map}, {transform_indices = #map}, {transform_indices = #map}, {transform_indices = #map}, {transform_indices = #map}, {transform_indices = #map1}, {transform_indices = #map1}, {transform_indices = #map1}, {transform_indices = #map1}, {transform_indices = #map1}, {transform_indices = #map1}, {transform_indices = #map}, {transform_indices = #map}, {transform_indices = #map}, {transform_indices = #map}, {transform_indices = #map}, {transform_indices = #map}]} {
    %mul3A = arith.constant 2 : i32
    %mul3A_0 = arith.muli %arg1, %mul3A : i32
    %add3A = arith.addi %mul3A_0, %arg0 : i32
    %mul3A_1 = arith.constant 3072 : i32
    %mul3A_2 = arith.muli %add3A, %mul3A_1 : i32
    "tpu.region"() ({
      %run_scoped3A = tpu.sem_alloc : memref<!tpu.dma_semaphore, #tpu.memory_space<semaphore_mem>>
      %dma_start3A = tpu.memref_slice %arg2[%mul3A_2] : memref<98304xi32, #tpu.memory_space<hbm>> -> memref<3072xi32, #tpu.memory_space<hbm>>
      %dma_start3A_30 = tpu.memref_slice %arg2[%mul3A_2] : memref<98304xi32, #tpu.memory_space<hbm>> -> memref<3072xi32, #tpu.memory_space<hbm>>
      tpu.enqueue_dma source(%dma_start3A_30 : memref<3072xi32, #tpu.memory_space<hbm>>) target(%arg20 : memref<3072xi32, #tpu.memory_space<vmem>>) target_semaphore(%run_scoped3A : memref<!tpu.dma_semaphore, #tpu.memory_space<semaphore_mem>>)
      %dma_wait3A = tpu.memref_slice %arg2[%mul3A_2] : memref<98304xi32, #tpu.memory_space<hbm>> -> memref<3072xi32, #tpu.memory_space<hbm>>
      %dma_wait3A_31 = tpu.memref_slice %arg2[%mul3A_2] : memref<98304xi32, #tpu.memory_space<hbm>> -> memref<3072xi32, #tpu.memory_space<hbm>>
      tpu.wait_dma2 semaphore(%run_scoped3A : memref<!tpu.dma_semaphore, #tpu.memory_space<semaphore_mem>>) src(%dma_wait3A_31 : memref<3072xi32, #tpu.memory_space<hbm>>) dst(%arg20 : memref<3072xi32, #tpu.memory_space<vmem>>)
      tpu.yield
    }) : () -> ()
    %scan3A = arith.constant 0 : i32
    %scan3A_3 = arith.constant 0 : i32
    %scan3A_4 = arith.constant 24 : i32
    %scan3A_5 = arith.addi %scan3A_3, %scan3A_4 : i32
    %scan3A_6 = arith.constant 1 : i32
    %scan3A_7 = scf.for %scan3A_30 = %scan3A_3 to %scan3A_5 step %scan3A_6 iter_args(%scan3A_31 = %scan3A) -> (i32)  : i32 {
      %mul3A_32 = arith.constant 2 : i32
      %mul3A_33 = arith.muli %scan3A_30, %mul3A_32 : i32
      %add3A_34 = arith.constant 0 : i32
      %add3A_35 = arith.addi %mul3A_33, %add3A_34 : i32
      %mul3A_36 = arith.constant 3072 : i32
      %mul3A_37 = arith.muli %add3A, %mul3A_36 : i32
      %mul3A_38 = arith.constant 64 : i32
      %mul3A_39 = arith.muli %add3A_35, %mul3A_38 : i32
      %add3A_40 = arith.addi %mul3A_37, %mul3A_39 : i32
      %mul3A_41 = arith.constant 64 : i32
      %mul3A_42 = arith.muli %add3A_35, %mul3A_41 : i32
      %dma_start3A = tpu.memref_slice %arg20[%mul3A_42] : memref<3072xi32, #tpu.memory_space<vmem>> -> memref<64xi32, #tpu.memory_space<vmem>>
      %dma_start3A_43 = arith.constant 0 : i32
      %dma_start3A_44 = arith.constant 0 : i32
      %dma_start3A_45 = tpu.memref_slice %arg8[%dma_start3A_43, %dma_start3A_44] : memref<2048x128xf32, #tpu.memory_space<hbm>> -> memref<2048x128xf32, #tpu.memory_space<hbm>>
      tpu.enqueue_indirect_dma source(%dma_start3A_45 : memref<2048x128xf32, #tpu.memory_space<hbm>>) target(%arg21 : memref<64x128xf32, #tpu.memory_space<vmem>>) offsets(%dma_start3A : memref<64xi32, #tpu.memory_space<vmem>>) semaphore(%arg39 : memref<!tpu.dma_semaphore, #tpu.memory_space<semaphore_mem>>)
      %mul3A_46 = arith.constant 128 : i32
      %mul3A_47 = arith.muli %add3A_40, %mul3A_46 : i32
      %dma_start3A_48 = tpu.memref_slice %arg14[%mul3A_47] : memref<12582912xf32, #tpu.memory_space<hbm>> -> memref<8192xf32, #tpu.memory_space<hbm>>
      %dma_start3A_49 = tpu.memref_slice %arg14[%mul3A_47] : memref<12582912xf32, #tpu.memory_space<hbm>> -> memref<8192xf32, #tpu.memory_space<hbm>>
      tpu.enqueue_dma source(%dma_start3A_49 : memref<8192xf32, #tpu.memory_space<hbm>>) target(%arg23 : memref<8192xf32, #tpu.memory_space<vmem>>) target_semaphore(%arg41 : memref<!tpu.dma_semaphore, #tpu.memory_space<semaphore_mem>>)
      %mul3A_50 = arith.constant 2 : i32
      %mul3A_51 = arith.muli %scan3A_30, %mul3A_50 : i32
      %add3A_52 = arith.constant 1 : i32
      %add3A_53 = arith.addi %mul3A_51, %add3A_52 : i32
      %mul3A_54 = arith.constant 3072 : i32
      %mul3A_55 = arith.muli %add3A, %mul3A_54 : i32
      %mul3A_56 = arith.constant 64 : i32
      %mul3A_57 = arith.muli %add3A_53, %mul3A_56 : i32
      %add3A_58 = arith.addi %mul3A_55, %mul3A_57 : i32
      %mul3A_59 = arith.constant 64 : i32
      %mul3A_60 = arith.muli %add3A_53, %mul3A_59 : i32
      %dma_start3A_61 = tpu.memref_slice %arg20[%mul3A_60] : memref<3072xi32, #tpu.memory_space<vmem>> -> memref<64xi32, #tpu.memory_space<vmem>>
      %dma_start3A_62 = arith.constant 0 : i32
      %dma_start3A_63 = arith.constant 0 : i32
      %dma_start3A_64 = tpu.memref_slice %arg8[%dma_start3A_62, %dma_start3A_63] : memref<2048x128xf32, #tpu.memory_space<hbm>> -> memref<2048x128xf32, #tpu.memory_space<hbm>>
      tpu.enqueue_indirect_dma source(%dma_start3A_64 : memref<2048x128xf32, #tpu.memory_space<hbm>>) target(%arg22 : memref<64x128xf32, #tpu.memory_space<vmem>>) offsets(%dma_start3A_61 : memref<64xi32, #tpu.memory_space<vmem>>) semaphore(%arg40 : memref<!tpu.dma_semaphore, #tpu.memory_space<semaphore_mem>>)
      %mul3A_65 = arith.constant 128 : i32
      %mul3A_66 = arith.muli %add3A_58, %mul3A_65 : i32
      %dma_start3A_67 = tpu.memref_slice %arg14[%mul3A_66] : memref<12582912xf32, #tpu.memory_space<hbm>> -> memref<8192xf32, #tpu.memory_space<hbm>>
      %dma_start3A_68 = tpu.memref_slice %arg14[%mul3A_66] : memref<12582912xf32, #tpu.memory_space<hbm>> -> memref<8192xf32, #tpu.memory_space<hbm>>
      tpu.enqueue_dma source(%dma_start3A_68 : memref<8192xf32, #tpu.memory_space<hbm>>) target(%arg24 : memref<8192xf32, #tpu.memory_space<vmem>>) target_semaphore(%arg42 : memref<!tpu.dma_semaphore, #tpu.memory_space<semaphore_mem>>)
      %mul3A_69 = arith.constant 2 : i32
      %mul3A_70 = arith.muli %scan3A_30, %mul3A_69 : i32
      %add3A_71 = arith.constant 0 : i32
      %add3A_72 = arith.addi %mul3A_70, %add3A_71 : i32
      %mul3A_73 = arith.constant 3072 : i32
      %mul3A_74 = arith.muli %add3A, %mul3A_73 : i32
      %mul3A_75 = arith.constant 64 : i32
      %mul3A_76 = arith.muli %add3A_72, %mul3A_75 : i32
      %add3A_77 = arith.addi %mul3A_74, %mul3A_76 : i32
      %dma_wait3A = tpu.memref_slice %arg20[%mul3A_42] : memref<3072xi32, #tpu.memory_space<vmem>> -> memref<64xi32, #tpu.memory_space<vmem>>
      %dma_wait3A_78 = arith.constant 0 : i32
      %dma_wait3A_79 = arith.constant 0 : i32
      %dma_wait3A_80 = tpu.memref_slice %arg8[%dma_wait3A_78, %dma_wait3A_79] : memref<2048x128xf32, #tpu.memory_space<hbm>> -> memref<2048x128xf32, #tpu.memory_space<hbm>>
      tpu.wait_indirect_dma semaphore(%arg39 : memref<!tpu.dma_semaphore, #tpu.memory_space<semaphore_mem>>) src(%dma_wait3A_80 : memref<2048x128xf32, #tpu.memory_space<hbm>>) dst(%arg21 : memref<64x128xf32, #tpu.memory_space<vmem>>)
      %dma_wait3A_81 = tpu.memref_slice %arg14[%mul3A_47] : memref<12582912xf32, #tpu.memory_space<hbm>> -> memref<8192xf32, #tpu.memory_space<hbm>>
      %dma_wait3A_82 = tpu.memref_slice %arg14[%mul3A_47] : memref<12582912xf32, #tpu.memory_space<hbm>> -> memref<8192xf32, #tpu.memory_space<hbm>>
      tpu.wait_dma2 semaphore(%arg41 : memref<!tpu.dma_semaphore, #tpu.memory_space<semaphore_mem>>) src(%dma_wait3A_82 : memref<8192xf32, #tpu.memory_space<hbm>>) dst(%arg23 : memref<8192xf32, #tpu.memory_space<vmem>>)
      %scan3A_83 = arith.constant 0 : i32
      %scan3A_84 = arith.constant 0 : i32
      %scan3A_85 = arith.constant 64 : i32
      %scan3A_86 = arith.addi %scan3A_84, %scan3A_85 : i32
      %scan3A_87 = arith.constant 1 : i32
      %scan3A_88 = scf.for %scan3A_125 = %scan3A_84 to %scan3A_86 step %scan3A_87 iter_args(%scan3A_126 = %scan3A_83) -> (i32)  : i32 {
        %mul3A_127 = arith.constant 128 : i32
        %mul3A_128 = arith.muli %scan3A_125, %mul3A_127 : i32
        %add3A_129 = arith.constant 0 : i32
        %add3A_130 = arith.addi %mul3A_128, %add3A_129 : i32
        %get3A = arith.index_cast %add3A_130 : i32 to index
        %get3A_131 = tpu.vector_load %arg23[%get3A] {strides = array<i32>} : memref<8192xf32, #tpu.memory_space<vmem>>, vector<16xf32>,
        %get3A_132 = arith.index_cast %scan3A_125 : i32 to index
        %get3A_133 = arith.constant 0 : index
        %get3A_134 = tpu.vector_load %arg21[%get3A_132, %get3A_133] {strides = array<i32>} : memref<64x128xf32, #tpu.memory_space<vmem>>, vector<16xf32>,
        %add3A_135 = arith.addf %get3A_131, %get3A_134 : vector<16xf32>
        %mul3A_136 = arith.constant 128 : i32
        %mul3A_137 = arith.muli %scan3A_125, %mul3A_136 : i32
        %add3A_138 = arith.constant 0 : i32
        %add3A_139 = arith.addi %mul3A_137, %add3A_138 : i32
        %swap3A = arith.index_cast %add3A_139 : i32 to index
        %swap3A_140 = tpu.vector_load %arg23[%swap3A] {strides = array<i32>} : memref<8192xf32, #tpu.memory_space<vmem>>, vector<16xf32>,
        tpu.vector_store %arg23[%swap3A], %add3A_135 {strides = array<i32>} : memref<8192xf32, #tpu.memory_space<vmem>>, vector<16xf32>,
        %mul3A_141 = arith.constant 128 : i32
        %mul3A_142 = arith.muli %scan3A_125, %mul3A_141 : i32
        %add3A_143 = arith.constant 16 : i32
        %add3A_144 = arith.addi %mul3A_142, %add3A_143 : i32
        %get3A_145 = arith.index_cast %add3A_144 : i32 to index
        %get3A_146 = tpu.vector_load %arg23[%get3A_145] {strides = array<i32>} : memref<8192xf32, #tpu.memory_space<vmem>>, vector<16xf32>,
        %get3A_147 = arith.index_cast %scan3A_125 : i32 to index
        %get3A_148 = arith.constant 16 : index
        %get3A_149 = tpu.vector_load %arg21[%get3A_147, %get3A_148] {strides = array<i32>} : memref<64x128xf32, #tpu.memory_space<vmem>>, vector<16xf32>,
        %add3A_150 = arith.addf %get3A_146, %get3A_149 : vector<16xf32>
        %mul3A_151 = arith.constant 128 : i32
        %mul3A_152 = arith.muli %scan3A_125, %mul3A_151 : i32
        %add3A_153 = arith.constant 16 : i32
        %add3A_154 = arith.addi %mul3A_152, %add3A_153 : i32
        %swap3A_155 = arith.index_cast %add3A_154 : i32 to index
        %swap3A_156 = tpu.vector_load %arg23[%swap3A_155] {strides = array<i32>} : memref<8192xf32, #tpu.memory_space<vmem>>, vector<16xf32>,
        tpu.vector_store %arg23[%swap3A_155], %add3A_150 {strides = array<i32>} : memref<8192xf32, #tpu.memory_space<vmem>>, vector<16xf32>,
        %mul3A_157 = arith.constant 128 : i32
        %mul3A_158 = arith.muli %scan3A_125, %mul3A_157 : i32
        %add3A_159 = arith.constant 32 : i32
        %add3A_160 = arith.addi %mul3A_158, %add3A_159 : i32
        %get3A_161 = arith.index_cast %add3A_160 : i32 to index
        %get3A_162 = tpu.vector_load %arg23[%get3A_161] {strides = array<i32>} : memref<8192xf32, #tpu.memory_space<vmem>>, vector<16xf32>,
        %get3A_163 = arith.index_cast %scan3A_125 : i32 to index
        %get3A_164 = arith.constant 32 : index
        %get3A_165 = tpu.vector_load %arg21[%get3A_163, %get3A_164] {strides = array<i32>} : memref<64x128xf32, #tpu.memory_space<vmem>>, vector<16xf32>,
        %add3A_166 = arith.addf %get3A_162, %get3A_165 : vector<16xf32>
        %mul3A_167 = arith.constant 128 : i32
        %mul3A_168 = arith.muli %scan3A_125, %mul3A_167 : i32
        %add3A_169 = arith.constant 32 : i32
        %add3A_170 = arith.addi %mul3A_168, %add3A_169 : i32
        %swap3A_171 = arith.index_cast %add3A_170 : i32 to index
        %swap3A_172 = tpu.vector_load %arg23[%swap3A_171] {strides = array<i32>} : memref<8192xf32, #tpu.memory_space<vmem>>, vector<16xf32>,
        tpu.vector_store %arg23[%swap3A_171], %add3A_166 {strides = array<i32>} : memref<8192xf32, #tpu.memory_space<vmem>>, vector<16xf32>,
        %mul3A_173 = arith.constant 128 : i32
        %mul3A_174 = arith.muli %scan3A_125, %mul3A_173 : i32
        %add3A_175 = arith.constant 48 : i32
        %add3A_176 = arith.addi %mul3A_174, %add3A_175 : i32
        %get3A_177 = arith.index_cast %add3A_176 : i32 to index
        %get3A_178 = tpu.vector_load %arg23[%get3A_177] {strides = array<i32>} : memref<8192xf32, #tpu.memory_space<vmem>>, vector<16xf32>,
        %get3A_179 = arith.index_cast %scan3A_125 : i32 to index
        %get3A_180 = arith.constant 48 : index
        %get3A_181 = tpu.vector_load %arg21[%get3A_179, %get3A_180] {strides = array<i32>} : memref<64x128xf32, #tpu.memory_space<vmem>>, vector<16xf32>,
        %add3A_182 = arith.addf %get3A_178, %get3A_181 : vector<16xf32>
        %mul3A_183 = arith.constant 128 : i32
        %mul3A_184 = arith.muli %scan3A_125, %mul3A_183 : i32
        %add3A_185 = arith.constant 48 : i32
        %add3A_186 = arith.addi %mul3A_184, %add3A_185 : i32
        %swap3A_187 = arith.index_cast %add3A_186 : i32 to index
        %swap3A_188 = tpu.vector_load %arg23[%swap3A_187] {strides = array<i32>} : memref<8192xf32, #tpu.memory_space<vmem>>, vector<16xf32>,
        tpu.vector_store %arg23[%swap3A_187], %add3A_182 {strides = array<i32>} : memref<8192xf32, #tpu.memory_space<vmem>>, vector<16xf32>,
        %mul3A_189 = arith.constant 128 : i32
        %mul3A_190 = arith.muli %scan3A_125, %mul3A_189 : i32
        %add3A_191 = arith.constant 64 : i32
        %add3A_192 = arith.addi %mul3A_190, %add3A_191 : i32
        %get3A_193 = arith.index_cast %add3A_192 : i32 to index
        %get3A_194 = tpu.vector_load %arg23[%get3A_193] {strides = array<i32>} : memref<8192xf32, #tpu.memory_space<vmem>>, vector<16xf32>,
        %get3A_195 = arith.index_cast %scan3A_125 : i32 to index
        %get3A_196 = arith.constant 64 : index
        %get3A_197 = tpu.vector_load %arg21[%get3A_195, %get3A_196] {strides = array<i32>} : memref<64x128xf32, #tpu.memory_space<vmem>>, vector<16xf32>,
        %add3A_198 = arith.addf %get3A_194, %get3A_197 : vector<16xf32>
        %mul3A_199 = arith.constant 128 : i32
        %mul3A_200 = arith.muli %scan3A_125, %mul3A_199 : i32
        %add3A_201 = arith.constant 64 : i32
        %add3A_202 = arith.addi %mul3A_200, %add3A_201 : i32
        %swap3A_203 = arith.index_cast %add3A_202 : i32 to index
        %swap3A_204 = tpu.vector_load %arg23[%swap3A_203] {strides = array<i32>} : memref<8192xf32, #tpu.memory_space<vmem>>, vector<16xf32>,
        tpu.vector_store %arg23[%swap3A_203], %add3A_198 {strides = array<i32>} : memref<8192xf32, #tpu.memory_space<vmem>>, vector<16xf32>,
        %mul3A_205 = arith.constant 128 : i32
        %mul3A_206 = arith.muli %scan3A_125, %mul3A_205 : i32
        %add3A_207 = arith.constant 80 : i32
        %add3A_208 = arith.addi %mul3A_206, %add3A_207 : i32
        %get3A_209 = arith.index_cast %add3A_208 : i32 to index
        %get3A_210 = tpu.vector_load %arg23[%get3A_209] {strides = array<i32>} : memref<8192xf32, #tpu.memory_space<vmem>>, vector<16xf32>,
        %get3A_211 = arith.index_cast %scan3A_125 : i32 to index
        %get3A_212 = arith.constant 80 : index
        %get3A_213 = tpu.vector_load %arg21[%get3A_211, %get3A_212] {strides = array<i32>} : memref<64x128xf32, #tpu.memory_space<vmem>>, vector<16xf32>,
        %add3A_214 = arith.addf %get3A_210, %get3A_213 : vector<16xf32>
        %mul3A_215 = arith.constant 128 : i32
        %mul3A_216 = arith.muli %scan3A_125, %mul3A_215 : i32
        %add3A_217 = arith.constant 80 : i32
        %add3A_218 = arith.addi %mul3A_216, %add3A_217 : i32
        %swap3A_219 = arith.index_cast %add3A_218 : i32 to index
        %swap3A_220 = tpu.vector_load %arg23[%swap3A_219] {strides = array<i32>} : memref<8192xf32, #tpu.memory_space<vmem>>, vector<16xf32>,
        tpu.vector_store %arg23[%swap3A_219], %add3A_214 {strides = array<i32>} : memref<8192xf32, #tpu.memory_space<vmem>>, vector<16xf32>,
        %mul3A_221 = arith.constant 128 : i32
        %mul3A_222 = arith.muli %scan3A_125, %mul3A_221 : i32
        %add3A_223 = arith.constant 96 : i32
        %add3A_224 = arith.addi %mul3A_222, %add3A_223 : i32
        %get3A_225 = arith.index_cast %add3A_224 : i32 to index
        %get3A_226 = tpu.vector_load %arg23[%get3A_225] {strides = array<i32>} : memref<8192xf32, #tpu.memory_space<vmem>>, vector<16xf32>,
        %get3A_227 = arith.index_cast %scan3A_125 : i32 to index
        %get3A_228 = arith.constant 96 : index
        %get3A_229 = tpu.vector_load %arg21[%get3A_227, %get3A_228] {strides = array<i32>} : memref<64x128xf32, #tpu.memory_space<vmem>>, vector<16xf32>,
        %add3A_230 = arith.addf %get3A_226, %get3A_229 : vector<16xf32>
        %mul3A_231 = arith.constant 128 : i32
        %mul3A_232 = arith.muli %scan3A_125, %mul3A_231 : i32
        %add3A_233 = arith.constant 96 : i32
        %add3A_234 = arith.addi %mul3A_232, %add3A_233 : i32
        %swap3A_235 = arith.index_cast %add3A_234 : i32 to index
        %swap3A_236 = tpu.vector_load %arg23[%swap3A_235] {strides = array<i32>} : memref<8192xf32, #tpu.memory_space<vmem>>, vector<16xf32>,
        tpu.vector_store %arg23[%swap3A_235], %add3A_230 {strides = array<i32>} : memref<8192xf32, #tpu.memory_space<vmem>>, vector<16xf32>,
        %mul3A_237 = arith.constant 128 : i32
        %mul3A_238 = arith.muli %scan3A_125, %mul3A_237 : i32
        %add3A_239 = arith.constant 112 : i32
        %add3A_240 = arith.addi %mul3A_238, %add3A_239 : i32
        %get3A_241 = arith.index_cast %add3A_240 : i32 to index
        %get3A_242 = tpu.vector_load %arg23[%get3A_241] {strides = array<i32>} : memref<8192xf32, #tpu.memory_space<vmem>>, vector<16xf32>,
        %get3A_243 = arith.index_cast %scan3A_125 : i32 to index
        %get3A_244 = arith.constant 112 : index
        %get3A_245 = tpu.vector_load %arg21[%get3A_243, %get3A_244] {strides = array<i32>} : memref<64x128xf32, #tpu.memory_space<vmem>>, vector<16xf32>,
        %add3A_246 = arith.addf %get3A_242, %get3A_245 : vector<16xf32>
        %mul3A_247 = arith.constant 128 : i32
        %mul3A_248 = arith.muli %scan3A_125, %mul3A_247 : i32
        %add3A_249 = arith.constant 112 : i32
        %add3A_250 = arith.addi %mul3A_248, %add3A_249 : i32
        %swap3A_251 = arith.index_cast %add3A_250 : i32 to index
        %swap3A_252 = tpu.vector_load %arg23[%swap3A_251] {strides = array<i32>} : memref<8192xf32, #tpu.memory_space<vmem>>, vector<16xf32>,
        tpu.vector_store %arg23[%swap3A_251], %add3A_246 {strides = array<i32>} : memref<8192xf32, #tpu.memory_space<vmem>>, vector<16xf32>,
        %scan3A_253 = arith.constant 0 : i32
        scf.yield %scan3A_253 : i32
      }
      %scan3A_89 = arith.constant 64 : i32
      %mul3A_90 = arith.constant 128 : i32
      %mul3A_91 = arith.muli %add3A_77, %mul3A_90 : i32
      %dma_start3A_92 = tpu.memref_slice %arg16[%mul3A_91] : memref<12582912xf32, #tpu.memory_space<hbm>> -> memref<8192xf32, #tpu.memory_space<hbm>>
      %dma_start3A_93 = tpu.memref_slice %arg16[%mul3A_91] : memref<12582912xf32, #tpu.memory_space<hbm>> -> memref<8192xf32, #tpu.memory_space<hbm>>
      tpu.enqueue_dma source(%arg23 : memref<8192xf32, #tpu.memory_space<vmem>>) target(%dma_start3A_93 : memref<8192xf32, #tpu.memory_space<hbm>>) target_semaphore(%arg43 : memref<!tpu.dma_semaphore, #tpu.memory_space<semaphore_mem>>)
      %mul3A_94 = arith.constant 2 : i32
      %mul3A_95 = arith.muli %scan3A_30, %mul3A_94 : i32
      %add3A_96 = arith.constant 1 : i32
      %add3A_97 = arith.addi %mul3A_95, %add3A_96 : i32
      %mul3A_98 = arith.constant 3072 : i32
      %mul3A_99 = arith.muli %add3A, %mul3A_98 : i32
      %mul3A_100 = arith.constant 64 : i32
      %mul3A_101 = arith.muli %add3A_97, %mul3A_100 : i32
      %add3A_102 = arith.addi %mul3A_99, %mul3A_101 : i32
      %dma_wait3A_103 = tpu.memref_slice %arg20[%mul3A_60] : memref<3072xi32, #tpu.memory_space<vmem>> -> memref<64xi32, #tpu.memory_space<vmem>>
      %dma_wait3A_104 = arith.constant 0 : i32
      %dma_wait3A_105 = arith.constant 0 : i32
      %dma_wait3A_106 = tpu.memref_slice %arg8[%dma_wait3A_104, %dma_wait3A_105] : memref<2048x128xf32, #tpu.memory_space<hbm>> -> memref<2048x128xf32, #tpu.memory_space<hbm>>
      tpu.wait_indirect_dma semaphore(%arg40 : memref<!tpu.dma_semaphore, #tpu.memory_space<semaphore_mem>>) src(%dma_wait3A_106 : memref<2048x128xf32, #tpu.memory_space<hbm>>) dst(%arg22 : memref<64x128xf32, #tpu.memory_space<vmem>>)
      %dma_wait3A_107 = tpu.memref_slice %arg14[%mul3A_66] : memref<12582912xf32, #tpu.memory_space<hbm>> -> memref<8192xf32, #tpu.memory_space<hbm>>
      %dma_wait3A_108 = tpu.memref_slice %arg14[%mul3A_66] : memref<12582912xf32, #tpu.memory_space<hbm>> -> memref<8192xf32, #tpu.memory_space<hbm>>
      tpu.wait_dma2 semaphore(%arg42 : memref<!tpu.dma_semaphore, #tpu.memory_space<semaphore_mem>>) src(%dma_wait3A_108 : memref<8192xf32, #tpu.memory_space<hbm>>) dst(%arg24 : memref<8192xf32, #tpu.memory_space<vmem>>)
      %scan3A_109 = arith.constant 0 : i32
      %scan3A_110 = arith.constant 0 : i32
      %scan3A_111 = arith.constant 64 : i32
      %scan3A_112 = arith.addi %scan3A_110, %scan3A_111 : i32
      %scan3A_113 = arith.constant 1 : i32
      %scan3A_114 = scf.for %scan3A_125 = %scan3A_110 to %scan3A_112 step %scan3A_113 iter_args(%scan3A_126 = %scan3A_109) -> (i32)  : i32 {
        %mul3A_127 = arith.constant 128 : i32
        %mul3A_128 = arith.muli %scan3A_125, %mul3A_127 : i32
        %add3A_129 = arith.constant 0 : i32
        %add3A_130 = arith.addi %mul3A_128, %add3A_129 : i32
        %get3A = arith.index_cast %add3A_130 : i32 to index
        %get3A_131 = tpu.vector_load %arg24[%get3A] {strides = array<i32>} : memref<8192xf32, #tpu.memory_space<vmem>>, vector<16xf32>,
        %get3A_132 = arith.index_cast %scan3A_125 : i32 to index
        %get3A_133 = arith.constant 0 : index
        %get3A_134 = tpu.vector_load %arg22[%get3A_132, %get3A_133] {strides = array<i32>} : memref<64x128xf32, #tpu.memory_space<vmem>>, vector<16xf32>,
        %add3A_135 = arith.addf %get3A_131, %get3A_134 : vector<16xf32>
        %mul3A_136 = arith.constant 128 : i32
        %mul3A_137 = arith.muli %scan3A_125, %mul3A_136 : i32
        %add3A_138 = arith.constant 0 : i32
        %add3A_139 = arith.addi %mul3A_137, %add3A_138 : i32
        %swap3A = arith.index_cast %add3A_139 : i32 to index
        %swap3A_140 = tpu.vector_load %arg24[%swap3A] {strides = array<i32>} : memref<8192xf32, #tpu.memory_space<vmem>>, vector<16xf32>,
        tpu.vector_store %arg24[%swap3A], %add3A_135 {strides = array<i32>} : memref<8192xf32, #tpu.memory_space<vmem>>, vector<16xf32>,
        %mul3A_141 = arith.constant 128 : i32
        %mul3A_142 = arith.muli %scan3A_125, %mul3A_141 : i32
        %add3A_143 = arith.constant 16 : i32
        %add3A_144 = arith.addi %mul3A_142, %add3A_143 : i32
        %get3A_145 = arith.index_cast %add3A_144 : i32 to index
        %get3A_146 = tpu.vector_load %arg24[%get3A_145] {strides = array<i32>} : memref<8192xf32, #tpu.memory_space<vmem>>, vector<16xf32>,
        %get3A_147 = arith.index_cast %scan3A_125 : i32 to index
        %get3A_148 = arith.constant 16 : index
        %get3A_149 = tpu.vector_load %arg22[%get3A_147, %get3A_148] {strides = array<i32>} : memref<64x128xf32, #tpu.memory_space<vmem>>, vector<16xf32>,
        %add3A_150 = arith.addf %get3A_146, %get3A_149 : vector<16xf32>
        %mul3A_151 = arith.constant 128 : i32
        %mul3A_152 = arith.muli %scan3A_125, %mul3A_151 : i32
        %add3A_153 = arith.constant 16 : i32
        %add3A_154 = arith.addi %mul3A_152, %add3A_153 : i32
        %swap3A_155 = arith.index_cast %add3A_154 : i32 to index
        %swap3A_156 = tpu.vector_load %arg24[%swap3A_155] {strides = array<i32>} : memref<8192xf32, #tpu.memory_space<vmem>>, vector<16xf32>,
        tpu.vector_store %arg24[%swap3A_155], %add3A_150 {strides = array<i32>} : memref<8192xf32, #tpu.memory_space<vmem>>, vector<16xf32>,
        %mul3A_157 = arith.constant 128 : i32
        %mul3A_158 = arith.muli %scan3A_125, %mul3A_157 : i32
        %add3A_159 = arith.constant 32 : i32
        %add3A_160 = arith.addi %mul3A_158, %add3A_159 : i32
        %get3A_161 = arith.index_cast %add3A_160 : i32 to index
        %get3A_162 = tpu.vector_load %arg24[%get3A_161] {strides = array<i32>} : memref<8192xf32, #tpu.memory_space<vmem>>, vector<16xf32>,
        %get3A_163 = arith.index_cast %scan3A_125 : i32 to index
        %get3A_164 = arith.constant 32 : index
        %get3A_165 = tpu.vector_load %arg22[%get3A_163, %get3A_164] {strides = array<i32>} : memref<64x128xf32, #tpu.memory_space<vmem>>, vector<16xf32>,
        %add3A_166 = arith.addf %get3A_162, %get3A_165 : vector<16xf32>
        %mul3A_167 = arith.constant 128 : i32
        %mul3A_168 = arith.muli %scan3A_125, %mul3A_167 : i32
        %add3A_169 = arith.constant 32 : i32
        %add3A_170 = arith.addi %mul3A_168, %add3A_169 : i32
        %swap3A_171 = arith.index_cast %add3A_170 : i32 to index
        %swap3A_172 = tpu.vector_load %arg24[%swap3A_171] {strides = array<i32>} : memref<8192xf32, #tpu.memory_space<vmem>>, vector<16xf32>,
        tpu.vector_store %arg24[%swap3A_171], %add3A_166 {strides = array<i32>} : memref<8192xf32, #tpu.memory_space<vmem>>, vector<16xf32>,
        %mul3A_173 = arith.constant 128 : i32
        %mul3A_174 = arith.muli %scan3A_125, %mul3A_173 : i32
        %add3A_175 = arith.constant 48 : i32
        %add3A_176 = arith.addi %mul3A_174, %add3A_175 : i32
        %get3A_177 = arith.index_cast %add3A_176 : i32 to index
        %get3A_178 = tpu.vector_load %arg24[%get3A_177] {strides = array<i32>} : memref<8192xf32, #tpu.memory_space<vmem>>, vector<16xf32>,
        %get3A_179 = arith.index_cast %scan3A_125 : i32 to index
        %get3A_180 = arith.constant 48 : index
        %get3A_181 = tpu.vector_load %arg22[%get3A_179, %get3A_180] {strides = array<i32>} : memref<64x128xf32, #tpu.memory_space<vmem>>, vector<16xf32>,
        %add3A_182 = arith.addf %get3A_178, %get3A_181 : vector<16xf32>
        %mul3A_183 = arith.constant 128 : i32
        %mul3A_184 = arith.muli %scan3A_125, %mul3A_183 : i32
        %add3A_185 = arith.constant 48 : i32
        %add3A_186 = arith.addi %mul3A_184, %add3A_185 : i32
        %swap3A_187 = arith.index_cast %add3A_186 : i32 to index
        %swap3A_188 = tpu.vector_load %arg24[%swap3A_187] {strides = array<i32>} : memref<8192xf32, #tpu.memory_space<vmem>>, vector<16xf32>,
        tpu.vector_store %arg24[%swap3A_187], %add3A_182 {strides = array<i32>} : memref<8192xf32, #tpu.memory_space<vmem>>, vector<16xf32>,
        %mul3A_189 = arith.constant 128 : i32
        %mul3A_190 = arith.muli %scan3A_125, %mul3A_189 : i32
        %add3A_191 = arith.constant 64 : i32
        %add3A_192 = arith.addi %mul3A_190, %add3A_191 : i32
        %get3A_193 = arith.index_cast %add3A_192 : i32 to index
        %get3A_194 = tpu.vector_load %arg24[%get3A_193] {strides = array<i32>} : memref<8192xf32, #tpu.memory_space<vmem>>, vector<16xf32>,
        %get3A_195 = arith.index_cast %scan3A_125 : i32 to index
        %get3A_196 = arith.constant 64 : index
        %get3A_197 = tpu.vector_load %arg22[%get3A_195, %get3A_196] {strides = array<i32>} : memref<64x128xf32, #tpu.memory_space<vmem>>, vector<16xf32>,
        %add3A_198 = arith.addf %get3A_194, %get3A_197 : vector<16xf32>
        %mul3A_199 = arith.constant 128 : i32
        %mul3A_200 = arith.muli %scan3A_125, %mul3A_199 : i32
        %add3A_201 = arith.constant 64 : i32
        %add3A_202 = arith.addi %mul3A_200, %add3A_201 : i32
        %swap3A_203 = arith.index_cast %add3A_202 : i32 to index
        %swap3A_204 = tpu.vector_load %arg24[%swap3A_203] {strides = array<i32>} : memref<8192xf32, #tpu.memory_space<vmem>>, vector<16xf32>,
        tpu.vector_store %arg24[%swap3A_203], %add3A_198 {strides = array<i32>} : memref<8192xf32, #tpu.memory_space<vmem>>, vector<16xf32>,
        %mul3A_205 = arith.constant 128 : i32
        %mul3A_206 = arith.muli %scan3A_125, %mul3A_205 : i32
        %add3A_207 = arith.constant 80 : i32
        %add3A_208 = arith.addi %mul3A_206, %add3A_207 : i32
        %get3A_209 = arith.index_cast %add3A_208 : i32 to index
        %get3A_210 = tpu.vector_load %arg24[%get3A_209] {strides = array<i32>} : memref<8192xf32, #tpu.memory_space<vmem>>, vector<16xf32>,
        %get3A_211 = arith.index_cast %scan3A_125 : i32 to index
        %get3A_212 = arith.constant 80 : index
        %get3A_213 = tpu.vector_load %arg22[%get3A_211, %get3A_212] {strides = array<i32>} : memref<64x128xf32, #tpu.memory_space<vmem>>, vector<16xf32>,
        %add3A_214 = arith.addf %get3A_210, %get3A_213 : vector<16xf32>
        %mul3A_215 = arith.constant 128 : i32
        %mul3A_216 = arith.muli %scan3A_125, %mul3A_215 : i32
        %add3A_217 = arith.constant 80 : i32
        %add3A_218 = arith.addi %mul3A_216, %add3A_217 : i32
        %swap3A_219 = arith.index_cast %add3A_218 : i32 to index
        %swap3A_220 = tpu.vector_load %arg24[%swap3A_219] {strides = array<i32>} : memref<8192xf32, #tpu.memory_space<vmem>>, vector<16xf32>,
        tpu.vector_store %arg24[%swap3A_219], %add3A_214 {strides = array<i32>} : memref<8192xf32, #tpu.memory_space<vmem>>, vector<16xf32>,
        %mul3A_221 = arith.constant 128 : i32
        %mul3A_222 = arith.muli %scan3A_125, %mul3A_221 : i32
        %add3A_223 = arith.constant 96 : i32
        %add3A_224 = arith.addi %mul3A_222, %add3A_223 : i32
        %get3A_225 = arith.index_cast %add3A_224 : i32 to index
        %get3A_226 = tpu.vector_load %arg24[%get3A_225] {strides = array<i32>} : memref<8192xf32, #tpu.memory_space<vmem>>, vector<16xf32>,
        %get3A_227 = arith.index_cast %scan3A_125 : i32 to index
        %get3A_228 = arith.constant 96 : index
        %get3A_229 = tpu.vector_load %arg22[%get3A_227, %get3A_228] {strides = array<i32>} : memref<64x128xf32, #tpu.memory_space<vmem>>, vector<16xf32>,
        %add3A_230 = arith.addf %get3A_226, %get3A_229 : vector<16xf32>
        %mul3A_231 = arith.constant 128 : i32
        %mul3A_232 = arith.muli %scan3A_125, %mul3A_231 : i32
        %add3A_233 = arith.constant 96 : i32
        %add3A_234 = arith.addi %mul3A_232, %add3A_233 : i32
        %swap3A_235 = arith.index_cast %add3A_234 : i32 to index
        %swap3A_236 = tpu.vector_load %arg24[%swap3A_235] {strides = array<i32>} : memref<8192xf32, #tpu.memory_space<vmem>>, vector<16xf32>,
        tpu.vector_store %arg24[%swap3A_235], %add3A_230 {strides = array<i32>} : memref<8192xf32, #tpu.memory_space<vmem>>, vector<16xf32>,
        %mul3A_237 = arith.constant 128 : i32
        %mul3A_238 = arith.muli %scan3A_125, %mul3A_237 : i32
        %add3A_239 = arith.constant 112 : i32
        %add3A_240 = arith.addi %mul3A_238, %add3A_239 : i32
        %get3A_241 = arith.index_cast %add3A_240 : i32 to index
        %get3A_242 = tpu.vector_load %arg24[%get3A_241] {strides = array<i32>} : memref<8192xf32, #tpu.memory_space<vmem>>, vector<16xf32>,
        %get3A_243 = arith.index_cast %scan3A_125 : i32 to index
        %get3A_244 = arith.constant 112 : index
        %get3A_245 = tpu.vector_load %arg22[%get3A_243, %get3A_244] {strides = array<i32>} : memref<64x128xf32, #tpu.memory_space<vmem>>, vector<16xf32>,
        %add3A_246 = arith.addf %get3A_242, %get3A_245 : vector<16xf32>
        %mul3A_247 = arith.constant 128 : i32
        %mul3A_248 = arith.muli %scan3A_125, %mul3A_247 : i32
        %add3A_249 = arith.constant 112 : i32
        %add3A_250 = arith.addi %mul3A_248, %add3A_249 : i32
        %swap3A_251 = arith.index_cast %add3A_250 : i32 to index
        %swap3A_252 = tpu.vector_load %arg24[%swap3A_251] {strides = array<i32>} : memref<8192xf32, #tpu.memory_space<vmem>>, vector<16xf32>,
        tpu.vector_store %arg24[%swap3A_251], %add3A_246 {strides = array<i32>} : memref<8192xf32, #tpu.memory_space<vmem>>, vector<16xf32>,
        %scan3A_253 = arith.constant 0 : i32
        scf.yield %scan3A_253 : i32
      }
      %scan3A_115 = arith.constant 64 : i32
      %mul3A_116 = arith.constant 128 : i32
      %mul3A_117 = arith.muli %add3A_102, %mul3A_116 : i32
      %dma_start3A_118 = tpu.memref_slice %arg16[%mul3A_117] : memref<12582912xf32, #tpu.memory_space<hbm>> -> memref<8192xf32, #tpu.memory_space<hbm>>
      %dma_start3A_119 = tpu.memref_slice %arg16[%mul3A_117] : memref<12582912xf32, #tpu.memory_space<hbm>> -> memref<8192xf32, #tpu.memory_space<hbm>>
      tpu.enqueue_dma source(%arg24 : memref<8192xf32, #tpu.memory_space<vmem>>) target(%dma_start3A_119 : memref<8192xf32, #tpu.memory_space<hbm>>) target_semaphore(%arg44 : memref<!tpu.dma_semaphore, #tpu.memory_space<semaphore_mem>>)
      %dma_wait3A_120 = tpu.memref_slice %arg16[%mul3A_91] : memref<12582912xf32, #tpu.memory_space<hbm>> -> memref<8192xf32, #tpu.memory_space<hbm>>
      %dma_wait3A_121 = tpu.memref_slice %arg16[%mul3A_91] : memref<12582912xf32, #tpu.memory_space<hbm>> -> memref<8192xf32, #tpu.memory_space<hbm>>
      tpu.wait_dma2 semaphore(%arg43 : memref<!tpu.dma_semaphore, #tpu.memory_space<semaphore_mem>>) src(%arg23 : memref<8192xf32, #tpu.memory_space<vmem>>) dst(%dma_wait3A_121 : memref<8192xf32, #tpu.memory_space<hbm>>)
      %dma_wait3A_122 = tpu.memref_slice %arg16[%mul3A_117] : memref<12582912xf32, #tpu.memory_space<hbm>> -> memref<8192xf32, #tpu.memory_space<hbm>>
      %dma_wait3A_123 = tpu.memref_slice %arg16[%mul3A_117] : memref<12582912xf32, #tpu.memory_space<hbm>> -> memref<8192xf32, #tpu.memory_space<hbm>>
      tpu.wait_dma2 semaphore(%arg44 : memref<!tpu.dma_semaphore, #tpu.memory_space<semaphore_mem>>) src(%arg24 : memref<8192xf32, #tpu.memory_space<vmem>>) dst(%dma_wait3A_123 : memref<8192xf32, #tpu.memory_space<hbm>>)
      %scan3A_124 = arith.constant 0 : i32
      scf.yield %scan3A_124 : i32
    }
    %scan3A_8 = arith.constant 24 : i32
    %scan3A_9 = arith.constant 0 : i32
    %scan3A_10 = arith.constant 0 : i32
    %scan3A_11 = arith.constant 96 : i32
    %scan3A_12 = arith.addi %scan3A_10, %scan3A_11 : i32
    %scan3A_13 = arith.constant 1 : i32
    %scan3A_14 = scf.for %scan3A_30 = %scan3A_10 to %scan3A_12 step %scan3A_13 iter_args(%scan3A_31 = %scan3A_9) -> (i32)  : i32 {
      %mul3A_32 = arith.constant 2 : i32
      %mul3A_33 = arith.muli %scan3A_30, %mul3A_32 : i32
      %add3A_34 = arith.constant 0 : i32
      %add3A_35 = arith.addi %mul3A_33, %add3A_34 : i32
      %mul3A_36 = arith.constant 12288 : i32
      %mul3A_37 = arith.muli %add3A, %mul3A_36 : i32
      %mul3A_38 = arith.constant 64 : i32
      %mul3A_39 = arith.muli %add3A_35, %mul3A_38 : i32
      %add3A_40 = arith.addi %mul3A_37, %mul3A_39 : i32
      "tpu.region"() ({
        %run_scoped3A = tpu.sem_alloc : memref<!tpu.dma_semaphore, #tpu.memory_space<semaphore_mem>>
        %dma_start3A_117 = tpu.memref_slice %arg3[%add3A_40] : memref<393216xi32, #tpu.memory_space<hbm>> -> memref<64xi32, #tpu.memory_space<hbm>>
        %dma_start3A_118 = tpu.memref_slice %arg3[%add3A_40] : memref<393216xi32, #tpu.memory_space<hbm>> -> memref<64xi32, #tpu.memory_space<hbm>>
        tpu.enqueue_dma source(%dma_start3A_118 : memref<64xi32, #tpu.memory_space<hbm>>) target(%arg35 : memref<64xi32, #tpu.memory_space<vmem>>) target_semaphore(%run_scoped3A : memref<!tpu.dma_semaphore, #tpu.memory_space<semaphore_mem>>)
        %dma_wait3A_119 = tpu.memref_slice %arg3[%add3A_40] : memref<393216xi32, #tpu.memory_space<hbm>> -> memref<64xi32, #tpu.memory_space<hbm>>
        %dma_wait3A_120 = tpu.memref_slice %arg3[%add3A_40] : memref<393216xi32, #tpu.memory_space<hbm>> -> memref<64xi32, #tpu.memory_space<hbm>>
        tpu.wait_dma2 semaphore(%run_scoped3A : memref<!tpu.dma_semaphore, #tpu.memory_space<semaphore_mem>>) src(%dma_wait3A_120 : memref<64xi32, #tpu.memory_space<hbm>>) dst(%arg35 : memref<64xi32, #tpu.memory_space<vmem>>)
        tpu.yield
      }) : () -> ()
      %dma_start3A = arith.constant 0 : i32
      %dma_start3A_41 = arith.constant 0 : i32
      %dma_start3A_42 = tpu.memref_slice %arg9[%dma_start3A, %dma_start3A_41] : memref<1024x64xf32, #tpu.memory_space<hbm>> -> memref<1024x64xf32, #tpu.memory_space<hbm>>
      tpu.enqueue_indirect_dma source(%dma_start3A_42 : memref<1024x64xf32, #tpu.memory_space<hbm>>) target(%arg25 : memref<64x64xf32, #tpu.memory_space<vmem>>) offsets(%arg35 : memref<64xi32, #tpu.memory_space<vmem>>) semaphore(%arg39 : memref<!tpu.dma_semaphore, #tpu.memory_space<semaphore_mem>>)
      %mul3A_43 = arith.constant 64 : i32
      %mul3A_44 = arith.muli %add3A_40, %mul3A_43 : i32
      %dma_start3A_45 = tpu.memref_slice %arg15[%mul3A_44] : memref<25165824xf32, #tpu.memory_space<hbm>> -> memref<4096xf32, #tpu.memory_space<hbm>>
      %dma_start3A_46 = tpu.memref_slice %arg15[%mul3A_44] : memref<25165824xf32, #tpu.memory_space<hbm>> -> memref<4096xf32, #tpu.memory_space<hbm>>
      tpu.enqueue_dma source(%dma_start3A_46 : memref<4096xf32, #tpu.memory_space<hbm>>) target(%arg27 : memref<4096xf32, #tpu.memory_space<vmem>>) target_semaphore(%arg41 : memref<!tpu.dma_semaphore, #tpu.memory_space<semaphore_mem>>)
      %mul3A_47 = arith.constant 2 : i32
      %mul3A_48 = arith.muli %scan3A_30, %mul3A_47 : i32
      %add3A_49 = arith.constant 1 : i32
      %add3A_50 = arith.addi %mul3A_48, %add3A_49 : i32
      %mul3A_51 = arith.constant 12288 : i32
      %mul3A_52 = arith.muli %add3A, %mul3A_51 : i32
      %mul3A_53 = arith.constant 64 : i32
      %mul3A_54 = arith.muli %add3A_50, %mul3A_53 : i32
      %add3A_55 = arith.addi %mul3A_52, %mul3A_54 : i32
      "tpu.region"() ({
        %run_scoped3A = tpu.sem_alloc : memref<!tpu.dma_semaphore, #tpu.memory_space<semaphore_mem>>
        %dma_start3A_117 = tpu.memref_slice %arg3[%add3A_55] : memref<393216xi32, #tpu.memory_space<hbm>> -> memref<64xi32, #tpu.memory_space<hbm>>
        %dma_start3A_118 = tpu.memref_slice %arg3[%add3A_55] : memref<393216xi32, #tpu.memory_space<hbm>> -> memref<64xi32, #tpu.memory_space<hbm>>
        tpu.enqueue_dma source(%dma_start3A_118 : memref<64xi32, #tpu.memory_space<hbm>>) target(%arg36 : memref<64xi32, #tpu.memory_space<vmem>>) target_semaphore(%run_scoped3A : memref<!tpu.dma_semaphore, #tpu.memory_space<semaphore_mem>>)
        %dma_wait3A_119 = tpu.memref_slice %arg3[%add3A_55] : memref<393216xi32, #tpu.memory_space<hbm>> -> memref<64xi32, #tpu.memory_space<hbm>>
        %dma_wait3A_120 = tpu.memref_slice %arg3[%add3A_55] : memref<393216xi32, #tpu.memory_space<hbm>> -> memref<64xi32, #tpu.memory_space<hbm>>
        tpu.wait_dma2 semaphore(%run_scoped3A : memref<!tpu.dma_semaphore, #tpu.memory_space<semaphore_mem>>) src(%dma_wait3A_120 : memref<64xi32, #tpu.memory_space<hbm>>) dst(%arg36 : memref<64xi32, #tpu.memory_space<vmem>>)
        tpu.yield
      }) : () -> ()
      %dma_start3A_56 = arith.constant 0 : i32
      %dma_start3A_57 = arith.constant 0 : i32
      %dma_start3A_58 = tpu.memref_slice %arg9[%dma_start3A_56, %dma_start3A_57] : memref<1024x64xf32, #tpu.memory_space<hbm>> -> memref<1024x64xf32, #tpu.memory_space<hbm>>
      tpu.enqueue_indirect_dma source(%dma_start3A_58 : memref<1024x64xf32, #tpu.memory_space<hbm>>) target(%arg26 : memref<64x64xf32, #tpu.memory_space<vmem>>) offsets(%arg36 : memref<64xi32, #tpu.memory_space<vmem>>) semaphore(%arg40 : memref<!tpu.dma_semaphore, #tpu.memory_space<semaphore_mem>>)
      %mul3A_59 = arith.constant 64 : i32
      %mul3A_60 = arith.muli %add3A_55, %mul3A_59 : i32
      %dma_start3A_61 = tpu.memref_slice %arg15[%mul3A_60] : memref<25165824xf32, #tpu.memory_space<hbm>> -> memref<4096xf32, #tpu.memory_space<hbm>>
      %dma_start3A_62 = tpu.memref_slice %arg15[%mul3A_60] : memref<25165824xf32, #tpu.memory_space<hbm>> -> memref<4096xf32, #tpu.memory_space<hbm>>
      tpu.enqueue_dma source(%dma_start3A_62 : memref<4096xf32, #tpu.memory_space<hbm>>) target(%arg28 : memref<4096xf32, #tpu.memory_space<vmem>>) target_semaphore(%arg42 : memref<!tpu.dma_semaphore, #tpu.memory_space<semaphore_mem>>)
      %mul3A_63 = arith.constant 2 : i32
      %mul3A_64 = arith.muli %scan3A_30, %mul3A_63 : i32
      %add3A_65 = arith.constant 0 : i32
      %add3A_66 = arith.addi %mul3A_64, %add3A_65 : i32
      %mul3A_67 = arith.constant 12288 : i32
      %mul3A_68 = arith.muli %add3A, %mul3A_67 : i32
      %mul3A_69 = arith.constant 64 : i32
      %mul3A_70 = arith.muli %add3A_66, %mul3A_69 : i32
      %add3A_71 = arith.addi %mul3A_68, %mul3A_70 : i32
      %dma_wait3A = arith.constant 0 : i32
      %dma_wait3A_72 = arith.constant 0 : i32
      %dma_wait3A_73 = tpu.memref_slice %arg9[%dma_wait3A, %dma_wait3A_72] : memref<1024x64xf32, #tpu.memory_space<hbm>> -> memref<1024x64xf32, #tpu.memory_space<hbm>>
      tpu.wait_indirect_dma semaphore(%arg39 : memref<!tpu.dma_semaphore, #tpu.memory_space<semaphore_mem>>) src(%dma_wait3A_73 : memref<1024x64xf32, #tpu.memory_space<hbm>>) dst(%arg25 : memref<64x64xf32, #tpu.memory_space<vmem>>)
      %dma_wait3A_74 = tpu.memref_slice %arg15[%mul3A_44] : memref<25165824xf32, #tpu.memory_space<hbm>> -> memref<4096xf32, #tpu.memory_space<hbm>>
      %dma_wait3A_75 = tpu.memref_slice %arg15[%mul3A_44] : memref<25165824xf32, #tpu.memory_space<hbm>> -> memref<4096xf32, #tpu.memory_space<hbm>>
      tpu.wait_dma2 semaphore(%arg41 : memref<!tpu.dma_semaphore, #tpu.memory_space<semaphore_mem>>) src(%dma_wait3A_75 : memref<4096xf32, #tpu.memory_space<hbm>>) dst(%arg27 : memref<4096xf32, #tpu.memory_space<vmem>>)
      %scan3A_76 = arith.constant 0 : i32
      %scan3A_77 = arith.constant 0 : i32
      %scan3A_78 = arith.constant 64 : i32
      %scan3A_79 = arith.addi %scan3A_77, %scan3A_78 : i32
      %scan3A_80 = arith.constant 1 : i32
      %scan3A_81 = scf.for %scan3A_117 = %scan3A_77 to %scan3A_79 step %scan3A_80 iter_args(%scan3A_118 = %scan3A_76) -> (i32)  : i32 {
        %mul3A_119 = arith.constant 64 : i32
        %mul3A_120 = arith.muli %scan3A_117, %mul3A_119 : i32
        %add3A_121 = arith.constant 0 : i32
        %add3A_122 = arith.addi %mul3A_120, %add3A_121 : i32
        %get3A = arith.index_cast %add3A_122 : i32 to index
        %get3A_123 = tpu.vector_load %arg27[%get3A] {strides = array<i32>} : memref<4096xf32, #tpu.memory_space<vmem>>, vector<16xf32>,
        %get3A_124 = arith.index_cast %scan3A_117 : i32 to index
        %get3A_125 = arith.constant 0 : index
        %get3A_126 = tpu.vector_load %arg25[%get3A_124, %get3A_125] {strides = array<i32>} : memref<64x64xf32, #tpu.memory_space<vmem>>, vector<16xf32>,
        %add3A_127 = arith.addf %get3A_123, %get3A_126 : vector<16xf32>
        %mul3A_128 = arith.constant 64 : i32
        %mul3A_129 = arith.muli %scan3A_117, %mul3A_128 : i32
        %add3A_130 = arith.constant 0 : i32
        %add3A_131 = arith.addi %mul3A_129, %add3A_130 : i32
        %swap3A = arith.index_cast %add3A_131 : i32 to index
        %swap3A_132 = tpu.vector_load %arg27[%swap3A] {strides = array<i32>} : memref<4096xf32, #tpu.memory_space<vmem>>, vector<16xf32>,
        tpu.vector_store %arg27[%swap3A], %add3A_127 {strides = array<i32>} : memref<4096xf32, #tpu.memory_space<vmem>>, vector<16xf32>,
        %mul3A_133 = arith.constant 64 : i32
        %mul3A_134 = arith.muli %scan3A_117, %mul3A_133 : i32
        %add3A_135 = arith.constant 16 : i32
        %add3A_136 = arith.addi %mul3A_134, %add3A_135 : i32
        %get3A_137 = arith.index_cast %add3A_136 : i32 to index
        %get3A_138 = tpu.vector_load %arg27[%get3A_137] {strides = array<i32>} : memref<4096xf32, #tpu.memory_space<vmem>>, vector<16xf32>,
        %get3A_139 = arith.index_cast %scan3A_117 : i32 to index
        %get3A_140 = arith.constant 16 : index
        %get3A_141 = tpu.vector_load %arg25[%get3A_139, %get3A_140] {strides = array<i32>} : memref<64x64xf32, #tpu.memory_space<vmem>>, vector<16xf32>,
        %add3A_142 = arith.addf %get3A_138, %get3A_141 : vector<16xf32>
        %mul3A_143 = arith.constant 64 : i32
        %mul3A_144 = arith.muli %scan3A_117, %mul3A_143 : i32
        %add3A_145 = arith.constant 16 : i32
        %add3A_146 = arith.addi %mul3A_144, %add3A_145 : i32
        %swap3A_147 = arith.index_cast %add3A_146 : i32 to index
        %swap3A_148 = tpu.vector_load %arg27[%swap3A_147] {strides = array<i32>} : memref<4096xf32, #tpu.memory_space<vmem>>, vector<16xf32>,
        tpu.vector_store %arg27[%swap3A_147], %add3A_142 {strides = array<i32>} : memref<4096xf32, #tpu.memory_space<vmem>>, vector<16xf32>,
        %mul3A_149 = arith.constant 64 : i32
        %mul3A_150 = arith.muli %scan3A_117, %mul3A_149 : i32
        %add3A_151 = arith.constant 32 : i32
        %add3A_152 = arith.addi %mul3A_150, %add3A_151 : i32
        %get3A_153 = arith.index_cast %add3A_152 : i32 to index
        %get3A_154 = tpu.vector_load %arg27[%get3A_153] {strides = array<i32>} : memref<4096xf32, #tpu.memory_space<vmem>>, vector<16xf32>,
        %get3A_155 = arith.index_cast %scan3A_117 : i32 to index
        %get3A_156 = arith.constant 32 : index
        %get3A_157 = tpu.vector_load %arg25[%get3A_155, %get3A_156] {strides = array<i32>} : memref<64x64xf32, #tpu.memory_space<vmem>>, vector<16xf32>,
        %add3A_158 = arith.addf %get3A_154, %get3A_157 : vector<16xf32>
        %mul3A_159 = arith.constant 64 : i32
        %mul3A_160 = arith.muli %scan3A_117, %mul3A_159 : i32
        %add3A_161 = arith.constant 32 : i32
        %add3A_162 = arith.addi %mul3A_160, %add3A_161 : i32
        %swap3A_163 = arith.index_cast %add3A_162 : i32 to index
        %swap3A_164 = tpu.vector_load %arg27[%swap3A_163] {strides = array<i32>} : memref<4096xf32, #tpu.memory_space<vmem>>, vector<16xf32>,
        tpu.vector_store %arg27[%swap3A_163], %add3A_158 {strides = array<i32>} : memref<4096xf32, #tpu.memory_space<vmem>>, vector<16xf32>,
        %mul3A_165 = arith.constant 64 : i32
        %mul3A_166 = arith.muli %scan3A_117, %mul3A_165 : i32
        %add3A_167 = arith.constant 48 : i32
        %add3A_168 = arith.addi %mul3A_166, %add3A_167 : i32
        %get3A_169 = arith.index_cast %add3A_168 : i32 to index
        %get3A_170 = tpu.vector_load %arg27[%get3A_169] {strides = array<i32>} : memref<4096xf32, #tpu.memory_space<vmem>>, vector<16xf32>,
        %get3A_171 = arith.index_cast %scan3A_117 : i32 to index
        %get3A_172 = arith.constant 48 : index
        %get3A_173 = tpu.vector_load %arg25[%get3A_171, %get3A_172] {strides = array<i32>} : memref<64x64xf32, #tpu.memory_space<vmem>>, vector<16xf32>,
        %add3A_174 = arith.addf %get3A_170, %get3A_173 : vector<16xf32>
        %mul3A_175 = arith.constant 64 : i32
        %mul3A_176 = arith.muli %scan3A_117, %mul3A_175 : i32
        %add3A_177 = arith.constant 48 : i32
        %add3A_178 = arith.addi %mul3A_176, %add3A_177 : i32
        %swap3A_179 = arith.index_cast %add3A_178 : i32 to index
        %swap3A_180 = tpu.vector_load %arg27[%swap3A_179] {strides = array<i32>} : memref<4096xf32, #tpu.memory_space<vmem>>, vector<16xf32>,
        tpu.vector_store %arg27[%swap3A_179], %add3A_174 {strides = array<i32>} : memref<4096xf32, #tpu.memory_space<vmem>>, vector<16xf32>,
        %scan3A_181 = arith.constant 0 : i32
        scf.yield %scan3A_181 : i32
      }
      %scan3A_82 = arith.constant 64 : i32
      %mul3A_83 = arith.constant 64 : i32
      %mul3A_84 = arith.muli %add3A_71, %mul3A_83 : i32
      %dma_start3A_85 = tpu.memref_slice %arg17[%mul3A_84] : memref<25165824xf32, #tpu.memory_space<hbm>> -> memref<4096xf32, #tpu.memory_space<hbm>>
      %dma_start3A_86 = tpu.memref_slice %arg17[%mul3A_84] : memref<25165824xf32, #tpu.memory_space<hbm>> -> memref<4096xf32, #tpu.memory_space<hbm>>
      tpu.enqueue_dma source(%arg27 : memref<4096xf32, #tpu.memory_space<vmem>>) target(%dma_start3A_86 : memref<4096xf32, #tpu.memory_space<hbm>>) target_semaphore(%arg43 : memref<!tpu.dma_semaphore, #tpu.memory_space<semaphore_mem>>)
      %mul3A_87 = arith.constant 2 : i32
      %mul3A_88 = arith.muli %scan3A_30, %mul3A_87 : i32
      %add3A_89 = arith.constant 1 : i32
      %add3A_90 = arith.addi %mul3A_88, %add3A_89 : i32
      %mul3A_91 = arith.constant 12288 : i32
      %mul3A_92 = arith.muli %add3A, %mul3A_91 : i32
      %mul3A_93 = arith.constant 64 : i32
      %mul3A_94 = arith.muli %add3A_90, %mul3A_93 : i32
      %add3A_95 = arith.addi %mul3A_92, %mul3A_94 : i32
      %dma_wait3A_96 = arith.constant 0 : i32
      %dma_wait3A_97 = arith.constant 0 : i32
      %dma_wait3A_98 = tpu.memref_slice %arg9[%dma_wait3A_96, %dma_wait3A_97] : memref<1024x64xf32, #tpu.memory_space<hbm>> -> memref<1024x64xf32, #tpu.memory_space<hbm>>
      tpu.wait_indirect_dma semaphore(%arg40 : memref<!tpu.dma_semaphore, #tpu.memory_space<semaphore_mem>>) src(%dma_wait3A_98 : memref<1024x64xf32, #tpu.memory_space<hbm>>) dst(%arg26 : memref<64x64xf32, #tpu.memory_space<vmem>>)
      %dma_wait3A_99 = tpu.memref_slice %arg15[%mul3A_60] : memref<25165824xf32, #tpu.memory_space<hbm>> -> memref<4096xf32, #tpu.memory_space<hbm>>
      %dma_wait3A_100 = tpu.memref_slice %arg15[%mul3A_60] : memref<25165824xf32, #tpu.memory_space<hbm>> -> memref<4096xf32, #tpu.memory_space<hbm>>
      tpu.wait_dma2 semaphore(%arg42 : memref<!tpu.dma_semaphore, #tpu.memory_space<semaphore_mem>>) src(%dma_wait3A_100 : memref<4096xf32, #tpu.memory_space<hbm>>) dst(%arg28 : memref<4096xf32, #tpu.memory_space<vmem>>)
      %scan3A_101 = arith.constant 0 : i32
      %scan3A_102 = arith.constant 0 : i32
      %scan3A_103 = arith.constant 64 : i32
      %scan3A_104 = arith.addi %scan3A_102, %scan3A_103 : i32
      %scan3A_105 = arith.constant 1 : i32
      %scan3A_106 = scf.for %scan3A_117 = %scan3A_102 to %scan3A_104 step %scan3A_105 iter_args(%scan3A_118 = %scan3A_101) -> (i32)  : i32 {
        %mul3A_119 = arith.constant 64 : i32
        %mul3A_120 = arith.muli %scan3A_117, %mul3A_119 : i32
        %add3A_121 = arith.constant 0 : i32
        %add3A_122 = arith.addi %mul3A_120, %add3A_121 : i32
        %get3A = arith.index_cast %add3A_122 : i32 to index
        %get3A_123 = tpu.vector_load %arg28[%get3A] {strides = array<i32>} : memref<4096xf32, #tpu.memory_space<vmem>>, vector<16xf32>,
        %get3A_124 = arith.index_cast %scan3A_117 : i32 to index
        %get3A_125 = arith.constant 0 : index
        %get3A_126 = tpu.vector_load %arg26[%get3A_124, %get3A_125] {strides = array<i32>} : memref<64x64xf32, #tpu.memory_space<vmem>>, vector<16xf32>,
        %add3A_127 = arith.addf %get3A_123, %get3A_126 : vector<16xf32>
        %mul3A_128 = arith.constant 64 : i32
        %mul3A_129 = arith.muli %scan3A_117, %mul3A_128 : i32
        %add3A_130 = arith.constant 0 : i32
        %add3A_131 = arith.addi %mul3A_129, %add3A_130 : i32
        %swap3A = arith.index_cast %add3A_131 : i32 to index
        %swap3A_132 = tpu.vector_load %arg28[%swap3A] {strides = array<i32>} : memref<4096xf32, #tpu.memory_space<vmem>>, vector<16xf32>,
        tpu.vector_store %arg28[%swap3A], %add3A_127 {strides = array<i32>} : memref<4096xf32, #tpu.memory_space<vmem>>, vector<16xf32>,
        %mul3A_133 = arith.constant 64 : i32
        %mul3A_134 = arith.muli %scan3A_117, %mul3A_133 : i32
        %add3A_135 = arith.constant 16 : i32
        %add3A_136 = arith.addi %mul3A_134, %add3A_135 : i32
        %get3A_137 = arith.index_cast %add3A_136 : i32 to index
        %get3A_138 = tpu.vector_load %arg28[%get3A_137] {strides = array<i32>} : memref<4096xf32, #tpu.memory_space<vmem>>, vector<16xf32>,
        %get3A_139 = arith.index_cast %scan3A_117 : i32 to index
        %get3A_140 = arith.constant 16 : index
        %get3A_141 = tpu.vector_load %arg26[%get3A_139, %get3A_140] {strides = array<i32>} : memref<64x64xf32, #tpu.memory_space<vmem>>, vector<16xf32>,
        %add3A_142 = arith.addf %get3A_138, %get3A_141 : vector<16xf32>
        %mul3A_143 = arith.constant 64 : i32
        %mul3A_144 = arith.muli %scan3A_117, %mul3A_143 : i32
        %add3A_145 = arith.constant 16 : i32
        %add3A_146 = arith.addi %mul3A_144, %add3A_145 : i32
        %swap3A_147 = arith.index_cast %add3A_146 : i32 to index
        %swap3A_148 = tpu.vector_load %arg28[%swap3A_147] {strides = array<i32>} : memref<4096xf32, #tpu.memory_space<vmem>>, vector<16xf32>,
        tpu.vector_store %arg28[%swap3A_147], %add3A_142 {strides = array<i32>} : memref<4096xf32, #tpu.memory_space<vmem>>, vector<16xf32>,
        %mul3A_149 = arith.constant 64 : i32
        %mul3A_150 = arith.muli %scan3A_117, %mul3A_149 : i32
        %add3A_151 = arith.constant 32 : i32
        %add3A_152 = arith.addi %mul3A_150, %add3A_151 : i32
        %get3A_153 = arith.index_cast %add3A_152 : i32 to index
        %get3A_154 = tpu.vector_load %arg28[%get3A_153] {strides = array<i32>} : memref<4096xf32, #tpu.memory_space<vmem>>, vector<16xf32>,
        %get3A_155 = arith.index_cast %scan3A_117 : i32 to index
        %get3A_156 = arith.constant 32 : index
        %get3A_157 = tpu.vector_load %arg26[%get3A_155, %get3A_156] {strides = array<i32>} : memref<64x64xf32, #tpu.memory_space<vmem>>, vector<16xf32>,
        %add3A_158 = arith.addf %get3A_154, %get3A_157 : vector<16xf32>
        %mul3A_159 = arith.constant 64 : i32
        %mul3A_160 = arith.muli %scan3A_117, %mul3A_159 : i32
        %add3A_161 = arith.constant 32 : i32
        %add3A_162 = arith.addi %mul3A_160, %add3A_161 : i32
        %swap3A_163 = arith.index_cast %add3A_162 : i32 to index
        %swap3A_164 = tpu.vector_load %arg28[%swap3A_163] {strides = array<i32>} : memref<4096xf32, #tpu.memory_space<vmem>>, vector<16xf32>,
        tpu.vector_store %arg28[%swap3A_163], %add3A_158 {strides = array<i32>} : memref<4096xf32, #tpu.memory_space<vmem>>, vector<16xf32>,
        %mul3A_165 = arith.constant 64 : i32
        %mul3A_166 = arith.muli %scan3A_117, %mul3A_165 : i32
        %add3A_167 = arith.constant 48 : i32
        %add3A_168 = arith.addi %mul3A_166, %add3A_167 : i32
        %get3A_169 = arith.index_cast %add3A_168 : i32 to index
        %get3A_170 = tpu.vector_load %arg28[%get3A_169] {strides = array<i32>} : memref<4096xf32, #tpu.memory_space<vmem>>, vector<16xf32>,
        %get3A_171 = arith.index_cast %scan3A_117 : i32 to index
        %get3A_172 = arith.constant 48 : index
        %get3A_173 = tpu.vector_load %arg26[%get3A_171, %get3A_172] {strides = array<i32>} : memref<64x64xf32, #tpu.memory_space<vmem>>, vector<16xf32>,
        %add3A_174 = arith.addf %get3A_170, %get3A_173 : vector<16xf32>
        %mul3A_175 = arith.constant 64 : i32
        %mul3A_176 = arith.muli %scan3A_117, %mul3A_175 : i32
        %add3A_177 = arith.constant 48 : i32
        %add3A_178 = arith.addi %mul3A_176, %add3A_177 : i32
        %swap3A_179 = arith.index_cast %add3A_178 : i32 to index
        %swap3A_180 = tpu.vector_load %arg28[%swap3A_179] {strides = array<i32>} : memref<4096xf32, #tpu.memory_space<vmem>>, vector<16xf32>,
        tpu.vector_store %arg28[%swap3A_179], %add3A_174 {strides = array<i32>} : memref<4096xf32, #tpu.memory_space<vmem>>, vector<16xf32>,
        %scan3A_181 = arith.constant 0 : i32
        scf.yield %scan3A_181 : i32
      }
      %scan3A_107 = arith.constant 64 : i32
      %mul3A_108 = arith.constant 64 : i32
      %mul3A_109 = arith.muli %add3A_95, %mul3A_108 : i32
      %dma_start3A_110 = tpu.memref_slice %arg17[%mul3A_109] : memref<25165824xf32, #tpu.memory_space<hbm>> -> memref<4096xf32, #tpu.memory_space<hbm>>
      %dma_start3A_111 = tpu.memref_slice %arg17[%mul3A_109] : memref<25165824xf32, #tpu.memory_space<hbm>> -> memref<4096xf32, #tpu.memory_space<hbm>>
      tpu.enqueue_dma source(%arg28 : memref<4096xf32, #tpu.memory_space<vmem>>) target(%dma_start3A_111 : memref<4096xf32, #tpu.memory_space<hbm>>) target_semaphore(%arg44 : memref<!tpu.dma_semaphore, #tpu.memory_space<semaphore_mem>>)
      %dma_wait3A_112 = tpu.memref_slice %arg17[%mul3A_84] : memref<25165824xf32, #tpu.memory_space<hbm>> -> memref<4096xf32, #tpu.memory_space<hbm>>
      %dma_wait3A_113 = tpu.memref_slice %arg17[%mul3A_84] : memref<25165824xf32, #tpu.memory_space<hbm>> -> memref<4096xf32, #tpu.memory_space<hbm>>
      tpu.wait_dma2 semaphore(%arg43 : memref<!tpu.dma_semaphore, #tpu.memory_space<semaphore_mem>>) src(%arg27 : memref<4096xf32, #tpu.memory_space<vmem>>) dst(%dma_wait3A_113 : memref<4096xf32, #tpu.memory_space<hbm>>)
      %dma_wait3A_114 = tpu.memref_slice %arg17[%mul3A_109] : memref<25165824xf32, #tpu.memory_space<hbm>> -> memref<4096xf32, #tpu.memory_space<hbm>>
      %dma_wait3A_115 = tpu.memref_slice %arg17[%mul3A_109] : memref<25165824xf32, #tpu.memory_space<hbm>> -> memref<4096xf32, #tpu.memory_space<hbm>>
      tpu.wait_dma2 semaphore(%arg44 : memref<!tpu.dma_semaphore, #tpu.memory_space<semaphore_mem>>) src(%arg28 : memref<4096xf32, #tpu.memory_space<vmem>>) dst(%dma_wait3A_115 : memref<4096xf32, #tpu.memory_space<hbm>>)
      %scan3A_116 = arith.constant 0 : i32
      scf.yield %scan3A_116 : i32
    }
    %scan3A_15 = arith.constant 96 : i32
    %scan3A_16 = arith.constant 0 : i32
    %scan3A_17 = arith.constant 0 : i32
    %scan3A_18 = arith.constant 24 : i32
    %scan3A_19 = arith.addi %scan3A_17, %scan3A_18 : i32
    %scan3A_20 = arith.constant 1 : i32
    %scan3A_21 = scf.for %scan3A_30 = %scan3A_17 to %scan3A_19 step %scan3A_20 iter_args(%scan3A_31 = %scan3A_16) -> (i32)  : i32 {
      %mul3A_32 = arith.constant 2 : i32
      %mul3A_33 = arith.muli %scan3A_30, %mul3A_32 : i32
      %add3A_34 = arith.constant 0 : i32
      %add3A_35 = arith.addi %mul3A_33, %add3A_34 : i32
      %mul3A_36 = arith.constant 3072 : i32
      %mul3A_37 = arith.muli %add3A, %mul3A_36 : i32
      %mul3A_38 = arith.constant 64 : i32
      %mul3A_39 = arith.muli %add3A_35, %mul3A_38 : i32
      %add3A_40 = arith.addi %mul3A_37, %mul3A_39 : i32
      "tpu.region"() ({
        %run_scoped3A = tpu.sem_alloc : memref<!tpu.dma_semaphore, #tpu.memory_space<semaphore_mem>>
        %dma_start3A_117 = tpu.memref_slice %arg4[%add3A_40] : memref<98304xi32, #tpu.memory_space<hbm>> -> memref<64xi32, #tpu.memory_space<hbm>>
        %dma_start3A_118 = tpu.memref_slice %arg4[%add3A_40] : memref<98304xi32, #tpu.memory_space<hbm>> -> memref<64xi32, #tpu.memory_space<hbm>>
        tpu.enqueue_dma source(%dma_start3A_118 : memref<64xi32, #tpu.memory_space<hbm>>) target(%arg35 : memref<64xi32, #tpu.memory_space<vmem>>) target_semaphore(%run_scoped3A : memref<!tpu.dma_semaphore, #tpu.memory_space<semaphore_mem>>)
        %dma_wait3A_119 = tpu.memref_slice %arg4[%add3A_40] : memref<98304xi32, #tpu.memory_space<hbm>> -> memref<64xi32, #tpu.memory_space<hbm>>
        %dma_wait3A_120 = tpu.memref_slice %arg4[%add3A_40] : memref<98304xi32, #tpu.memory_space<hbm>> -> memref<64xi32, #tpu.memory_space<hbm>>
        tpu.wait_dma2 semaphore(%run_scoped3A : memref<!tpu.dma_semaphore, #tpu.memory_space<semaphore_mem>>) src(%dma_wait3A_120 : memref<64xi32, #tpu.memory_space<hbm>>) dst(%arg35 : memref<64xi32, #tpu.memory_space<vmem>>)
        tpu.yield
      }) : () -> ()
      "tpu.region"() ({
        %run_scoped3A = tpu.sem_alloc : memref<!tpu.dma_semaphore, #tpu.memory_space<semaphore_mem>>
        %dma_start3A_117 = tpu.memref_slice %arg5[%add3A_40] : memref<98304xi32, #tpu.memory_space<hbm>> -> memref<64xi32, #tpu.memory_space<hbm>>
        %dma_start3A_118 = tpu.memref_slice %arg5[%add3A_40] : memref<98304xi32, #tpu.memory_space<hbm>> -> memref<64xi32, #tpu.memory_space<hbm>>
        tpu.enqueue_dma source(%dma_start3A_118 : memref<64xi32, #tpu.memory_space<hbm>>) target(%arg37 : memref<64xi32, #tpu.memory_space<vmem>>) target_semaphore(%run_scoped3A : memref<!tpu.dma_semaphore, #tpu.memory_space<semaphore_mem>>)
        %dma_wait3A_119 = tpu.memref_slice %arg5[%add3A_40] : memref<98304xi32, #tpu.memory_space<hbm>> -> memref<64xi32, #tpu.memory_space<hbm>>
        %dma_wait3A_120 = tpu.memref_slice %arg5[%add3A_40] : memref<98304xi32, #tpu.memory_space<hbm>> -> memref<64xi32, #tpu.memory_space<hbm>>
        tpu.wait_dma2 semaphore(%run_scoped3A : memref<!tpu.dma_semaphore, #tpu.memory_space<semaphore_mem>>) src(%dma_wait3A_120 : memref<64xi32, #tpu.memory_space<hbm>>) dst(%arg37 : memref<64xi32, #tpu.memory_space<vmem>>)
        tpu.yield
      }) : () -> ()
      %dma_start3A = arith.constant 0 : i32
      %dma_start3A_41 = arith.constant 0 : i32
      %dma_start3A_42 = tpu.memref_slice %arg10[%dma_start3A, %dma_start3A_41] : memref<512x32xf32, #tpu.memory_space<hbm>> -> memref<512x32xf32, #tpu.memory_space<hbm>>
      tpu.enqueue_indirect_dma source(%dma_start3A_42 : memref<512x32xf32, #tpu.memory_space<hbm>>) target(%arg29 : memref<64x32xf32, #tpu.memory_space<vmem>>) offsets(%arg35 : memref<64xi32, #tpu.memory_space<vmem>>) semaphore(%arg39 : memref<!tpu.dma_semaphore, #tpu.memory_space<semaphore_mem>>)
      %dma_start3A_43 = arith.constant 0 : i32
      %dma_start3A_44 = arith.constant 0 : i32
      %dma_start3A_45 = tpu.memref_slice %arg11[%dma_start3A_43, %dma_start3A_44] : memref<32x32xf32, #tpu.memory_space<hbm>> -> memref<32x32xf32, #tpu.memory_space<hbm>>
      tpu.enqueue_indirect_dma source(%dma_start3A_45 : memref<32x32xf32, #tpu.memory_space<hbm>>) target(%arg31 : memref<64x32xf32, #tpu.memory_space<vmem>>) offsets(%arg37 : memref<64xi32, #tpu.memory_space<vmem>>) semaphore(%arg45 : memref<!tpu.dma_semaphore, #tpu.memory_space<semaphore_mem>>)
      %mul3A_46 = arith.constant 2 : i32
      %mul3A_47 = arith.muli %scan3A_30, %mul3A_46 : i32
      %add3A_48 = arith.constant 1 : i32
      %add3A_49 = arith.addi %mul3A_47, %add3A_48 : i32
      %mul3A_50 = arith.constant 3072 : i32
      %mul3A_51 = arith.muli %add3A, %mul3A_50 : i32
      %mul3A_52 = arith.constant 64 : i32
      %mul3A_53 = arith.muli %add3A_49, %mul3A_52 : i32
      %add3A_54 = arith.addi %mul3A_51, %mul3A_53 : i32
      "tpu.region"() ({
        %run_scoped3A = tpu.sem_alloc : memref<!tpu.dma_semaphore, #tpu.memory_space<semaphore_mem>>
        %dma_start3A_117 = tpu.memref_slice %arg4[%add3A_54] : memref<98304xi32, #tpu.memory_space<hbm>> -> memref<64xi32, #tpu.memory_space<hbm>>
        %dma_start3A_118 = tpu.memref_slice %arg4[%add3A_54] : memref<98304xi32, #tpu.memory_space<hbm>> -> memref<64xi32, #tpu.memory_space<hbm>>
        tpu.enqueue_dma source(%dma_start3A_118 : memref<64xi32, #tpu.memory_space<hbm>>) target(%arg36 : memref<64xi32, #tpu.memory_space<vmem>>) target_semaphore(%run_scoped3A : memref<!tpu.dma_semaphore, #tpu.memory_space<semaphore_mem>>)
        %dma_wait3A_119 = tpu.memref_slice %arg4[%add3A_54] : memref<98304xi32, #tpu.memory_space<hbm>> -> memref<64xi32, #tpu.memory_space<hbm>>
        %dma_wait3A_120 = tpu.memref_slice %arg4[%add3A_54] : memref<98304xi32, #tpu.memory_space<hbm>> -> memref<64xi32, #tpu.memory_space<hbm>>
        tpu.wait_dma2 semaphore(%run_scoped3A : memref<!tpu.dma_semaphore, #tpu.memory_space<semaphore_mem>>) src(%dma_wait3A_120 : memref<64xi32, #tpu.memory_space<hbm>>) dst(%arg36 : memref<64xi32, #tpu.memory_space<vmem>>)
        tpu.yield
      }) : () -> ()
      "tpu.region"() ({
        %run_scoped3A = tpu.sem_alloc : memref<!tpu.dma_semaphore, #tpu.memory_space<semaphore_mem>>
        %dma_start3A_117 = tpu.memref_slice %arg5[%add3A_54] : memref<98304xi32, #tpu.memory_space<hbm>> -> memref<64xi32, #tpu.memory_space<hbm>>
        %dma_start3A_118 = tpu.memref_slice %arg5[%add3A_54] : memref<98304xi32, #tpu.memory_space<hbm>> -> memref<64xi32, #tpu.memory_space<hbm>>
        tpu.enqueue_dma source(%dma_start3A_118 : memref<64xi32, #tpu.memory_space<hbm>>) target(%arg38 : memref<64xi32, #tpu.memory_space<vmem>>) target_semaphore(%run_scoped3A : memref<!tpu.dma_semaphore, #tpu.memory_space<semaphore_mem>>)
        %dma_wait3A_119 = tpu.memref_slice %arg5[%add3A_54] : memref<98304xi32, #tpu.memory_space<hbm>> -> memref<64xi32, #tpu.memory_space<hbm>>
        %dma_wait3A_120 = tpu.memref_slice %arg5[%add3A_54] : memref<98304xi32, #tpu.memory_space<hbm>> -> memref<64xi32, #tpu.memory_space<hbm>>
        tpu.wait_dma2 semaphore(%run_scoped3A : memref<!tpu.dma_semaphore, #tpu.memory_space<semaphore_mem>>) src(%dma_wait3A_120 : memref<64xi32, #tpu.memory_space<hbm>>) dst(%arg38 : memref<64xi32, #tpu.memory_space<vmem>>)
        tpu.yield
      }) : () -> ()
      %dma_start3A_55 = arith.constant 0 : i32
      %dma_start3A_56 = arith.constant 0 : i32
      %dma_start3A_57 = tpu.memref_slice %arg10[%dma_start3A_55, %dma_start3A_56] : memref<512x32xf32, #tpu.memory_space<hbm>> -> memref<512x32xf32, #tpu.memory_space<hbm>>
      tpu.enqueue_indirect_dma source(%dma_start3A_57 : memref<512x32xf32, #tpu.memory_space<hbm>>) target(%arg30 : memref<64x32xf32, #tpu.memory_space<vmem>>) offsets(%arg36 : memref<64xi32, #tpu.memory_space<vmem>>) semaphore(%arg40 : memref<!tpu.dma_semaphore, #tpu.memory_space<semaphore_mem>>)
      %dma_start3A_58 = arith.constant 0 : i32
      %dma_start3A_59 = arith.constant 0 : i32
      %dma_start3A_60 = tpu.memref_slice %arg11[%dma_start3A_58, %dma_start3A_59] : memref<32x32xf32, #tpu.memory_space<hbm>> -> memref<32x32xf32, #tpu.memory_space<hbm>>
      tpu.enqueue_indirect_dma source(%dma_start3A_60 : memref<32x32xf32, #tpu.memory_space<hbm>>) target(%arg32 : memref<64x32xf32, #tpu.memory_space<vmem>>) offsets(%arg38 : memref<64xi32, #tpu.memory_space<vmem>>) semaphore(%arg46 : memref<!tpu.dma_semaphore, #tpu.memory_space<semaphore_mem>>)
      %mul3A_61 = arith.constant 2 : i32
      %mul3A_62 = arith.muli %scan3A_30, %mul3A_61 : i32
      %add3A_63 = arith.constant 0 : i32
      %add3A_64 = arith.addi %mul3A_62, %add3A_63 : i32
      %mul3A_65 = arith.constant 3072 : i32
      %mul3A_66 = arith.muli %add3A, %mul3A_65 : i32
      %mul3A_67 = arith.constant 64 : i32
      %mul3A_68 = arith.muli %add3A_64, %mul3A_67 : i32
      %add3A_69 = arith.addi %mul3A_66, %mul3A_68 : i32
      %dma_wait3A = arith.constant 0 : i32
      %dma_wait3A_70 = arith.constant 0 : i32
      %dma_wait3A_71 = tpu.memref_slice %arg10[%dma_wait3A, %dma_wait3A_70] : memref<512x32xf32, #tpu.memory_space<hbm>> -> memref<512x32xf32, #tpu.memory_space<hbm>>
      tpu.wait_indirect_dma semaphore(%arg39 : memref<!tpu.dma_semaphore, #tpu.memory_space<semaphore_mem>>) src(%dma_wait3A_71 : memref<512x32xf32, #tpu.memory_space<hbm>>) dst(%arg29 : memref<64x32xf32, #tpu.memory_space<vmem>>)
      %dma_wait3A_72 = arith.constant 0 : i32
      %dma_wait3A_73 = arith.constant 0 : i32
      %dma_wait3A_74 = tpu.memref_slice %arg11[%dma_wait3A_72, %dma_wait3A_73] : memref<32x32xf32, #tpu.memory_space<hbm>> -> memref<32x32xf32, #tpu.memory_space<hbm>>
      tpu.wait_indirect_dma semaphore(%arg45 : memref<!tpu.dma_semaphore, #tpu.memory_space<semaphore_mem>>) src(%dma_wait3A_74 : memref<32x32xf32, #tpu.memory_space<hbm>>) dst(%arg31 : memref<64x32xf32, #tpu.memory_space<vmem>>)
      %scan3A_75 = arith.constant 0 : i32
      %scan3A_76 = arith.constant 0 : i32
      %scan3A_77 = arith.constant 64 : i32
      %scan3A_78 = arith.addi %scan3A_76, %scan3A_77 : i32
      %scan3A_79 = arith.constant 1 : i32
      %scan3A_80 = scf.for %scan3A_117 = %scan3A_76 to %scan3A_78 step %scan3A_79 iter_args(%scan3A_118 = %scan3A_75) -> (i32)  : i32 {
        %get3A = arith.index_cast %scan3A_117 : i32 to index
        %get3A_119 = arith.constant 0 : index
        %get3A_120 = tpu.vector_load %arg29[%get3A, %get3A_119] {strides = array<i32>} : memref<64x32xf32, #tpu.memory_space<vmem>>, vector<16xf32>,
        %get3A_121 = arith.index_cast %scan3A_117 : i32 to index
        %get3A_122 = arith.constant 0 : index
        %get3A_123 = tpu.vector_load %arg31[%get3A_121, %get3A_122] {strides = array<i32>} : memref<64x32xf32, #tpu.memory_space<vmem>>, vector<16xf32>,
        %add3A_124 = arith.addf %get3A_120, %get3A_123 : vector<16xf32>
        %mul3A_125 = arith.constant 32 : i32
        %mul3A_126 = arith.muli %scan3A_117, %mul3A_125 : i32
        %add3A_127 = arith.constant 0 : i32
        %add3A_128 = arith.addi %mul3A_126, %add3A_127 : i32
        %swap3A = arith.index_cast %add3A_128 : i32 to index
        %swap3A_129 = tpu.vector_load %arg33[%swap3A] {strides = array<i32>} : memref<2048xf32, #tpu.memory_space<vmem>>, vector<16xf32>,
        tpu.vector_store %arg33[%swap3A], %add3A_124 {strides = array<i32>} : memref<2048xf32, #tpu.memory_space<vmem>>, vector<16xf32>,
        %get3A_130 = arith.index_cast %scan3A_117 : i32 to index
        %get3A_131 = arith.constant 16 : index
        %get3A_132 = tpu.vector_load %arg29[%get3A_130, %get3A_131] {strides = array<i32>} : memref<64x32xf32, #tpu.memory_space<vmem>>, vector<16xf32>,
        %get3A_133 = arith.index_cast %scan3A_117 : i32 to index
        %get3A_134 = arith.constant 16 : index
        %get3A_135 = tpu.vector_load %arg31[%get3A_133, %get3A_134] {strides = array<i32>} : memref<64x32xf32, #tpu.memory_space<vmem>>, vector<16xf32>,
        %add3A_136 = arith.addf %get3A_132, %get3A_135 : vector<16xf32>
        %mul3A_137 = arith.constant 32 : i32
        %mul3A_138 = arith.muli %scan3A_117, %mul3A_137 : i32
        %add3A_139 = arith.constant 16 : i32
        %add3A_140 = arith.addi %mul3A_138, %add3A_139 : i32
        %swap3A_141 = arith.index_cast %add3A_140 : i32 to index
        %swap3A_142 = tpu.vector_load %arg33[%swap3A_141] {strides = array<i32>} : memref<2048xf32, #tpu.memory_space<vmem>>, vector<16xf32>,
        tpu.vector_store %arg33[%swap3A_141], %add3A_136 {strides = array<i32>} : memref<2048xf32, #tpu.memory_space<vmem>>, vector<16xf32>,
        %scan3A_143 = arith.constant 0 : i32
        scf.yield %scan3A_143 : i32
      }
      %scan3A_81 = arith.constant 64 : i32
      %mul3A_82 = arith.constant 32 : i32
      %mul3A_83 = arith.muli %add3A_69, %mul3A_82 : i32
      %dma_start3A_84 = tpu.memref_slice %arg18[%mul3A_83] : memref<3145728xf32, #tpu.memory_space<hbm>> -> memref<2048xf32, #tpu.memory_space<hbm>>
      %dma_start3A_85 = tpu.memref_slice %arg18[%mul3A_83] : memref<3145728xf32, #tpu.memory_space<hbm>> -> memref<2048xf32, #tpu.memory_space<hbm>>
      tpu.enqueue_dma source(%arg33 : memref<2048xf32, #tpu.memory_space<vmem>>) target(%dma_start3A_85 : memref<2048xf32, #tpu.memory_space<hbm>>) target_semaphore(%arg43 : memref<!tpu.dma_semaphore, #tpu.memory_space<semaphore_mem>>)
      %mul3A_86 = arith.constant 2 : i32
      %mul3A_87 = arith.muli %scan3A_30, %mul3A_86 : i32
      %add3A_88 = arith.constant 1 : i32
      %add3A_89 = arith.addi %mul3A_87, %add3A_88 : i32
      %mul3A_90 = arith.constant 3072 : i32
      %mul3A_91 = arith.muli %add3A, %mul3A_90 : i32
      %mul3A_92 = arith.constant 64 : i32
      %mul3A_93 = arith.muli %add3A_89, %mul3A_92 : i32
      %add3A_94 = arith.addi %mul3A_91, %mul3A_93 : i32
      %dma_wait3A_95 = arith.constant 0 : i32
      %dma_wait3A_96 = arith.constant 0 : i32
      %dma_wait3A_97 = tpu.memref_slice %arg10[%dma_wait3A_95, %dma_wait3A_96] : memref<512x32xf32, #tpu.memory_space<hbm>> -> memref<512x32xf32, #tpu.memory_space<hbm>>
      tpu.wait_indirect_dma semaphore(%arg40 : memref<!tpu.dma_semaphore, #tpu.memory_space<semaphore_mem>>) src(%dma_wait3A_97 : memref<512x32xf32, #tpu.memory_space<hbm>>) dst(%arg30 : memref<64x32xf32, #tpu.memory_space<vmem>>)
      %dma_wait3A_98 = arith.constant 0 : i32
      %dma_wait3A_99 = arith.constant 0 : i32
      %dma_wait3A_100 = tpu.memref_slice %arg11[%dma_wait3A_98, %dma_wait3A_99] : memref<32x32xf32, #tpu.memory_space<hbm>> -> memref<32x32xf32, #tpu.memory_space<hbm>>
      tpu.wait_indirect_dma semaphore(%arg46 : memref<!tpu.dma_semaphore, #tpu.memory_space<semaphore_mem>>) src(%dma_wait3A_100 : memref<32x32xf32, #tpu.memory_space<hbm>>) dst(%arg32 : memref<64x32xf32, #tpu.memory_space<vmem>>)
      %scan3A_101 = arith.constant 0 : i32
      %scan3A_102 = arith.constant 0 : i32
      %scan3A_103 = arith.constant 64 : i32
      %scan3A_104 = arith.addi %scan3A_102, %scan3A_103 : i32
      %scan3A_105 = arith.constant 1 : i32
      %scan3A_106 = scf.for %scan3A_117 = %scan3A_102 to %scan3A_104 step %scan3A_105 iter_args(%scan3A_118 = %scan3A_101) -> (i32)  : i32 {
        %get3A = arith.index_cast %scan3A_117 : i32 to index
        %get3A_119 = arith.constant 0 : index
        %get3A_120 = tpu.vector_load %arg30[%get3A, %get3A_119] {strides = array<i32>} : memref<64x32xf32, #tpu.memory_space<vmem>>, vector<16xf32>,
        %get3A_121 = arith.index_cast %scan3A_117 : i32 to index
        %get3A_122 = arith.constant 0 : index
        %get3A_123 = tpu.vector_load %arg32[%get3A_121, %get3A_122] {strides = array<i32>} : memref<64x32xf32, #tpu.memory_space<vmem>>, vector<16xf32>,
        %add3A_124 = arith.addf %get3A_120, %get3A_123 : vector<16xf32>
        %mul3A_125 = arith.constant 32 : i32
        %mul3A_126 = arith.muli %scan3A_117, %mul3A_125 : i32
        %add3A_127 = arith.constant 0 : i32
        %add3A_128 = arith.addi %mul3A_126, %add3A_127 : i32
        %swap3A = arith.index_cast %add3A_128 : i32 to index
        %swap3A_129 = tpu.vector_load %arg34[%swap3A] {strides = array<i32>} : memref<2048xf32, #tpu.memory_space<vmem>>, vector<16xf32>,
        tpu.vector_store %arg34[%swap3A], %add3A_124 {strides = array<i32>} : memref<2048xf32, #tpu.memory_space<vmem>>, vector<16xf32>,
        %get3A_130 = arith.index_cast %scan3A_117 : i32 to index
        %get3A_131 = arith.constant 16 : index
        %get3A_132 = tpu.vector_load %arg30[%get3A_130, %get3A_131] {strides = array<i32>} : memref<64x32xf32, #tpu.memory_space<vmem>>, vector<16xf32>,
        %get3A_133 = arith.index_cast %scan3A_117 : i32 to index
        %get3A_134 = arith.constant 16 : index
        %get3A_135 = tpu.vector_load %arg32[%get3A_133, %get3A_134] {strides = array<i32>} : memref<64x32xf32, #tpu.memory_space<vmem>>, vector<16xf32>,
        %add3A_136 = arith.addf %get3A_132, %get3A_135 : vector<16xf32>
        %mul3A_137 = arith.constant 32 : i32
        %mul3A_138 = arith.muli %scan3A_117, %mul3A_137 : i32
        %add3A_139 = arith.constant 16 : i32
        %add3A_140 = arith.addi %mul3A_138, %add3A_139 : i32
        %swap3A_141 = arith.index_cast %add3A_140 : i32 to index
        %swap3A_142 = tpu.vector_load %arg34[%swap3A_141] {strides = array<i32>} : memref<2048xf32, #tpu.memory_space<vmem>>, vector<16xf32>,
        tpu.vector_store %arg34[%swap3A_141], %add3A_136 {strides = array<i32>} : memref<2048xf32, #tpu.memory_space<vmem>>, vector<16xf32>,
        %scan3A_143 = arith.constant 0 : i32
        scf.yield %scan3A_143 : i32
      }
      %scan3A_107 = arith.constant 64 : i32
      %mul3A_108 = arith.constant 32 : i32
      %mul3A_109 = arith.muli %add3A_94, %mul3A_108 : i32
      %dma_start3A_110 = tpu.memref_slice %arg18[%mul3A_109] : memref<3145728xf32, #tpu.memory_space<hbm>> -> memref<2048xf32, #tpu.memory_space<hbm>>
      %dma_start3A_111 = tpu.memref_slice %arg18[%mul3A_109] : memref<3145728xf32, #tpu.memory_space<hbm>> -> memref<2048xf32, #tpu.memory_space<hbm>>
      tpu.enqueue_dma source(%arg34 : memref<2048xf32, #tpu.memory_space<vmem>>) target(%dma_start3A_111 : memref<2048xf32, #tpu.memory_space<hbm>>) target_semaphore(%arg44 : memref<!tpu.dma_semaphore, #tpu.memory_space<semaphore_mem>>)
      %dma_wait3A_112 = tpu.memref_slice %arg18[%mul3A_83] : memref<3145728xf32, #tpu.memory_space<hbm>> -> memref<2048xf32, #tpu.memory_space<hbm>>
      %dma_wait3A_113 = tpu.memref_slice %arg18[%mul3A_83] : memref<3145728xf32, #tpu.memory_space<hbm>> -> memref<2048xf32, #tpu.memory_space<hbm>>
      tpu.wait_dma2 semaphore(%arg43 : memref<!tpu.dma_semaphore, #tpu.memory_space<semaphore_mem>>) src(%arg33 : memref<2048xf32, #tpu.memory_space<vmem>>) dst(%dma_wait3A_113 : memref<2048xf32, #tpu.memory_space<hbm>>)
      %dma_wait3A_114 = tpu.memref_slice %arg18[%mul3A_109] : memref<3145728xf32, #tpu.memory_space<hbm>> -> memref<2048xf32, #tpu.memory_space<hbm>>
      %dma_wait3A_115 = tpu.memref_slice %arg18[%mul3A_109] : memref<3145728xf32, #tpu.memory_space<hbm>> -> memref<2048xf32, #tpu.memory_space<hbm>>
      tpu.wait_dma2 semaphore(%arg44 : memref<!tpu.dma_semaphore, #tpu.memory_space<semaphore_mem>>) src(%arg34 : memref<2048xf32, #tpu.memory_space<vmem>>) dst(%dma_wait3A_115 : memref<2048xf32, #tpu.memory_space<hbm>>)
      %scan3A_116 = arith.constant 0 : i32
      scf.yield %scan3A_116 : i32
    }
    %scan3A_22 = arith.constant 24 : i32
    %scan3A_23 = arith.constant 0 : i32
    %scan3A_24 = arith.constant 0 : i32
    %scan3A_25 = arith.constant 24 : i32
    %scan3A_26 = arith.addi %scan3A_24, %scan3A_25 : i32
    %scan3A_27 = arith.constant 1 : i32
    %scan3A_28 = scf.for %scan3A_30 = %scan3A_24 to %scan3A_26 step %scan3A_27 iter_args(%scan3A_31 = %scan3A_23) -> (i32)  : i32 {
      %mul3A_32 = arith.constant 2 : i32
      %mul3A_33 = arith.muli %scan3A_30, %mul3A_32 : i32
      %add3A_34 = arith.constant 0 : i32
      %add3A_35 = arith.addi %mul3A_33, %add3A_34 : i32
      %mul3A_36 = arith.constant 3072 : i32
      %mul3A_37 = arith.muli %add3A, %mul3A_36 : i32
      %mul3A_38 = arith.constant 64 : i32
      %mul3A_39 = arith.muli %add3A_35, %mul3A_38 : i32
      %add3A_40 = arith.addi %mul3A_37, %mul3A_39 : i32
      "tpu.region"() ({
        %run_scoped3A = tpu.sem_alloc : memref<!tpu.dma_semaphore, #tpu.memory_space<semaphore_mem>>
        %dma_start3A_117 = tpu.memref_slice %arg6[%add3A_40] : memref<98304xi32, #tpu.memory_space<hbm>> -> memref<64xi32, #tpu.memory_space<hbm>>
        %dma_start3A_118 = tpu.memref_slice %arg6[%add3A_40] : memref<98304xi32, #tpu.memory_space<hbm>> -> memref<64xi32, #tpu.memory_space<hbm>>
        tpu.enqueue_dma source(%dma_start3A_118 : memref<64xi32, #tpu.memory_space<hbm>>) target(%arg35 : memref<64xi32, #tpu.memory_space<vmem>>) target_semaphore(%run_scoped3A : memref<!tpu.dma_semaphore, #tpu.memory_space<semaphore_mem>>)
        %dma_wait3A_119 = tpu.memref_slice %arg6[%add3A_40] : memref<98304xi32, #tpu.memory_space<hbm>> -> memref<64xi32, #tpu.memory_space<hbm>>
        %dma_wait3A_120 = tpu.memref_slice %arg6[%add3A_40] : memref<98304xi32, #tpu.memory_space<hbm>> -> memref<64xi32, #tpu.memory_space<hbm>>
        tpu.wait_dma2 semaphore(%run_scoped3A : memref<!tpu.dma_semaphore, #tpu.memory_space<semaphore_mem>>) src(%dma_wait3A_120 : memref<64xi32, #tpu.memory_space<hbm>>) dst(%arg35 : memref<64xi32, #tpu.memory_space<vmem>>)
        tpu.yield
      }) : () -> ()
      "tpu.region"() ({
        %run_scoped3A = tpu.sem_alloc : memref<!tpu.dma_semaphore, #tpu.memory_space<semaphore_mem>>
        %dma_start3A_117 = tpu.memref_slice %arg7[%add3A_40] : memref<98304xi32, #tpu.memory_space<hbm>> -> memref<64xi32, #tpu.memory_space<hbm>>
        %dma_start3A_118 = tpu.memref_slice %arg7[%add3A_40] : memref<98304xi32, #tpu.memory_space<hbm>> -> memref<64xi32, #tpu.memory_space<hbm>>
        tpu.enqueue_dma source(%dma_start3A_118 : memref<64xi32, #tpu.memory_space<hbm>>) target(%arg37 : memref<64xi32, #tpu.memory_space<vmem>>) target_semaphore(%run_scoped3A : memref<!tpu.dma_semaphore, #tpu.memory_space<semaphore_mem>>)
        %dma_wait3A_119 = tpu.memref_slice %arg7[%add3A_40] : memref<98304xi32, #tpu.memory_space<hbm>> -> memref<64xi32, #tpu.memory_space<hbm>>
        %dma_wait3A_120 = tpu.memref_slice %arg7[%add3A_40] : memref<98304xi32, #tpu.memory_space<hbm>> -> memref<64xi32, #tpu.memory_space<hbm>>
        tpu.wait_dma2 semaphore(%run_scoped3A : memref<!tpu.dma_semaphore, #tpu.memory_space<semaphore_mem>>) src(%dma_wait3A_120 : memref<64xi32, #tpu.memory_space<hbm>>) dst(%arg37 : memref<64xi32, #tpu.memory_space<vmem>>)
        tpu.yield
      }) : () -> ()
      %dma_start3A = arith.constant 0 : i32
      %dma_start3A_41 = arith.constant 0 : i32
      %dma_start3A_42 = tpu.memref_slice %arg12[%dma_start3A, %dma_start3A_41] : memref<512x32xf32, #tpu.memory_space<hbm>> -> memref<512x32xf32, #tpu.memory_space<hbm>>
      tpu.enqueue_indirect_dma source(%dma_start3A_42 : memref<512x32xf32, #tpu.memory_space<hbm>>) target(%arg29 : memref<64x32xf32, #tpu.memory_space<vmem>>) offsets(%arg35 : memref<64xi32, #tpu.memory_space<vmem>>) semaphore(%arg39 : memref<!tpu.dma_semaphore, #tpu.memory_space<semaphore_mem>>)
      %dma_start3A_43 = arith.constant 0 : i32
      %dma_start3A_44 = arith.constant 0 : i32
      %dma_start3A_45 = tpu.memref_slice %arg13[%dma_start3A_43, %dma_start3A_44] : memref<32x32xf32, #tpu.memory_space<hbm>> -> memref<32x32xf32, #tpu.memory_space<hbm>>
      tpu.enqueue_indirect_dma source(%dma_start3A_45 : memref<32x32xf32, #tpu.memory_space<hbm>>) target(%arg31 : memref<64x32xf32, #tpu.memory_space<vmem>>) offsets(%arg37 : memref<64xi32, #tpu.memory_space<vmem>>) semaphore(%arg45 : memref<!tpu.dma_semaphore, #tpu.memory_space<semaphore_mem>>)
      %mul3A_46 = arith.constant 2 : i32
      %mul3A_47 = arith.muli %scan3A_30, %mul3A_46 : i32
      %add3A_48 = arith.constant 1 : i32
      %add3A_49 = arith.addi %mul3A_47, %add3A_48 : i32
      %mul3A_50 = arith.constant 3072 : i32
      %mul3A_51 = arith.muli %add3A, %mul3A_50 : i32
      %mul3A_52 = arith.constant 64 : i32
      %mul3A_53 = arith.muli %add3A_49, %mul3A_52 : i32
      %add3A_54 = arith.addi %mul3A_51, %mul3A_53 : i32
      "tpu.region"() ({
        %run_scoped3A = tpu.sem_alloc : memref<!tpu.dma_semaphore, #tpu.memory_space<semaphore_mem>>
        %dma_start3A_117 = tpu.memref_slice %arg6[%add3A_54] : memref<98304xi32, #tpu.memory_space<hbm>> -> memref<64xi32, #tpu.memory_space<hbm>>
        %dma_start3A_118 = tpu.memref_slice %arg6[%add3A_54] : memref<98304xi32, #tpu.memory_space<hbm>> -> memref<64xi32, #tpu.memory_space<hbm>>
        tpu.enqueue_dma source(%dma_start3A_118 : memref<64xi32, #tpu.memory_space<hbm>>) target(%arg36 : memref<64xi32, #tpu.memory_space<vmem>>) target_semaphore(%run_scoped3A : memref<!tpu.dma_semaphore, #tpu.memory_space<semaphore_mem>>)
        %dma_wait3A_119 = tpu.memref_slice %arg6[%add3A_54] : memref<98304xi32, #tpu.memory_space<hbm>> -> memref<64xi32, #tpu.memory_space<hbm>>
        %dma_wait3A_120 = tpu.memref_slice %arg6[%add3A_54] : memref<98304xi32, #tpu.memory_space<hbm>> -> memref<64xi32, #tpu.memory_space<hbm>>
        tpu.wait_dma2 semaphore(%run_scoped3A : memref<!tpu.dma_semaphore, #tpu.memory_space<semaphore_mem>>) src(%dma_wait3A_120 : memref<64xi32, #tpu.memory_space<hbm>>) dst(%arg36 : memref<64xi32, #tpu.memory_space<vmem>>)
        tpu.yield
      }) : () -> ()
      "tpu.region"() ({
        %run_scoped3A = tpu.sem_alloc : memref<!tpu.dma_semaphore, #tpu.memory_space<semaphore_mem>>
        %dma_start3A_117 = tpu.memref_slice %arg7[%add3A_54] : memref<98304xi32, #tpu.memory_space<hbm>> -> memref<64xi32, #tpu.memory_space<hbm>>
        %dma_start3A_118 = tpu.memref_slice %arg7[%add3A_54] : memref<98304xi32, #tpu.memory_space<hbm>> -> memref<64xi32, #tpu.memory_space<hbm>>
        tpu.enqueue_dma source(%dma_start3A_118 : memref<64xi32, #tpu.memory_space<hbm>>) target(%arg38 : memref<64xi32, #tpu.memory_space<vmem>>) target_semaphore(%run_scoped3A : memref<!tpu.dma_semaphore, #tpu.memory_space<semaphore_mem>>)
        %dma_wait3A_119 = tpu.memref_slice %arg7[%add3A_54] : memref<98304xi32, #tpu.memory_space<hbm>> -> memref<64xi32, #tpu.memory_space<hbm>>
        %dma_wait3A_120 = tpu.memref_slice %arg7[%add3A_54] : memref<98304xi32, #tpu.memory_space<hbm>> -> memref<64xi32, #tpu.memory_space<hbm>>
        tpu.wait_dma2 semaphore(%run_scoped3A : memref<!tpu.dma_semaphore, #tpu.memory_space<semaphore_mem>>) src(%dma_wait3A_120 : memref<64xi32, #tpu.memory_space<hbm>>) dst(%arg38 : memref<64xi32, #tpu.memory_space<vmem>>)
        tpu.yield
      }) : () -> ()
      %dma_start3A_55 = arith.constant 0 : i32
      %dma_start3A_56 = arith.constant 0 : i32
      %dma_start3A_57 = tpu.memref_slice %arg12[%dma_start3A_55, %dma_start3A_56] : memref<512x32xf32, #tpu.memory_space<hbm>> -> memref<512x32xf32, #tpu.memory_space<hbm>>
      tpu.enqueue_indirect_dma source(%dma_start3A_57 : memref<512x32xf32, #tpu.memory_space<hbm>>) target(%arg30 : memref<64x32xf32, #tpu.memory_space<vmem>>) offsets(%arg36 : memref<64xi32, #tpu.memory_space<vmem>>) semaphore(%arg40 : memref<!tpu.dma_semaphore, #tpu.memory_space<semaphore_mem>>)
      %dma_start3A_58 = arith.constant 0 : i32
      %dma_start3A_59 = arith.constant 0 : i32
      %dma_start3A_60 = tpu.memref_slice %arg13[%dma_start3A_58, %dma_start3A_59] : memref<32x32xf32, #tpu.memory_space<hbm>> -> memref<32x32xf32, #tpu.memory_space<hbm>>
      tpu.enqueue_indirect_dma source(%dma_start3A_60 : memref<32x32xf32, #tpu.memory_space<hbm>>) target(%arg32 : memref<64x32xf32, #tpu.memory_space<vmem>>) offsets(%arg38 : memref<64xi32, #tpu.memory_space<vmem>>) semaphore(%arg46 : memref<!tpu.dma_semaphore, #tpu.memory_space<semaphore_mem>>)
      %mul3A_61 = arith.constant 2 : i32
      %mul3A_62 = arith.muli %scan3A_30, %mul3A_61 : i32
      %add3A_63 = arith.constant 0 : i32
      %add3A_64 = arith.addi %mul3A_62, %add3A_63 : i32
      %mul3A_65 = arith.constant 3072 : i32
      %mul3A_66 = arith.muli %add3A, %mul3A_65 : i32
      %mul3A_67 = arith.constant 64 : i32
      %mul3A_68 = arith.muli %add3A_64, %mul3A_67 : i32
      %add3A_69 = arith.addi %mul3A_66, %mul3A_68 : i32
      %dma_wait3A = arith.constant 0 : i32
      %dma_wait3A_70 = arith.constant 0 : i32
      %dma_wait3A_71 = tpu.memref_slice %arg12[%dma_wait3A, %dma_wait3A_70] : memref<512x32xf32, #tpu.memory_space<hbm>> -> memref<512x32xf32, #tpu.memory_space<hbm>>
      tpu.wait_indirect_dma semaphore(%arg39 : memref<!tpu.dma_semaphore, #tpu.memory_space<semaphore_mem>>) src(%dma_wait3A_71 : memref<512x32xf32, #tpu.memory_space<hbm>>) dst(%arg29 : memref<64x32xf32, #tpu.memory_space<vmem>>)
      %dma_wait3A_72 = arith.constant 0 : i32
      %dma_wait3A_73 = arith.constant 0 : i32
      %dma_wait3A_74 = tpu.memref_slice %arg13[%dma_wait3A_72, %dma_wait3A_73] : memref<32x32xf32, #tpu.memory_space<hbm>> -> memref<32x32xf32, #tpu.memory_space<hbm>>
      tpu.wait_indirect_dma semaphore(%arg45 : memref<!tpu.dma_semaphore, #tpu.memory_space<semaphore_mem>>) src(%dma_wait3A_74 : memref<32x32xf32, #tpu.memory_space<hbm>>) dst(%arg31 : memref<64x32xf32, #tpu.memory_space<vmem>>)
      %scan3A_75 = arith.constant 0 : i32
      %scan3A_76 = arith.constant 0 : i32
      %scan3A_77 = arith.constant 64 : i32
      %scan3A_78 = arith.addi %scan3A_76, %scan3A_77 : i32
      %scan3A_79 = arith.constant 1 : i32
      %scan3A_80 = scf.for %scan3A_117 = %scan3A_76 to %scan3A_78 step %scan3A_79 iter_args(%scan3A_118 = %scan3A_75) -> (i32)  : i32 {
        %get3A = arith.index_cast %scan3A_117 : i32 to index
        %get3A_119 = arith.constant 0 : index
        %get3A_120 = tpu.vector_load %arg29[%get3A, %get3A_119] {strides = array<i32>} : memref<64x32xf32, #tpu.memory_space<vmem>>, vector<16xf32>,
        %get3A_121 = arith.index_cast %scan3A_117 : i32 to index
        %get3A_122 = arith.constant 0 : index
        %get3A_123 = tpu.vector_load %arg31[%get3A_121, %get3A_122] {strides = array<i32>} : memref<64x32xf32, #tpu.memory_space<vmem>>, vector<16xf32>,
        %add3A_124 = arith.addf %get3A_120, %get3A_123 : vector<16xf32>
        %mul3A_125 = arith.constant 32 : i32
        %mul3A_126 = arith.muli %scan3A_117, %mul3A_125 : i32
        %add3A_127 = arith.constant 0 : i32
        %add3A_128 = arith.addi %mul3A_126, %add3A_127 : i32
        %swap3A = arith.index_cast %add3A_128 : i32 to index
        %swap3A_129 = tpu.vector_load %arg33[%swap3A] {strides = array<i32>} : memref<2048xf32, #tpu.memory_space<vmem>>, vector<16xf32>,
        tpu.vector_store %arg33[%swap3A], %add3A_124 {strides = array<i32>} : memref<2048xf32, #tpu.memory_space<vmem>>, vector<16xf32>,
        %get3A_130 = arith.index_cast %scan3A_117 : i32 to index
        %get3A_131 = arith.constant 16 : index
        %get3A_132 = tpu.vector_load %arg29[%get3A_130, %get3A_131] {strides = array<i32>} : memref<64x32xf32, #tpu.memory_space<vmem>>, vector<16xf32>,
        %get3A_133 = arith.index_cast %scan3A_117 : i32 to index
        %get3A_134 = arith.constant 16 : index
        %get3A_135 = tpu.vector_load %arg31[%get3A_133, %get3A_134] {strides = array<i32>} : memref<64x32xf32, #tpu.memory_space<vmem>>, vector<16xf32>,
        %add3A_136 = arith.addf %get3A_132, %get3A_135 : vector<16xf32>
        %mul3A_137 = arith.constant 32 : i32
        %mul3A_138 = arith.muli %scan3A_117, %mul3A_137 : i32
        %add3A_139 = arith.constant 16 : i32
        %add3A_140 = arith.addi %mul3A_138, %add3A_139 : i32
        %swap3A_141 = arith.index_cast %add3A_140 : i32 to index
        %swap3A_142 = tpu.vector_load %arg33[%swap3A_141] {strides = array<i32>} : memref<2048xf32, #tpu.memory_space<vmem>>, vector<16xf32>,
        tpu.vector_store %arg33[%swap3A_141], %add3A_136 {strides = array<i32>} : memref<2048xf32, #tpu.memory_space<vmem>>, vector<16xf32>,
        %scan3A_143 = arith.constant 0 : i32
        scf.yield %scan3A_143 : i32
      }
      %scan3A_81 = arith.constant 64 : i32
      %mul3A_82 = arith.constant 32 : i32
      %mul3A_83 = arith.muli %add3A_69, %mul3A_82 : i32
      %dma_start3A_84 = tpu.memref_slice %arg19[%mul3A_83] : memref<3145728xf32, #tpu.memory_space<hbm>> -> memref<2048xf32, #tpu.memory_space<hbm>>
      %dma_start3A_85 = tpu.memref_slice %arg19[%mul3A_83] : memref<3145728xf32, #tpu.memory_space<hbm>> -> memref<2048xf32, #tpu.memory_space<hbm>>
      tpu.enqueue_dma source(%arg33 : memref<2048xf32, #tpu.memory_space<vmem>>) target(%dma_start3A_85 : memref<2048xf32, #tpu.memory_space<hbm>>) target_semaphore(%arg43 : memref<!tpu.dma_semaphore, #tpu.memory_space<semaphore_mem>>)
      %mul3A_86 = arith.constant 2 : i32
      %mul3A_87 = arith.muli %scan3A_30, %mul3A_86 : i32
      %add3A_88 = arith.constant 1 : i32
      %add3A_89 = arith.addi %mul3A_87, %add3A_88 : i32
      %mul3A_90 = arith.constant 3072 : i32
      %mul3A_91 = arith.muli %add3A, %mul3A_90 : i32
      %mul3A_92 = arith.constant 64 : i32
      %mul3A_93 = arith.muli %add3A_89, %mul3A_92 : i32
      %add3A_94 = arith.addi %mul3A_91, %mul3A_93 : i32
      %dma_wait3A_95 = arith.constant 0 : i32
      %dma_wait3A_96 = arith.constant 0 : i32
      %dma_wait3A_97 = tpu.memref_slice %arg12[%dma_wait3A_95, %dma_wait3A_96] : memref<512x32xf32, #tpu.memory_space<hbm>> -> memref<512x32xf32, #tpu.memory_space<hbm>>
      tpu.wait_indirect_dma semaphore(%arg40 : memref<!tpu.dma_semaphore, #tpu.memory_space<semaphore_mem>>) src(%dma_wait3A_97 : memref<512x32xf32, #tpu.memory_space<hbm>>) dst(%arg30 : memref<64x32xf32, #tpu.memory_space<vmem>>)
      %dma_wait3A_98 = arith.constant 0 : i32
      %dma_wait3A_99 = arith.constant 0 : i32
      %dma_wait3A_100 = tpu.memref_slice %arg13[%dma_wait3A_98, %dma_wait3A_99] : memref<32x32xf32, #tpu.memory_space<hbm>> -> memref<32x32xf32, #tpu.memory_space<hbm>>
      tpu.wait_indirect_dma semaphore(%arg46 : memref<!tpu.dma_semaphore, #tpu.memory_space<semaphore_mem>>) src(%dma_wait3A_100 : memref<32x32xf32, #tpu.memory_space<hbm>>) dst(%arg32 : memref<64x32xf32, #tpu.memory_space<vmem>>)
      %scan3A_101 = arith.constant 0 : i32
      %scan3A_102 = arith.constant 0 : i32
      %scan3A_103 = arith.constant 64 : i32
      %scan3A_104 = arith.addi %scan3A_102, %scan3A_103 : i32
      %scan3A_105 = arith.constant 1 : i32
      %scan3A_106 = scf.for %scan3A_117 = %scan3A_102 to %scan3A_104 step %scan3A_105 iter_args(%scan3A_118 = %scan3A_101) -> (i32)  : i32 {
        %get3A = arith.index_cast %scan3A_117 : i32 to index
        %get3A_119 = arith.constant 0 : index
        %get3A_120 = tpu.vector_load %arg30[%get3A, %get3A_119] {strides = array<i32>} : memref<64x32xf32, #tpu.memory_space<vmem>>, vector<16xf32>,
        %get3A_121 = arith.index_cast %scan3A_117 : i32 to index
        %get3A_122 = arith.constant 0 : index
        %get3A_123 = tpu.vector_load %arg32[%get3A_121, %get3A_122] {strides = array<i32>} : memref<64x32xf32, #tpu.memory_space<vmem>>, vector<16xf32>,
        %add3A_124 = arith.addf %get3A_120, %get3A_123 : vector<16xf32>
        %mul3A_125 = arith.constant 32 : i32
        %mul3A_126 = arith.muli %scan3A_117, %mul3A_125 : i32
        %add3A_127 = arith.constant 0 : i32
        %add3A_128 = arith.addi %mul3A_126, %add3A_127 : i32
        %swap3A = arith.index_cast %add3A_128 : i32 to index
        %swap3A_129 = tpu.vector_load %arg34[%swap3A] {strides = array<i32>} : memref<2048xf32, #tpu.memory_space<vmem>>, vector<16xf32>,
        tpu.vector_store %arg34[%swap3A], %add3A_124 {strides = array<i32>} : memref<2048xf32, #tpu.memory_space<vmem>>, vector<16xf32>,
        %get3A_130 = arith.index_cast %scan3A_117 : i32 to index
        %get3A_131 = arith.constant 16 : index
        %get3A_132 = tpu.vector_load %arg30[%get3A_130, %get3A_131] {strides = array<i32>} : memref<64x32xf32, #tpu.memory_space<vmem>>, vector<16xf32>,
        %get3A_133 = arith.index_cast %scan3A_117 : i32 to index
        %get3A_134 = arith.constant 16 : index
        %get3A_135 = tpu.vector_load %arg32[%get3A_133, %get3A_134] {strides = array<i32>} : memref<64x32xf32, #tpu.memory_space<vmem>>, vector<16xf32>,
        %add3A_136 = arith.addf %get3A_132, %get3A_135 : vector<16xf32>
        %mul3A_137 = arith.constant 32 : i32
        %mul3A_138 = arith.muli %scan3A_117, %mul3A_137 : i32
        %add3A_139 = arith.constant 16 : i32
        %add3A_140 = arith.addi %mul3A_138, %add3A_139 : i32
        %swap3A_141 = arith.index_cast %add3A_140 : i32 to index
        %swap3A_142 = tpu.vector_load %arg34[%swap3A_141] {strides = array<i32>} : memref<2048xf32, #tpu.memory_space<vmem>>, vector<16xf32>,
        tpu.vector_store %arg34[%swap3A_141], %add3A_136 {strides = array<i32>} : memref<2048xf32, #tpu.memory_space<vmem>>, vector<16xf32>,
        %scan3A_143 = arith.constant 0 : i32
        scf.yield %scan3A_143 : i32
      }
      %scan3A_107 = arith.constant 64 : i32
      %mul3A_108 = arith.constant 32 : i32
      %mul3A_109 = arith.muli %add3A_94, %mul3A_108 : i32
      %dma_start3A_110 = tpu.memref_slice %arg19[%mul3A_109] : memref<3145728xf32, #tpu.memory_space<hbm>> -> memref<2048xf32, #tpu.memory_space<hbm>>
      %dma_start3A_111 = tpu.memref_slice %arg19[%mul3A_109] : memref<3145728xf32, #tpu.memory_space<hbm>> -> memref<2048xf32, #tpu.memory_space<hbm>>
      tpu.enqueue_dma source(%arg34 : memref<2048xf32, #tpu.memory_space<vmem>>) target(%dma_start3A_111 : memref<2048xf32, #tpu.memory_space<hbm>>) target_semaphore(%arg44 : memref<!tpu.dma_semaphore, #tpu.memory_space<semaphore_mem>>)
      %dma_wait3A_112 = tpu.memref_slice %arg19[%mul3A_83] : memref<3145728xf32, #tpu.memory_space<hbm>> -> memref<2048xf32, #tpu.memory_space<hbm>>
      %dma_wait3A_113 = tpu.memref_slice %arg19[%mul3A_83] : memref<3145728xf32, #tpu.memory_space<hbm>> -> memref<2048xf32, #tpu.memory_space<hbm>>
      tpu.wait_dma2 semaphore(%arg43 : memref<!tpu.dma_semaphore, #tpu.memory_space<semaphore_mem>>) src(%arg33 : memref<2048xf32, #tpu.memory_space<vmem>>) dst(%dma_wait3A_113 : memref<2048xf32, #tpu.memory_space<hbm>>)
      %dma_wait3A_114 = tpu.memref_slice %arg19[%mul3A_109] : memref<3145728xf32, #tpu.memory_space<hbm>> -> memref<2048xf32, #tpu.memory_space<hbm>>
      %dma_wait3A_115 = tpu.memref_slice %arg19[%mul3A_109] : memref<3145728xf32, #tpu.memory_space<hbm>> -> memref<2048xf32, #tpu.memory_space<hbm>>
      tpu.wait_dma2 semaphore(%arg44 : memref<!tpu.dma_semaphore, #tpu.memory_space<semaphore_mem>>) src(%arg34 : memref<2048xf32, #tpu.memory_space<vmem>>) dst(%dma_wait3A_115 : memref<2048xf32, #tpu.memory_space<hbm>>)
      %scan3A_116 = arith.constant 0 : i32
      scf.yield %scan3A_116 : i32
    }
    %scan3A_29 = arith.constant 24 : i32
    return
  }
}

module attributes {stable_mosaic.version = 14 : i64} {
  func.func @_prep_kernel(%arg0: memref<2048x128xf32, #tpu.memory_space<vmem>>, %arg1: memref<128x128xf32, #tpu.memory_space<vmem>>, %arg2: memref<32x16xf32, #tpu.memory_space<vmem>>, %arg3: memref<16x128xf32, #tpu.memory_space<vmem>>, %arg4: memref<16x128xf32, #tpu.memory_space<vmem>>, %arg5: memref<1024x64xf32, #tpu.memory_space<vmem>>, %arg6: memref<64x64xf32, #tpu.memory_space<vmem>>, %arg7: memref<32x16xf32, #tpu.memory_space<vmem>>, %arg8: memref<16x64xf32, #tpu.memory_space<vmem>>, %arg9: memref<512x32xf32, #tpu.memory_space<vmem>>, %arg10: memref<32x32xf32, #tpu.memory_space<vmem>>, %arg11: memref<32x8xf32, #tpu.memory_space<vmem>>, %arg12: memref<8x32xf32, #tpu.memory_space<vmem>>, %arg13: memref<1x32xf32, #tpu.memory_space<vmem>>, %arg14: memref<512x32xf32, #tpu.memory_space<vmem>>, %arg15: memref<32x32xf32, #tpu.memory_space<vmem>>, %arg16: memref<32x8xf32, #tpu.memory_space<vmem>>, %arg17: memref<8x32xf32, #tpu.memory_space<vmem>>, %arg18: memref<1x32xf32, #tpu.memory_space<vmem>>, %arg19: memref<2048x128xf32, #tpu.memory_space<vmem>>, %arg20: memref<32x128xf32, #tpu.memory_space<vmem>>, %arg21: memref<32x128xf32, #tpu.memory_space<vmem>>, %arg22: memref<1024x64xf32, #tpu.memory_space<vmem>>, %arg23: memref<32x64xf32, #tpu.memory_space<vmem>>, %arg24: memref<512x32xf32, #tpu.memory_space<vmem>>, %arg25: memref<32x32xf32, #tpu.memory_space<vmem>>, %arg26: memref<512x32xf32, #tpu.memory_space<vmem>>, %arg27: memref<32x32xf32, #tpu.memory_space<vmem>>) attributes {dimension_semantics = [], scalar_prefetch = 0 : i64, scratch_operands = 0 : i64, tpu.core_type = #tpu.core_type<tc>} {
    %get3A = arith.constant 0 : index
    %get3A_0 = arith.constant 0 : index
    %get3A_1 = vector.load %arg0[%get3A, %get3A_0] : memref<2048x128xf32, #tpu.memory_space<vmem>>, vector<2048x128xf32>
    %get3A_2 = arith.constant 0 : index
    %get3A_3 = arith.constant 0 : index
    %get3A_4 = vector.load %arg1[%get3A_2, %get3A_3] : memref<128x128xf32, #tpu.memory_space<vmem>>, vector<128x128xf32>
    %dot_general3A = arith.constant dense<0.000000e+00> : vector<2048x128xf32>
    %dot_general3A_5 = tpu.matmul %get3A_1, %get3A_4, %dot_general3A {dimension_numbers = #tpu.dot_dimension_numbers<[1], [0], [0], [1], [0, 0, 1, 1], [], []>, transpose_lhs_hint = false} : vector<2048x128xf32>, vector<128x128xf32>, vector<2048x128xf32> -> vector<2048x128xf32>
    %swap3A = arith.constant 0 : index
    %swap3A_6 = arith.constant 0 : index
    %swap3A_7 = vector.load %arg19[%swap3A, %swap3A_6] : memref<2048x128xf32, #tpu.memory_space<vmem>>, vector<2048x128xf32>
    tpu.vector_store %arg19[%swap3A, %swap3A_6], %dot_general3A_5 {strides = array<i32>} : memref<2048x128xf32, #tpu.memory_space<vmem>>, vector<2048x128xf32>,
    %get3A_8 = arith.constant 0 : index
    %get3A_9 = arith.constant 0 : index
    %get3A_10 = vector.load %arg2[%get3A_8, %get3A_9] : memref<32x16xf32, #tpu.memory_space<vmem>>, vector<32x16xf32>
    %get3A_11 = arith.constant 0 : index
    %get3A_12 = arith.constant 0 : index
    %get3A_13 = vector.load %arg3[%get3A_11, %get3A_12] : memref<16x128xf32, #tpu.memory_space<vmem>>, vector<16x128xf32>
    %dot_general3A_14 = arith.constant dense<0.000000e+00> : vector<32x128xf32>
    %dot_general3A_15 = tpu.matmul %get3A_10, %get3A_13, %dot_general3A_14 {dimension_numbers = #tpu.dot_dimension_numbers<[1], [0], [0], [1], [0, 0, 1, 1], [], []>, transpose_lhs_hint = false} : vector<32x16xf32>, vector<16x128xf32>, vector<32x128xf32> -> vector<32x128xf32>
    %swap3A_16 = arith.constant 0 : index
    %swap3A_17 = arith.constant 0 : index
    %swap3A_18 = vector.load %arg20[%swap3A_16, %swap3A_17] : memref<32x128xf32, #tpu.memory_space<vmem>>, vector<32x128xf32>
    tpu.vector_store %arg20[%swap3A_16, %swap3A_17], %dot_general3A_15 {strides = array<i32>} : memref<32x128xf32, #tpu.memory_space<vmem>>, vector<32x128xf32>,
    %get3A_19 = arith.constant 0 : index
    %get3A_20 = arith.constant 0 : index
    %get3A_21 = vector.load %arg2[%get3A_19, %get3A_20] : memref<32x16xf32, #tpu.memory_space<vmem>>, vector<32x16xf32>
    %get3A_22 = arith.constant 0 : index
    %get3A_23 = arith.constant 0 : index
    %get3A_24 = vector.load %arg4[%get3A_22, %get3A_23] : memref<16x128xf32, #tpu.memory_space<vmem>>, vector<16x128xf32>
    %dot_general3A_25 = arith.constant dense<0.000000e+00> : vector<32x128xf32>
    %dot_general3A_26 = tpu.matmul %get3A_21, %get3A_24, %dot_general3A_25 {dimension_numbers = #tpu.dot_dimension_numbers<[1], [0], [0], [1], [0, 0, 1, 1], [], []>, transpose_lhs_hint = false} : vector<32x16xf32>, vector<16x128xf32>, vector<32x128xf32> -> vector<32x128xf32>
    %swap3A_27 = arith.constant 0 : index
    %swap3A_28 = arith.constant 0 : index
    %swap3A_29 = vector.load %arg21[%swap3A_27, %swap3A_28] : memref<32x128xf32, #tpu.memory_space<vmem>>, vector<32x128xf32>
    tpu.vector_store %arg21[%swap3A_27, %swap3A_28], %dot_general3A_26 {strides = array<i32>} : memref<32x128xf32, #tpu.memory_space<vmem>>, vector<32x128xf32>,
    %get3A_30 = arith.constant 0 : index
    %get3A_31 = arith.constant 0 : index
    %get3A_32 = vector.load %arg5[%get3A_30, %get3A_31] : memref<1024x64xf32, #tpu.memory_space<vmem>>, vector<1024x64xf32>
    %get3A_33 = arith.constant 0 : index
    %get3A_34 = arith.constant 0 : index
    %get3A_35 = vector.load %arg6[%get3A_33, %get3A_34] : memref<64x64xf32, #tpu.memory_space<vmem>>, vector<64x64xf32>
    %dot_general3A_36 = arith.constant dense<0.000000e+00> : vector<1024x64xf32>
    %dot_general3A_37 = tpu.matmul %get3A_32, %get3A_35, %dot_general3A_36 {dimension_numbers = #tpu.dot_dimension_numbers<[1], [0], [0], [1], [0, 0, 1, 1], [], []>, transpose_lhs_hint = false} : vector<1024x64xf32>, vector<64x64xf32>, vector<1024x64xf32> -> vector<1024x64xf32>
    %swap3A_38 = arith.constant 0 : index
    %swap3A_39 = arith.constant 0 : index
    %swap3A_40 = vector.load %arg22[%swap3A_38, %swap3A_39] : memref<1024x64xf32, #tpu.memory_space<vmem>>, vector<1024x64xf32>
    tpu.vector_store %arg22[%swap3A_38, %swap3A_39], %dot_general3A_37 {strides = array<i32>} : memref<1024x64xf32, #tpu.memory_space<vmem>>, vector<1024x64xf32>,
    %get3A_41 = arith.constant 0 : index
    %get3A_42 = arith.constant 0 : index
    %get3A_43 = vector.load %arg7[%get3A_41, %get3A_42] : memref<32x16xf32, #tpu.memory_space<vmem>>, vector<32x16xf32>
    %get3A_44 = arith.constant 0 : index
    %get3A_45 = arith.constant 0 : index
    %get3A_46 = vector.load %arg8[%get3A_44, %get3A_45] : memref<16x64xf32, #tpu.memory_space<vmem>>, vector<16x64xf32>
    %dot_general3A_47 = arith.constant dense<0.000000e+00> : vector<32x64xf32>
    %dot_general3A_48 = tpu.matmul %get3A_43, %get3A_46, %dot_general3A_47 {dimension_numbers = #tpu.dot_dimension_numbers<[1], [0], [0], [1], [0, 0, 1, 1], [], []>, transpose_lhs_hint = false} : vector<32x16xf32>, vector<16x64xf32>, vector<32x64xf32> -> vector<32x64xf32>
    %swap3A_49 = arith.constant 0 : index
    %swap3A_50 = arith.constant 0 : index
    %swap3A_51 = vector.load %arg23[%swap3A_49, %swap3A_50] : memref<32x64xf32, #tpu.memory_space<vmem>>, vector<32x64xf32>
    tpu.vector_store %arg23[%swap3A_49, %swap3A_50], %dot_general3A_48 {strides = array<i32>} : memref<32x64xf32, #tpu.memory_space<vmem>>, vector<32x64xf32>,
    %get3A_52 = arith.constant 0 : index
    %get3A_53 = arith.constant 0 : index
    %get3A_54 = vector.load %arg9[%get3A_52, %get3A_53] : memref<512x32xf32, #tpu.memory_space<vmem>>, vector<512x32xf32>
    %get3A_55 = arith.constant 0 : index
    %get3A_56 = arith.constant 0 : index
    %get3A_57 = vector.load %arg10[%get3A_55, %get3A_56] : memref<32x32xf32, #tpu.memory_space<vmem>>, vector<32x32xf32>
    %dot_general3A_58 = arith.constant dense<0.000000e+00> : vector<512x32xf32>
    %dot_general3A_59 = tpu.matmul %get3A_54, %get3A_57, %dot_general3A_58 {dimension_numbers = #tpu.dot_dimension_numbers<[1], [0], [0], [1], [0, 0, 1, 1], [], []>, transpose_lhs_hint = false} : vector<512x32xf32>, vector<32x32xf32>, vector<512x32xf32> -> vector<512x32xf32>
    %swap3A_60 = arith.constant 0 : index
    %swap3A_61 = arith.constant 0 : index
    %swap3A_62 = vector.load %arg24[%swap3A_60, %swap3A_61] : memref<512x32xf32, #tpu.memory_space<vmem>>, vector<512x32xf32>
    tpu.vector_store %arg24[%swap3A_60, %swap3A_61], %dot_general3A_59 {strides = array<i32>} : memref<512x32xf32, #tpu.memory_space<vmem>>, vector<512x32xf32>,
    %get3A_63 = arith.constant 0 : index
    %get3A_64 = arith.constant 0 : index
    %get3A_65 = vector.load %arg11[%get3A_63, %get3A_64] : memref<32x8xf32, #tpu.memory_space<vmem>>, vector<32x8xf32>
    %get3A_66 = arith.constant 0 : index
    %get3A_67 = arith.constant 0 : index
    %get3A_68 = vector.load %arg12[%get3A_66, %get3A_67] : memref<8x32xf32, #tpu.memory_space<vmem>>, vector<8x32xf32>
    %dot_general3A_69 = arith.constant dense<0.000000e+00> : vector<32x32xf32>
    %dot_general3A_70 = tpu.matmul %get3A_65, %get3A_68, %dot_general3A_69 {dimension_numbers = #tpu.dot_dimension_numbers<[1], [0], [0], [1], [0, 0, 1, 1], [], []>, transpose_lhs_hint = false} : vector<32x8xf32>, vector<8x32xf32>, vector<32x32xf32> -> vector<32x32xf32>
    %get3A_71 = arith.constant 0 : index
    %get3A_72 = arith.constant 0 : index
    %get3A_73 = vector.load %arg13[%get3A_71, %get3A_72] : memref<1x32xf32, #tpu.memory_space<vmem>>, vector<1x32xf32>
    %add3A = vector.broadcast %get3A_73 : vector<1x32xf32> to vector<32x32xf32>
    %add3A_74 = arith.addf %dot_general3A_70, %add3A : vector<32x32xf32>
    %swap3A_75 = arith.constant 0 : index
    %swap3A_76 = arith.constant 0 : index
    %swap3A_77 = vector.load %arg25[%swap3A_75, %swap3A_76] : memref<32x32xf32, #tpu.memory_space<vmem>>, vector<32x32xf32>
    tpu.vector_store %arg25[%swap3A_75, %swap3A_76], %add3A_74 {strides = array<i32>} : memref<32x32xf32, #tpu.memory_space<vmem>>, vector<32x32xf32>,
    %get3A_78 = arith.constant 0 : index
    %get3A_79 = arith.constant 0 : index
    %get3A_80 = vector.load %arg14[%get3A_78, %get3A_79] : memref<512x32xf32, #tpu.memory_space<vmem>>, vector<512x32xf32>
    %get3A_81 = arith.constant 0 : index
    %get3A_82 = arith.constant 0 : index
    %get3A_83 = vector.load %arg15[%get3A_81, %get3A_82] : memref<32x32xf32, #tpu.memory_space<vmem>>, vector<32x32xf32>
    %dot_general3A_84 = arith.constant dense<0.000000e+00> : vector<512x32xf32>
    %dot_general3A_85 = tpu.matmul %get3A_80, %get3A_83, %dot_general3A_84 {dimension_numbers = #tpu.dot_dimension_numbers<[1], [0], [0], [1], [0, 0, 1, 1], [], []>, transpose_lhs_hint = false} : vector<512x32xf32>, vector<32x32xf32>, vector<512x32xf32> -> vector<512x32xf32>
    %swap3A_86 = arith.constant 0 : index
    %swap3A_87 = arith.constant 0 : index
    %swap3A_88 = vector.load %arg26[%swap3A_86, %swap3A_87] : memref<512x32xf32, #tpu.memory_space<vmem>>, vector<512x32xf32>
    tpu.vector_store %arg26[%swap3A_86, %swap3A_87], %dot_general3A_85 {strides = array<i32>} : memref<512x32xf32, #tpu.memory_space<vmem>>, vector<512x32xf32>,
    %get3A_89 = arith.constant 0 : index
    %get3A_90 = arith.constant 0 : index
    %get3A_91 = vector.load %arg16[%get3A_89, %get3A_90] : memref<32x8xf32, #tpu.memory_space<vmem>>, vector<32x8xf32>
    %get3A_92 = arith.constant 0 : index
    %get3A_93 = arith.constant 0 : index
    %get3A_94 = vector.load %arg17[%get3A_92, %get3A_93] : memref<8x32xf32, #tpu.memory_space<vmem>>, vector<8x32xf32>
    %dot_general3A_95 = arith.constant dense<0.000000e+00> : vector<32x32xf32>
    %dot_general3A_96 = tpu.matmul %get3A_91, %get3A_94, %dot_general3A_95 {dimension_numbers = #tpu.dot_dimension_numbers<[1], [0], [0], [1], [0, 0, 1, 1], [], []>, transpose_lhs_hint = false} : vector<32x8xf32>, vector<8x32xf32>, vector<32x32xf32> -> vector<32x32xf32>
    %get3A_97 = arith.constant 0 : index
    %get3A_98 = arith.constant 0 : index
    %get3A_99 = vector.load %arg18[%get3A_97, %get3A_98] : memref<1x32xf32, #tpu.memory_space<vmem>>, vector<1x32xf32>
    %add3A_100 = vector.broadcast %get3A_99 : vector<1x32xf32> to vector<32x32xf32>
    %add3A_101 = arith.addf %dot_general3A_96, %add3A_100 : vector<32x32xf32>
    %swap3A_102 = arith.constant 0 : index
    %swap3A_103 = arith.constant 0 : index
    %swap3A_104 = vector.load %arg27[%swap3A_102, %swap3A_103] : memref<32x32xf32, #tpu.memory_space<vmem>>, vector<32x32xf32>
    tpu.vector_store %arg27[%swap3A_102, %swap3A_103], %add3A_101 {strides = array<i32>} : memref<32x32xf32, #tpu.memory_space<vmem>>, vector<32x32xf32>,
    return
  }
}

module attributes {stable_mosaic.version = 14 : i64} {
  func.func @_dense_kernel(%arg0: i32, %arg1: memref<1x1x512xi32, #tpu.memory_space<vmem>>, %arg2: memref<1x1x512xi32, #tpu.memory_space<vmem>>, %arg3: memref<1x512x8xf32, #tpu.memory_space<vmem>>, %arg4: memref<1x1x1024xi32, #tpu.memory_space<vmem>>, %arg5: memref<1x1x1024xi32, #tpu.memory_space<vmem>>, %arg6: memref<1x1024x64xf32, #tpu.memory_space<vmem>>, %arg7: memref<32x128xf32, #tpu.memory_space<vmem>>, %arg8: memref<32x128xf32, #tpu.memory_space<vmem>>, %arg9: memref<32x128xf32, #tpu.memory_space<vmem>>, %arg10: memref<32x128xf32, #tpu.memory_space<vmem>>, %arg11: memref<8x32xf32, #tpu.memory_space<vmem>>, %arg12: memref<1x32xf32, #tpu.memory_space<vmem>>, %arg13: memref<32x32xf32, #tpu.memory_space<vmem>>, %arg14: memref<1x32xf32, #tpu.memory_space<vmem>>, %arg15: memref<32x128xf32, #tpu.memory_space<vmem>>, %arg16: memref<1x128xf32, #tpu.memory_space<vmem>>, %arg17: memref<64x64xf32, #tpu.memory_space<vmem>>, %arg18: memref<1x64xf32, #tpu.memory_space<vmem>>, %arg19: memref<64x64xf32, #tpu.memory_space<vmem>>, %arg20: memref<1x64xf32, #tpu.memory_space<vmem>>, %arg21: memref<64x128xf32, #tpu.memory_space<vmem>>, %arg22: memref<1x128xf32, #tpu.memory_space<vmem>>, %arg23: memref<1x512x128xf32, #tpu.memory_space<vmem>>, %arg24: memref<1x1024x128xf32, #tpu.memory_space<vmem>>) attributes {dimension_semantics = [#tpu.dimension_semantics<arbitrary>], iteration_bounds = array<i64: 192>, scalar_prefetch = 0 : i64, scratch_operands = 0 : i64, tpu.core_type = #tpu.core_type<tc>, window_params = [{transform_indices = @transform_0, window_bounds = array<i64: 1, 1, 512>}, {transform_indices = @transform_1, window_bounds = array<i64: 1, 1, 512>}, {transform_indices = @transform_2, window_bounds = array<i64: 1, 512, 8>}, {transform_indices = @transform_3, window_bounds = array<i64: 1, 1, 1024>}, {transform_indices = @transform_4, window_bounds = array<i64: 1, 1, 1024>}, {transform_indices = @transform_5, window_bounds = array<i64: 1, 1024, 64>}, {pipeline_mode = #tpu.pipeline_mode<synchronous>, transform_indices = @transform_6, window_bounds = array<i64: 32, 128>}, {pipeline_mode = #tpu.pipeline_mode<synchronous>, transform_indices = @transform_7, window_bounds = array<i64: 32, 128>}, {pipeline_mode = #tpu.pipeline_mode<synchronous>, transform_indices = @transform_8, window_bounds = array<i64: 32, 128>}, {pipeline_mode = #tpu.pipeline_mode<synchronous>, transform_indices = @transform_9, window_bounds = array<i64: 32, 128>}, {pipeline_mode = #tpu.pipeline_mode<synchronous>, transform_indices = @transform_10, window_bounds = array<i64: 8, 32>}, {pipeline_mode = #tpu.pipeline_mode<synchronous>, transform_indices = @transform_11, window_bounds = array<i64: 1, 32>}, {pipeline_mode = #tpu.pipeline_mode<synchronous>, transform_indices = @transform_12, window_bounds = array<i64: 32, 32>}, {pipeline_mode = #tpu.pipeline_mode<synchronous>, transform_indices = @transform_13, window_bounds = array<i64: 1, 32>}, {pipeline_mode = #tpu.pipeline_mode<synchronous>, transform_indices = @transform_14, window_bounds = array<i64: 32, 128>}, {pipeline_mode = #tpu.pipeline_mode<synchronous>, transform_indices = @transform_15, window_bounds = array<i64: 1, 128>}, {pipeline_mode = #tpu.pipeline_mode<synchronous>, transform_indices = @transform_16, window_bounds = array<i64: 64, 64>}, {pipeline_mode = #tpu.pipeline_mode<synchronous>, transform_indices = @transform_17, window_bounds = array<i64: 1, 64>}, {pipeline_mode = #tpu.pipeline_mode<synchronous>, transform_indices = @transform_18, window_bounds = array<i64: 64, 64>}, {pipeline_mode = #tpu.pipeline_mode<synchronous>, transform_indices = @transform_19, window_bounds = array<i64: 1, 64>}, {pipeline_mode = #tpu.pipeline_mode<synchronous>, transform_indices = @transform_20, window_bounds = array<i64: 64, 128>}, {pipeline_mode = #tpu.pipeline_mode<synchronous>, transform_indices = @transform_21, window_bounds = array<i64: 1, 128>}, {transform_indices = @transform_22, window_bounds = array<i64: 1, 512, 128>}, {transform_indices = @transform_23, window_bounds = array<i64: 1, 1024, 128>}]} {
    %get3A = arith.constant 0 : index
    %get3A_0 = arith.constant 0 : index
    %get3A_1 = arith.constant 0 : index
    %get3A_2 = vector.load %arg3[%get3A, %get3A_0, %get3A_1] : memref<1x512x8xf32, #tpu.memory_space<vmem>>, vector<1x512x8xf32>
    %get3A_3 = arith.constant 0 : index
    %get3A_4 = arith.constant 0 : index
    %get3A_5 = vector.load %arg11[%get3A_3, %get3A_4] : memref<8x32xf32, #tpu.memory_space<vmem>>, vector<8x32xf32>
    %dot_general3A = arith.constant dense<0.000000e+00> : vector<1x512x32xf32>
    %dot_general3A_6 = tpu.matmul %get3A_2, %get3A_5, %dot_general3A {dimension_numbers = #tpu.dot_dimension_numbers<[2], [0], [0, 1], [1], [0, 0, 0, 1, 1, 1], [], []>, transpose_lhs_hint = false} : vector<1x512x8xf32>, vector<8x32xf32>, vector<1x512x32xf32> -> vector<1x512x32xf32>
    %get3A_7 = arith.constant 0 : index
    %get3A_8 = arith.constant 0 : index
    %get3A_9 = vector.load %arg12[%get3A_7, %get3A_8] : memref<1x32xf32, #tpu.memory_space<vmem>>, vector<1x32xf32>
    %broadcast_in_dim3A = vector.shape_cast %get3A_9 : vector<1x32xf32> to vector<1x1x32xf32>
    %add3A = vector.broadcast %broadcast_in_dim3A : vector<1x1x32xf32> to vector<1x512x32xf32>
    %add3A_10 = arith.addf %dot_general3A_6, %add3A : vector<1x512x32xf32>
    %max3A = arith.constant 0.000000e+00 : f32
    %max3A_11 = vector.broadcast %max3A : f32 to vector<1x512x32xf32>
    %max3A_12 = arith.maximumf %add3A_10, %max3A_11 : vector<1x512x32xf32>
    %get3A_13 = arith.constant 0 : index
    %get3A_14 = arith.constant 0 : index
    %get3A_15 = vector.load %arg13[%get3A_13, %get3A_14] : memref<32x32xf32, #tpu.memory_space<vmem>>, vector<32x32xf32>
    %dot_general3A_16 = arith.constant dense<0.000000e+00> : vector<1x512x32xf32>
    %dot_general3A_17 = tpu.matmul %max3A_12, %get3A_15, %dot_general3A_16 {dimension_numbers = #tpu.dot_dimension_numbers<[2], [0], [0, 1], [1], [0, 0, 0, 1, 1, 1], [], []>, transpose_lhs_hint = false} : vector<1x512x32xf32>, vector<32x32xf32>, vector<1x512x32xf32> -> vector<1x512x32xf32>
    %get3A_18 = arith.constant 0 : index
    %get3A_19 = arith.constant 0 : index
    %get3A_20 = vector.load %arg14[%get3A_18, %get3A_19] : memref<1x32xf32, #tpu.memory_space<vmem>>, vector<1x32xf32>
    %broadcast_in_dim3A_21 = vector.shape_cast %get3A_20 : vector<1x32xf32> to vector<1x1x32xf32>
    %add3A_22 = vector.broadcast %broadcast_in_dim3A_21 : vector<1x1x32xf32> to vector<1x512x32xf32>
    %add3A_23 = arith.addf %dot_general3A_17, %add3A_22 : vector<1x512x32xf32>
    %get3A_24 = arith.constant 0 : index
    %get3A_25 = arith.constant 0 : index
    %get3A_26 = arith.constant 0 : index
    %get3A_27 = vector.load %arg1[%get3A_24, %get3A_25, %get3A_26] : memref<1x1x512xi32, #tpu.memory_space<vmem>>, vector<1x1x512xi32>
    %get3A_28 = vector.shape_cast %get3A_27 : vector<1x1x512xi32> to vector<512xi32>
    %reshape3A = vector.shape_cast %get3A_28 : vector<512xi32> to vector<512x1xi32>
    %iota3A = tpu.iota {dimensions = array<i32: 1>} : vector<512x32xi32>
    %eq3A = vector.broadcast %reshape3A : vector<512x1xi32> to vector<512x32xi32>
    %eq3A_29 = arith.cmpi eq, %eq3A, %iota3A : vector<512x32xi32>
    %convert_element_type3A = arith.extui %eq3A_29 : vector<512x32xi1> to vector<512x32xi32>
    %convert_element_type3A_30 = arith.sitofp %convert_element_type3A : vector<512x32xi32> to vector<512x32xf32>
    %get3A_31 = arith.constant 0 : index
    %get3A_32 = arith.constant 0 : index
    %get3A_33 = vector.load %arg7[%get3A_31, %get3A_32] : memref<32x128xf32, #tpu.memory_space<vmem>>, vector<32x128xf32>
    %dot_general3A_34 = arith.constant dense<0.000000e+00> : vector<512x128xf32>
    %dot_general3A_35 = tpu.matmul %convert_element_type3A_30, %get3A_33, %dot_general3A_34 {dimension_numbers = #tpu.dot_dimension_numbers<[1], [0], [0], [1], [0, 0, 1, 1], [], []>, transpose_lhs_hint = false} : vector<512x32xf32>, vector<32x128xf32>, vector<512x128xf32> -> vector<512x128xf32>
    %get3A_36 = arith.constant 0 : index
    %get3A_37 = arith.constant 0 : index
    %get3A_38 = arith.constant 0 : index
    %get3A_39 = vector.load %arg2[%get3A_36, %get3A_37, %get3A_38] : memref<1x1x512xi32, #tpu.memory_space<vmem>>, vector<1x1x512xi32>
    %get3A_40 = vector.shape_cast %get3A_39 : vector<1x1x512xi32> to vector<512xi32>
    %reshape3A_41 = vector.shape_cast %get3A_40 : vector<512xi32> to vector<512x1xi32>
    %iota3A_42 = tpu.iota {dimensions = array<i32: 1>} : vector<512x32xi32>
    %eq3A_43 = vector.broadcast %reshape3A_41 : vector<512x1xi32> to vector<512x32xi32>
    %eq3A_44 = arith.cmpi eq, %eq3A_43, %iota3A_42 : vector<512x32xi32>
    %convert_element_type3A_45 = arith.extui %eq3A_44 : vector<512x32xi1> to vector<512x32xi32>
    %convert_element_type3A_46 = arith.sitofp %convert_element_type3A_45 : vector<512x32xi32> to vector<512x32xf32>
    %get3A_47 = arith.constant 0 : index
    %get3A_48 = arith.constant 0 : index
    %get3A_49 = vector.load %arg8[%get3A_47, %get3A_48] : memref<32x128xf32, #tpu.memory_space<vmem>>, vector<32x128xf32>
    %dot_general3A_50 = arith.constant dense<0.000000e+00> : vector<512x128xf32>
    %dot_general3A_51 = tpu.matmul %convert_element_type3A_46, %get3A_49, %dot_general3A_50 {dimension_numbers = #tpu.dot_dimension_numbers<[1], [0], [0], [1], [0, 0, 1, 1], [], []>, transpose_lhs_hint = false} : vector<512x32xf32>, vector<32x128xf32>, vector<512x128xf32> -> vector<512x128xf32>
    %add3A_52 = arith.addf %dot_general3A_35, %dot_general3A_51 : vector<512x128xf32>
    %get3A_53 = arith.constant 0 : index
    %get3A_54 = arith.constant 0 : index
    %get3A_55 = vector.load %arg15[%get3A_53, %get3A_54] : memref<32x128xf32, #tpu.memory_space<vmem>>, vector<32x128xf32>
    %dot_general3A_56 = arith.constant dense<0.000000e+00> : vector<1x512x128xf32>
    %dot_general3A_57 = tpu.matmul %add3A_23, %get3A_55, %dot_general3A_56 {dimension_numbers = #tpu.dot_dimension_numbers<[2], [0], [0, 1], [1], [0, 0, 0, 1, 1, 1], [], []>, transpose_lhs_hint = false} : vector<1x512x32xf32>, vector<32x128xf32>, vector<1x512x128xf32> -> vector<1x512x128xf32>
    %get3A_58 = arith.constant 0 : index
    %get3A_59 = arith.constant 0 : index
    %get3A_60 = vector.load %arg16[%get3A_58, %get3A_59] : memref<1x128xf32, #tpu.memory_space<vmem>>, vector<1x128xf32>
    %broadcast_in_dim3A_61 = vector.shape_cast %get3A_60 : vector<1x128xf32> to vector<1x1x128xf32>
    %add3A_62 = vector.broadcast %broadcast_in_dim3A_61 : vector<1x1x128xf32> to vector<1x512x128xf32>
    %add3A_63 = arith.addf %dot_general3A_57, %add3A_62 : vector<1x512x128xf32>
    %broadcast_in_dim3A_64 = vector.shape_cast %add3A_52 : vector<512x128xf32> to vector<1x512x128xf32>
    %add3A_65 = arith.addf %broadcast_in_dim3A_64, %add3A_63 : vector<1x512x128xf32>
    %swap3A = arith.constant 0 : index
    %swap3A_66 = arith.constant 0 : index
    %swap3A_67 = arith.constant 0 : index
    %swap3A_68 = vector.load %arg23[%swap3A, %swap3A_66, %swap3A_67] : memref<1x512x128xf32, #tpu.memory_space<vmem>>, vector<1x512x128xf32>
    tpu.vector_store %arg23[%swap3A, %swap3A_66, %swap3A_67], %add3A_65 {strides = array<i32>} : memref<1x512x128xf32, #tpu.memory_space<vmem>>, vector<1x512x128xf32>,
    %get3A_69 = arith.constant 0 : index
    %get3A_70 = arith.constant 0 : index
    %get3A_71 = arith.constant 0 : index
    %get3A_72 = vector.load %arg6[%get3A_69, %get3A_70, %get3A_71] : memref<1x1024x64xf32, #tpu.memory_space<vmem>>, vector<1x1024x64xf32>
    %get3A_73 = arith.constant 0 : index
    %get3A_74 = arith.constant 0 : index
    %get3A_75 = vector.load %arg17[%get3A_73, %get3A_74] : memref<64x64xf32, #tpu.memory_space<vmem>>, vector<64x64xf32>
    %dot_general3A_76 = arith.constant dense<0.000000e+00> : vector<1x1024x64xf32>
    %dot_general3A_77 = tpu.matmul %get3A_72, %get3A_75, %dot_general3A_76 {dimension_numbers = #tpu.dot_dimension_numbers<[2], [0], [0, 1], [1], [0, 0, 0, 1, 1, 1], [], []>, transpose_lhs_hint = false} : vector<1x1024x64xf32>, vector<64x64xf32>, vector<1x1024x64xf32> -> vector<1x1024x64xf32>
    %get3A_78 = arith.constant 0 : index
    %get3A_79 = arith.constant 0 : index
    %get3A_80 = vector.load %arg18[%get3A_78, %get3A_79] : memref<1x64xf32, #tpu.memory_space<vmem>>, vector<1x64xf32>
    %broadcast_in_dim3A_81 = vector.shape_cast %get3A_80 : vector<1x64xf32> to vector<1x1x64xf32>
    %add3A_82 = vector.broadcast %broadcast_in_dim3A_81 : vector<1x1x64xf32> to vector<1x1024x64xf32>
    %add3A_83 = arith.addf %dot_general3A_77, %add3A_82 : vector<1x1024x64xf32>
    %max3A_84 = arith.constant 0.000000e+00 : f32
    %max3A_85 = vector.broadcast %max3A_84 : f32 to vector<1x1024x64xf32>
    %max3A_86 = arith.maximumf %add3A_83, %max3A_85 : vector<1x1024x64xf32>
    %get3A_87 = arith.constant 0 : index
    %get3A_88 = arith.constant 0 : index
    %get3A_89 = vector.load %arg19[%get3A_87, %get3A_88] : memref<64x64xf32, #tpu.memory_space<vmem>>, vector<64x64xf32>
    %dot_general3A_90 = arith.constant dense<0.000000e+00> : vector<1x1024x64xf32>
    %dot_general3A_91 = tpu.matmul %max3A_86, %get3A_89, %dot_general3A_90 {dimension_numbers = #tpu.dot_dimension_numbers<[2], [0], [0, 1], [1], [0, 0, 0, 1, 1, 1], [], []>, transpose_lhs_hint = false} : vector<1x1024x64xf32>, vector<64x64xf32>, vector<1x1024x64xf32> -> vector<1x1024x64xf32>
    %get3A_92 = arith.constant 0 : index
    %get3A_93 = arith.constant 0 : index
    %get3A_94 = vector.load %arg20[%get3A_92, %get3A_93] : memref<1x64xf32, #tpu.memory_space<vmem>>, vector<1x64xf32>
    %broadcast_in_dim3A_95 = vector.shape_cast %get3A_94 : vector<1x64xf32> to vector<1x1x64xf32>
    %add3A_96 = vector.broadcast %broadcast_in_dim3A_95 : vector<1x1x64xf32> to vector<1x1024x64xf32>
    %add3A_97 = arith.addf %dot_general3A_91, %add3A_96 : vector<1x1024x64xf32>
    %get3A_98 = arith.constant 0 : index
    %get3A_99 = arith.constant 0 : index
    %get3A_100 = arith.constant 0 : index
    %get3A_101 = vector.load %arg4[%get3A_98, %get3A_99, %get3A_100] : memref<1x1x1024xi32, #tpu.memory_space<vmem>>, vector<1x1x1024xi32>
    %get3A_102 = vector.shape_cast %get3A_101 : vector<1x1x1024xi32> to vector<1024xi32>
    %reshape3A_103 = vector.shape_cast %get3A_102 : vector<1024xi32> to vector<1024x1xi32>
    %iota3A_104 = tpu.iota {dimensions = array<i32: 1>} : vector<1024x32xi32>
    %eq3A_105 = vector.broadcast %reshape3A_103 : vector<1024x1xi32> to vector<1024x32xi32>
    %eq3A_106 = arith.cmpi eq, %eq3A_105, %iota3A_104 : vector<1024x32xi32>
    %convert_element_type3A_107 = arith.extui %eq3A_106 : vector<1024x32xi1> to vector<1024x32xi32>
    %convert_element_type3A_108 = arith.sitofp %convert_element_type3A_107 : vector<1024x32xi32> to vector<1024x32xf32>
    %get3A_109 = arith.constant 0 : index
    %get3A_110 = arith.constant 0 : index
    %get3A_111 = vector.load %arg9[%get3A_109, %get3A_110] : memref<32x128xf32, #tpu.memory_space<vmem>>, vector<32x128xf32>
    %dot_general3A_112 = arith.constant dense<0.000000e+00> : vector<1024x128xf32>
    %dot_general3A_113 = tpu.matmul %convert_element_type3A_108, %get3A_111, %dot_general3A_112 {dimension_numbers = #tpu.dot_dimension_numbers<[1], [0], [0], [1], [0, 0, 1, 1], [], []>, transpose_lhs_hint = false} : vector<1024x32xf32>, vector<32x128xf32>, vector<1024x128xf32> -> vector<1024x128xf32>
    %get3A_114 = arith.constant 0 : index
    %get3A_115 = arith.constant 0 : index
    %get3A_116 = arith.constant 0 : index
    %get3A_117 = vector.load %arg5[%get3A_114, %get3A_115, %get3A_116] : memref<1x1x1024xi32, #tpu.memory_space<vmem>>, vector<1x1x1024xi32>
    %get3A_118 = vector.shape_cast %get3A_117 : vector<1x1x1024xi32> to vector<1024xi32>
    %reshape3A_119 = vector.shape_cast %get3A_118 : vector<1024xi32> to vector<1024x1xi32>
    %iota3A_120 = tpu.iota {dimensions = array<i32: 1>} : vector<1024x32xi32>
    %eq3A_121 = vector.broadcast %reshape3A_119 : vector<1024x1xi32> to vector<1024x32xi32>
    %eq3A_122 = arith.cmpi eq, %eq3A_121, %iota3A_120 : vector<1024x32xi32>
    %convert_element_type3A_123 = arith.extui %eq3A_122 : vector<1024x32xi1> to vector<1024x32xi32>
    %convert_element_type3A_124 = arith.sitofp %convert_element_type3A_123 : vector<1024x32xi32> to vector<1024x32xf32>
    %get3A_125 = arith.constant 0 : index
    %get3A_126 = arith.constant 0 : index
    %get3A_127 = vector.load %arg10[%get3A_125, %get3A_126] : memref<32x128xf32, #tpu.memory_space<vmem>>, vector<32x128xf32>
    %dot_general3A_128 = arith.constant dense<0.000000e+00> : vector<1024x128xf32>
    %dot_general3A_129 = tpu.matmul %convert_element_type3A_124, %get3A_127, %dot_general3A_128 {dimension_numbers = #tpu.dot_dimension_numbers<[1], [0], [0], [1], [0, 0, 1, 1], [], []>, transpose_lhs_hint = false} : vector<1024x32xf32>, vector<32x128xf32>, vector<1024x128xf32> -> vector<1024x128xf32>
    %add3A_130 = arith.addf %dot_general3A_113, %dot_general3A_129 : vector<1024x128xf32>
    %get3A_131 = arith.constant 0 : index
    %get3A_132 = arith.constant 0 : index
    %get3A_133 = vector.load %arg21[%get3A_131, %get3A_132] : memref<64x128xf32, #tpu.memory_space<vmem>>, vector<64x128xf32>
    %dot_general3A_134 = arith.constant dense<0.000000e+00> : vector<1x1024x128xf32>
    %dot_general3A_135 = tpu.matmul %add3A_97, %get3A_133, %dot_general3A_134 {dimension_numbers = #tpu.dot_dimension_numbers<[2], [0], [0, 1], [1], [0, 0, 0, 1, 1, 1], [], []>, transpose_lhs_hint = false} : vector<1x1024x64xf32>, vector<64x128xf32>, vector<1x1024x128xf32> -> vector<1x1024x128xf32>
    %get3A_136 = arith.constant 0 : index
    %get3A_137 = arith.constant 0 : index
    %get3A_138 = vector.load %arg22[%get3A_136, %get3A_137] : memref<1x128xf32, #tpu.memory_space<vmem>>, vector<1x128xf32>
    %broadcast_in_dim3A_139 = vector.shape_cast %get3A_138 : vector<1x128xf32> to vector<1x1x128xf32>
    %add3A_140 = vector.broadcast %broadcast_in_dim3A_139 : vector<1x1x128xf32> to vector<1x1024x128xf32>
    %add3A_141 = arith.addf %dot_general3A_135, %add3A_140 : vector<1x1024x128xf32>
    %broadcast_in_dim3A_142 = vector.shape_cast %add3A_130 : vector<1024x128xf32> to vector<1x1024x128xf32>
    %add3A_143 = arith.addf %broadcast_in_dim3A_142, %add3A_141 : vector<1x1024x128xf32>
    %swap3A_144 = arith.constant 0 : index
    %swap3A_145 = arith.constant 0 : index
    %swap3A_146 = arith.constant 0 : index
    %swap3A_147 = vector.load %arg24[%swap3A_144, %swap3A_145, %swap3A_146] : memref<1x1024x128xf32, #tpu.memory_space<vmem>>, vector<1x1024x128xf32>
    tpu.vector_store %arg24[%swap3A_144, %swap3A_145, %swap3A_146], %add3A_143 {strides = array<i32>} : memref<1x1024x128xf32, #tpu.memory_space<vmem>>, vector<1x1024x128xf32>,
    return
  }
  func.func @transform_0(%arg0: i32) -> (i32, i32, i32) {
    %c0_i32 = arith.constant 0 : i32
    %c0_i32_0 = arith.constant 0 : i32
    %c0_i32_1 = arith.constant 0 : i32
    return %arg0, %c0_i32, %c0_i32_0 : i32, i32, i32
  }
  func.func @transform_1(%arg0: i32) -> (i32, i32, i32) {
    %c0_i32 = arith.constant 0 : i32
    %c0_i32_0 = arith.constant 0 : i32
    %c0_i32_1 = arith.constant 0 : i32
    return %arg0, %c0_i32, %c0_i32_0 : i32, i32, i32
  }
  func.func @transform_2(%arg0: i32) -> (i32, i32, i32) {
    %c0_i32 = arith.constant 0 : i32
    %c0_i32_0 = arith.constant 0 : i32
    %c0_i32_1 = arith.constant 0 : i32
    return %arg0, %c0_i32, %c0_i32_0 : i32, i32, i32
  }
  func.func @transform_3(%arg0: i32) -> (i32, i32, i32) {
    %c0_i32 = arith.constant 0 : i32
    %c0_i32_0 = arith.constant 0 : i32
    %c0_i32_1 = arith.constant 0 : i32
    return %arg0, %c0_i32, %c0_i32_0 : i32, i32, i32
  }
  func.func @transform_4(%arg0: i32) -> (i32, i32, i32) {
    %c0_i32 = arith.constant 0 : i32
    %c0_i32_0 = arith.constant 0 : i32
    %c0_i32_1 = arith.constant 0 : i32
    return %arg0, %c0_i32, %c0_i32_0 : i32, i32, i32
  }
  func.func @transform_5(%arg0: i32) -> (i32, i32, i32) {
    %c0_i32 = arith.constant 0 : i32
    %c0_i32_0 = arith.constant 0 : i32
    %c0_i32_1 = arith.constant 0 : i32
    return %arg0, %c0_i32, %c0_i32_0 : i32, i32, i32
  }
  func.func @transform_6(%arg0: i32) -> (i32, i32) {
    %c0_i32 = arith.constant 0 : i32
    %c0_i32_0 = arith.constant 0 : i32
    %c0_i32_1 = arith.constant 0 : i32
    return %c0_i32, %c0_i32_0 : i32, i32
  }
  func.func @transform_7(%arg0: i32) -> (i32, i32) {
    %c0_i32 = arith.constant 0 : i32
    %c0_i32_0 = arith.constant 0 : i32
    %c0_i32_1 = arith.constant 0 : i32
    return %c0_i32, %c0_i32_0 : i32, i32
  }
  func.func @transform_8(%arg0: i32) -> (i32, i32) {
    %c0_i32 = arith.constant 0 : i32
    %c0_i32_0 = arith.constant 0 : i32
    %c0_i32_1 = arith.constant 0 : i32
    return %c0_i32, %c0_i32_0 : i32, i32
  }
  func.func @transform_9(%arg0: i32) -> (i32, i32) {
    %c0_i32 = arith.constant 0 : i32
    %c0_i32_0 = arith.constant 0 : i32
    %c0_i32_1 = arith.constant 0 : i32
    return %c0_i32, %c0_i32_0 : i32, i32
  }
  func.func @transform_10(%arg0: i32) -> (i32, i32) {
    %c0_i32 = arith.constant 0 : i32
    %c0_i32_0 = arith.constant 0 : i32
    %c0_i32_1 = arith.constant 0 : i32
    return %c0_i32, %c0_i32_0 : i32, i32
  }
  func.func @transform_11(%arg0: i32) -> (i32, i32) {
    %c0_i32 = arith.constant 0 : i32
    %c0_i32_0 = arith.constant 0 : i32
    %c0_i32_1 = arith.constant 0 : i32
    return %c0_i32, %c0_i32_0 : i32, i32
  }
  func.func @transform_12(%arg0: i32) -> (i32, i32) {
    %c0_i32 = arith.constant 0 : i32
    %c0_i32_0 = arith.constant 0 : i32
    %c0_i32_1 = arith.constant 0 : i32
    return %c0_i32, %c0_i32_0 : i32, i32
  }
  func.func @transform_13(%arg0: i32) -> (i32, i32) {
    %c0_i32 = arith.constant 0 : i32
    %c0_i32_0 = arith.constant 0 : i32
    %c0_i32_1 = arith.constant 0 : i32
    return %c0_i32, %c0_i32_0 : i32, i32
  }
  func.func @transform_14(%arg0: i32) -> (i32, i32) {
    %c0_i32 = arith.constant 0 : i32
    %c0_i32_0 = arith.constant 0 : i32
    %c0_i32_1 = arith.constant 0 : i32
    return %c0_i32, %c0_i32_0 : i32, i32
  }
  func.func @transform_15(%arg0: i32) -> (i32, i32) {
    %c0_i32 = arith.constant 0 : i32
    %c0_i32_0 = arith.constant 0 : i32
    %c0_i32_1 = arith.constant 0 : i32
    return %c0_i32, %c0_i32_0 : i32, i32
  }
  func.func @transform_16(%arg0: i32) -> (i32, i32) {
    %c0_i32 = arith.constant 0 : i32
    %c0_i32_0 = arith.constant 0 : i32
    %c0_i32_1 = arith.constant 0 : i32
    return %c0_i32, %c0_i32_0 : i32, i32
  }
  func.func @transform_17(%arg0: i32) -> (i32, i32) {
    %c0_i32 = arith.constant 0 : i32
    %c0_i32_0 = arith.constant 0 : i32
    %c0_i32_1 = arith.constant 0 : i32
    return %c0_i32, %c0_i32_0 : i32, i32
  }
  func.func @transform_18(%arg0: i32) -> (i32, i32) {
    %c0_i32 = arith.constant 0 : i32
    %c0_i32_0 = arith.constant 0 : i32
    %c0_i32_1 = arith.constant 0 : i32
    return %c0_i32, %c0_i32_0 : i32, i32
  }
  func.func @transform_19(%arg0: i32) -> (i32, i32) {
    %c0_i32 = arith.constant 0 : i32
    %c0_i32_0 = arith.constant 0 : i32
    %c0_i32_1 = arith.constant 0 : i32
    return %c0_i32, %c0_i32_0 : i32, i32
  }
  func.func @transform_20(%arg0: i32) -> (i32, i32) {
    %c0_i32 = arith.constant 0 : i32
    %c0_i32_0 = arith.constant 0 : i32
    %c0_i32_1 = arith.constant 0 : i32
    return %c0_i32, %c0_i32_0 : i32, i32
  }
  func.func @transform_21(%arg0: i32) -> (i32, i32) {
    %c0_i32 = arith.constant 0 : i32
    %c0_i32_0 = arith.constant 0 : i32
    %c0_i32_1 = arith.constant 0 : i32
    return %c0_i32, %c0_i32_0 : i32, i32
  }
  func.func @transform_22(%arg0: i32) -> (i32, i32, i32) {
    %c0_i32 = arith.constant 0 : i32
    %c0_i32_0 = arith.constant 0 : i32
    %c0_i32_1 = arith.constant 0 : i32
    return %arg0, %c0_i32, %c0_i32_0 : i32, i32, i32
  }
  func.func @transform_23(%arg0: i32) -> (i32, i32, i32) {
    %c0_i32 = arith.constant 0 : i32
    %c0_i32_0 = arith.constant 0 : i32
    %c0_i32_1 = arith.constant 0 : i32
    return %arg0, %c0_i32, %c0_i32_0 : i32, i32, i32
  }
}

</mosaic_0001>

<sc_bundles>
// kernel: kernel.5.cloned.1.call-start
scs
__scs_entry_jumppad:
0x0: {  	(pc) =	sbr.rel $0x88, $3  }
0x1: {  	(tag) =	ssettag $0x0;
	lr =	simm.s32 $0x1  }
0x2: {  	[smem:$0x3F7E] =	sst lr;
	_ =	strace $0xD0000000  }
0x3: {  	_ = 	snop  }
0x4: {  	_ = 	snop  }
0x5: {  	_ = 	snop  }
0x6: {  	_ = 	snop  }
0x7: {  	_ = 	snop  }
__scs_overlays_trampoline_lowered:
0x8: {  	[smem:$0x3F8D] =	sst s0  }
0x9: {  	[smem:$0x3F8E] =	sst s1  }
0xa: {  	[smem:$0x3F8F] =	sst s2  }
0xb: {  	[smem:$0x3F90] =	sst s3  }
0xc: {  	[smem:$0x3F91] =	sst s4  }
0xd: {  	[smem:$0x3F92] =	sst s5  }
0xe: {  	[smem:$0x3F93] =	sst s6  }
0xf: {  	[smem:$0x3F94] =	sst s7  }
0x10: {  	[smem:$0x3F95] =	sst s8  }
0x11: {  	[smem:$0x3F96] =	sst s9;
	s0 =	simm.s32 @!p0 $0x0  }
0x12: {  	s1 =	sld [smem:$0x3F7C];
	s0 =	simm.s32 @p0 $0x1  }
0x13: {  	[smem:$0x3F97] =	sst s0;
	s0 =	simm.s32 @!p1 $0x0  }
0x14: {  	s2 =	sld [smem:$0x3F7B];
	s0 =	simm.s32 @p1 $0x1  }
0x15: {  	[smem:$0x3F98] =	sst s0;
	s0 =	simm.s32 @!p2 $0x0  }
0x16: {  	s3 =	sld [smem:$0x3FDB];
	s0 =	simm.s32 @p2 $0x1  }
0x17: {  	s4 =	simm.s32 $0x1BF5;
	[smem:$0x3F9A] =	sst s0  }
0x18: {  	s0 =	sld [smem:$0x3F7D];
	_ =	swait.ge [sflag:s4], $0x0  }
0x19: {  	s7 =	sld [smem:$0x3F7E]  }
0x1a: {  	s8 =	sadd.s32 $0xFFFFE003, lr  }
0x1b: {  	s9 =	sadd.s32 $0xFFFFFEF7, lr;
	s5 =	simm.s32 $0xFFFFFFFF;
	p2 =	slt.u32 s8, $0xFFFFF086  }
0x1c: {  	p1 =	slt.u32 s9, $0xF7A;
	s5 =	simm.s32 @!p2 $0x0  }
0x1d: {  	s5 =	simm.s32 @p1 $0x1;
	p0 =	seq.s32 s7, s2  }
0x1e: {  	s7 =	smul.u32 @!p0 $0xF7A, s2;
	p2 =	seq.s32 @!p0 s5, $0x0  }
0x1f: {  	s9 =	smul.u32 $0xF7A, s1;
	s8 =	simm.s32 @!p0 $0x1BF5;
	p2 =	por !p2, p0  }
0x20: {  	[sflag:s8] =	ssyncset.s32 @!p0 $0xFFFFF086;
	s6 =	sadd.s32 @!p0 s3, s7;
	s7 =	simm.s32 @!p0 $0x108  }
0x21: {  	s3 =	sadd.s32 s3, s9;
	s6 =	sadd.s32 @!p0 $0x88, s6;
	s7 =	simm.s32 @p2 $0x1082  }
0x22: {  	[simem:s7], [sflag:s8] =	dma.local @!p0 [hbm:s6], $0xF7A  }
0x23: {  	s9 =	sor.u32 $0xD0000000, s2;
	s6 =	simm.s32 $0x108;
	_ =	swait.ge @!p0 [sflag:s8], $0x0  }
0x24: {  	s3 =	sadd.s32 $0x88, s3;
	s6 =	simm.s32 @!p1 $0x1082;
	[sflag:s4] =	ssyncset.s32 $0xFFFFF086  }
0x25: {  	[simem:s6], [sflag:s4] =	dma.local [hbm:s3], $0xF7A  }
0x26: {  	[smem:$0x3F7E] =	sst s1;
	(tag) =	ssettag s2;
	_ =	strace s9  }
0x27: {  	s1 =	sld [smem:$0x3F8E]  }
0x28: {  	s2 =	sld [smem:$0x3F8F]  }
0x29: {  	s4 =	sld [smem:$0x3F91]  }
0x2a: {  	p0 =	seq.s32 s5, $0x0;
	s5 =	sld [smem:$0x3F92]  }
0x2b: {  	s6 =	sld [smem:$0x3F93]  }
0x2c: {  	s7 =	sld [smem:$0x3F94]  }
0x2d: {  	s3 =	simm.s32 $0x108;
	s8 =	sld [smem:$0x3F95]  }
0x2e: {  	s3 =	simm.s32 @!p0 $0x1082;
	s9 =	sld [smem:$0x3F96]  }
0x2f: {  	lr =	sadd.s32 s0, s3;
	s0 =	sld [smem:$0x3F8D]  }
0x30: {  	s3 =	sld [smem:$0x3F90]  }
0x31: {  	[smem:$0x3F99] =	sst s10  }
0x32: {  	s10 =	sld [smem:$0x3F97];
	_ =	sdelay $0x3  }
0x33: {  	p0 =	seq.s32 s10, $0x1;
	s10 =	sld [smem:$0x3F99];
	_ =	sdelay $0x3  }
0x34: {  	[smem:$0x3F99] =	sst s10  }
0x35: {  	s10 =	sld [smem:$0x3F98];
	_ =	sdelay $0x3  }
0x36: {  	p1 =	seq.s32 s10, $0x1;
	s10 =	sld [smem:$0x3F99];
	_ =	sdelay $0x3  }
0x37: {  	[smem:$0x3F99] =	sst s10  }
0x38: {  	s10 =	sld [smem:$0x3F9A]  }
0x39: {  	_ = 	snop;
	(pc) =	sbr.ind lr, $3  }
0x3a: {  	_ = 	snop  }
0x3b: {  	_ = 	snop  }
0x3c: {  	p2 =	seq.s32 s10, $0x1;
	s10 =	sld [smem:$0x3F99]  }
0x3d: {  	_ =	shalt  }
0x3e: {  	_ =	shalt  }
0x3f: {  	_ =	shalt  }
0x40: {  	_ =	shalt  }
0x41: {  	_ =	shalt  }
0x42: {  	_ =	shalt  }
0x43: {  	_ =	shalt  }
0x44: {  	_ =	shalt  }
0x45: {  	_ =	shalt  }
0x46: {  	_ =	shalt  }
0x47: {  	_ =	shalt  }
0x48: {  	_ =	shalt  }
0x49: {  	_ =	shalt  }
0x4a: {  	_ =	shalt  }
0x4b: {  	_ =	shalt  }
0x4c: {  	_ =	shalt  }
0x4d: {  	_ =	shalt  }
0x4e: {  	_ =	shalt  }
0x4f: {  	_ =	shalt  }
0x50: {  	_ =	shalt  }
0x51: {  	_ =	shalt  }
0x52: {  	_ =	shalt  }
0x53: {  	_ =	shalt  }
0x54: {  	_ =	shalt  }
0x55: {  	_ =	shalt  }
0x56: {  	_ =	shalt  }
0x57: {  	_ =	shalt  }
0x58: {  	_ =	shalt  }
0x59: {  	_ =	shalt  }
0x5a: {  	_ =	shalt  }
0x5b: {  	_ =	shalt  }
0x5c: {  	_ =	shalt  }
0x5d: {  	_ =	shalt  }
0x5e: {  	_ =	shalt  }
0x5f: {  	_ =	shalt  }
0x60: {  	_ =	shalt  }
0x61: {  	_ =	shalt  }
0x62: {  	_ =	shalt  }
0x63: {  	_ =	shalt  }
0x64: {  	_ =	shalt  }
0x65: {  	_ =	shalt  }
0x66: {  	_ =	shalt  }
0x67: {  	_ =	shalt  }
0x68: {  	_ =	shalt  }
0x69: {  	_ =	shalt  }
0x6a: {  	_ =	shalt  }
0x6b: {  	_ =	shalt  }
0x6c: {  	_ =	shalt  }
0x6d: {  	_ =	shalt  }
0x6e: {  	_ =	shalt  }
0x6f: {  	_ =	shalt  }
0x70: {  	_ =	shalt  }
0x71: {  	_ =	shalt  }
0x72: {  	_ =	shalt  }
0x73: {  	_ =	shalt  }
0x74: {  	_ =	shalt  }
0x75: {  	_ =	shalt  }
0x76: {  	_ =	shalt  }
0x77: {  	_ =	shalt  }
0x78: {  	_ =	shalt  }
0x79: {  	_ =	shalt  }
0x7a: {  	_ =	shalt  }
0x7b: {  	_ =	shalt  }
0x7c: {  	_ =	shalt  }
0x7d: {  	_ =	shalt  }
0x7e: {  	_ =	shalt  }
0x7f: {  	_ =	shalt  }
0x80: {  	_ =	shalt  }
0x81: {  	_ =	shalt  }
0x82: {  	_ =	shalt  }
0x83: {  	_ =	shalt  }
0x84: {  	_ =	shalt  }
0x85: {  	_ =	shalt  }
0x86: {  	_ =	shalt  }
0x87: {  	_ =	shalt  }
.Lfunc_end0:
.L_simem_size_0:
called_computation.2_lowered:
.L_overlay_start_0:
0x88: {  	s2 =	sld [smem:$0x3FD9]  }
0x89: {  	s3 =	sld [smem:$0x3FFE];
	_ =	sdelay $0x1  }
0x8a: {  	s1 =	srdreg.scid  }
0x8b: {  	s0 =	sand.u32 $0x1, s1  }
0x8c: {  	s14 =	sshll.u32 s0, $0xA;
	s2 =	sadd.s32 s3, s2  }
0x8d: {  	s2 =	sadd.s32 s2, s14  }
0x8e: {  	[smem:$0x3FA5] =	sst s2  }
0x8f: {  	_ = 	snop  }
0x90: {  	s2 =	sld [smem:$0x3FD0];
	_ =	sdelay $0x2  }
0x91: {  	s15 =	simm.s32 $0xB;
	s4 =	simm.s32 $0x10  }
0x92: {  	[smem:s4], [sflag:s15] =	dma.local [hbm:s2], $0x1  }
0x93: {  	_ =	swait.eq [sflag:s15], $0x1  }
0x94: {  	s16 =	sld [smem:$0x10]  }
0x95: {  	s17 =	sld [smem:$0x11];
	[sflag:s15] =	ssyncset.done $0x0  }
0x96: {  	s5 =	sld [smem:$0x12];
	[sflag:s15] =	ssyncadd.s32 $0xFFFFFFFF  }
0x97: {  	s18 =	sld [smem:$0x13];
	(tm) =	ssettm $0x1  }
0x98: {  	s6 =	sld [smem:$0x3FFB];
	_ =	sdelay $0x3  }
0x99: {  	_ =	strace s6  }
0x9a: {  	s6 =	sld [smem:$0x3FFC];
	_ =	sdelay $0x3  }
0x9b: {  	_ =	strace s6  }
0x9c: {  	s6 =	sld [smem:$0x3FFD];
	_ =	sdelay $0x3  }
0x9d: {  	_ =	strace s6  }
0x9e: {  	_ =	strace $0x8FFFFFFF  }
0x9f: {  	s19 =	sld [smem:$0x3FDB];
	_ =	sdelay $0x1  }
0xa0: {  	s7 =	simm.s32 $_scs_section_size  }
0xa1: {  	s8 =	simm.s32 $_size__tile_overlayer_lowered;
	s9 =	simm.s32 $_tile_overlayer_lowered  }
0xa2: {  	s22 =	simm.s32 $0x1BFF;
	s21 =	sshll.u32 s9, $0x1;
	s6 =	sadd.s32 s7, s19  }
0xa3: {  	s10 =	simm.s32 $0x0;
	s20 =	sshll.u32 s8, $0x1;
	s8 =	sadd.s32 s21, s6  }
0xa4: {  	[timem:s10], [sflag:s22] =	dma.local [hbm:s8], s20  }
0xa5: {  	_ =	swait.ge [sflag:s22], s20  }
0xa6: {  	s7 =	ssub.s32 $0x0, s20;
	[sflag:s22] =	ssyncset.done $0x0  }
0xa7: {  	[sflag:s22] =	ssyncadd.s32 s7;
	_ =	sdelay $0x1  }
0xa8: {  	s23 =	simm.s32 $0x1B8B  }
0xa9: {  	_ =	swait.ge [sflag:s23], $0x1  }
0xaa: {  	[sflag:s23] =	ssyncset.done $0x0  }
0xab: {  	s25 =	simm.s32 $0x1B8E;
	s24 =	sld [smem:$0x3FFE];
	[sflag:s23] =	ssyncadd.s32 $0xFFFFFFFF  }
0xac: {  	s26 =	simm.s32 $execute0_lowered;
	[smem:$0x3FD2] =	sst s25  }
0xad: {  	s8 =	sshll.u32 s26, $0x1;
	_ =	strace $0x80000046;
	[dreg:$0x1] =	wrdreg $0xFFFFFFFF  }
0xae: {  	s28 =	simm.s32 $_size_execute0_lowered;
	s6 =	sadd.s32 s6, s8;
	[dreg:$0x0] =	wrdreg $0x0  }
0xaf: {  	s8 =	sshll.u32 s28, $0x1;
	[dreg:$0x2] =	wrdreg s6  }
0xb0: {  	[dreg:$0x3] =	wrdreg s8  }
0xb1: {  	[dreg:$0x4] =	wrdreg $0xC0  }
0xb2: {  	_ =	task [dreg:s10], $0x5FFFF  }
0xb3: {  	[dreg:$0x1] =	wrdreg $0xFFFFFFFF  }
0xb4: {  	[dreg:$0x0] =	wrdreg $0x60  }
0xb5: {  	[dreg:$0x2] =	wrdreg s24  }
0xb6: {  	[dreg:$0x3] =	wrdreg s5  }
0xb7: {  	[dreg:$0x4] =	wrdreg s16  }
0xb8: {  	[dreg:$0x5] =	wrdreg s17  }
0xb9: {  	[dreg:$0x6] =	wrdreg s18  }
0xba: {  	[dreg:$0x7] =	wrdreg $0x9  }
0xbb: {  	_ =	task.clear_ibuf [dreg:s10], $0x8FFFF;
	_ =	strace $0x90000046  }
0xbc: {  	s29 =	simm.s32 $0x9;
	_ =	strace $0x80000048  }
0xbd: {  	_ =	swait.ge [sflag:s29], $0x1  }
0xbe: {  	[sflag:s29] =	ssyncadd.s32 $0xFFFFFFFF  }
0xbf: {  	_ =	strace $0x90000048  }
0xc0: {  	_ =	sfence  }
0xc1: {  	s30 =	sld [smem:$0x0];
	_ =	sdelay $0x2  }
0xc2: {  	s31 =	sshll.u32 s1, $0xD;
	s1 =	sshrl.u32 s1, $0x2  }
0xc3: {  	s3 =	sand.u32 $0x4000, s31;
	s1 =	sadd.s32 s1, s30  }
0xc4: {  	s0 =	sor.u32 s3, s0;
	s1 =	sshll.u32 s1, $0x11  }
0xc5: {  	s0 =	sor.u32 s1, s0  }
0xc6: {  	s0 =	sadd.s32 $0x8F2B, s0  }
0xc7: {  	[sflag:s0] =	ssyncadd.remote.s32 $0x1  }
0xc8: {  	_ =	sfence.sel $0xFFFF  }
0xc9: {  	[dreg:$0x0] =	wrdreg $0xFFFFFFFF;
	(pc) =	sbr.abs _section_cstart, $3  }
0xca: {  	[dreg:$0x1] =	wrdreg $0xFFFFFFFF  }
0xcb: {  	_ =	task.clear_ibuf [dreg:s10], $0x2FFFF;
	_ =	strace $0x9FFFFFFF  }
0xcc: {  	(tm) =	ssettm $0x7FFFFFFF  }
0xcd: {  	_ =	shalt  }
tec
execute0_lowered:
.L_overlay_start_1:
0x0: {  	(tag) =	ssettag $0x1  }
0x1: {  	s0 =	rddreg [dreg:$0x0]  }
0x2: {  	s1 =	srdreg.scid;
	s2 =	stileid.u32  }
0x3: {  	s11 =	rddreg [dreg:$0x2];
	s3 =	simm.s32 $0x0;
	s31 =	simm.s32 $0x1  }
0x4: {  	s21 =	simm.s32 $0x4;
	s7 =	simm.s32 $0x6;
	s28 =	simm.s32 $0xFCC0  }
0x5: {  	s8 =	simm.s32 $0x0;
	s1 =	sand.u32 $0x1, s1;
	s2 =	sshll.u32 s2, $0x1  }
0x6: {  	[smem:$0x7FF] =	sst s3;
	s4 =	sadd.s32 $0x1A7000, s0;
	s23 =	sadd.s32 $0x1A4000, s0  }
0x7: {  	s24 =	sadd.s32 $0x1A1000, s0;
	s25 =	sadd.s32 $0x19E000, s0;
	s12 =	sadd.s32 $0xF200, s0  }
0x8: {  	s13 =	sadd.s32 $0x19C000, s0;
	s14 =	sadd.s32 $0x19A00, s0;
	s15 =	sadd.s32 $0x1B600, s0  }
0x9: {  	s16 =	sadd.s32 $0x19200, s0;
	_ =	strace $0x80000047;
	[dreg:$0x6] =	wrdreg s4  }
0xa: {  	s17 =	sadd.s32 $0x1B800, s0;
	s18 =	sadd.s32 $0x1AD000, s0;
	[dreg:$0x7] =	wrdreg s23  }
0xb: {  	s19 =	sadd.s32 $0x1BA00, s0;
	s20 =	sadd.s32 $0x4AD000, s0;
	[dreg:$0x8] =	wrdreg s24  }
0xc: {  	s2 =	sor.u32 s1, s2;
	[dreg:$0x9] =	wrdreg s25;
	s1 =	ssub.s32 $0x2, s1  }
0xd: {  	s24 =	simm.s32 $0x9;
	s25 =	simm.s32 $0x40;
	[dreg:$0xa] =	wrdreg s12  }
0xe: {  	s23 =	simm.s32 $0x5;
	[dreg:$0xe] =	wrdreg s13;
	s6 =	smul.u32 $0xC00, s2  }
0xf: {  	s4 =	simm.s32 $0xFC80;
	[dreg:$0xf] =	wrdreg s14;
	s30 =	smul.u32 $0x3000, s2  }
0x10: {  	s26 =	sshrl.u32 s1, $0x1;
	s2 =	simm.s32 $0x7;
	s22 =	sshrl.u32 s6, $0x3  }
0x11: {  	[dreg:$0xc] =	wrdreg s30;
	s3 =	sadd.s32 s22, s0;
	s0 =	ssub.s32 s1, s26  }
0x12: {  	s26 =	simm.s32 $0xFC00;
	s1 =	simm.s32 $0xFC40;
	s29 =	sadd.s32 $0x1AA000, s3  }
0x13: {  	s22 =	simm.s32 $0x8;
	s0 =	smax.u32 s0, $0x1;
	[dreg:$0xb] =	wrdreg s29  }
0x14: {  	s3 =	simm.s32 $0x3;
	[dreg:$0xd] =	wrdreg s0;
	s0 =	simm.s32 $0x2  }
.LBB2_1:
0x15: {  	[dreg:$0x10] =	wrdreg s8  }
0x16: {  	s5 =	simm.s32 $0x0;
	s30 =	rddreg [dreg:$0xb]  }
0x17: {  	[tilespmem:s5], [sflag:$0x9] =	stream.linear.gather [hbm4b:s30+s5], $0xC00, $0x38;
	[tilespmem:$0xFD00] =	vst v63  }
0x18: {  	_ =	swait.ge [sflag:s24], $0xC00  }
0x19: {  	[sflag:s24] =	ssyncset.done $0x0  }
0x1a: {  	s29 =	simm.s32 $0x0;
	[sflag:s24] =	ssyncadd.s32 $0xFFFFF400  }
.LBB2_2:
0x1b: {  	s5 =	sshll.u32 s29, $0x7;
	s8 =	simm.s32 $0xC00  }
0x1c: {  	[tilespmem:s8], [sflag:$0x1] =	stream.indirect.gather [hbm4b:s12+s25], $0x80, s5, s25, $0xb8;
	[tilespmem:$0xFD00] =	vst v63  }
0x1d: {  	s9 =	sadd.s32 s6, s5  }
0x1e: {  	s30 =	sshll.u32 s9, $0x4  }
0x1f: {  	s10 =	simm.s32 $0x4C00;
	s9 =	simm.s32 $0x0;
	s8 =	sadd.s32 s11, s30  }
0x20: {  	[tilespmem:s10], [sflag:$0x3] =	stream.linear.gather [hbm4b:s8+s9], $0x2000, $0x38;
	[tilespmem:$0xFD00] =	vst v63  }
0x21: {  	s5 =	sor.u32 $0x40, s5;
	s10 =	simm.s32 $0x2C00  }
0x22: {  	[tilespmem:s10], [sflag:$0x2] =	stream.indirect.gather [hbm4b:s12+s25], $0x80, s5, s25, $0xb8;
	[tilespmem:$0xFD00] =	vst v63  }
0x23: {  	s5 =	sadd.s32 s6, s5  }
0x24: {  	s5 =	sshll.u32 s5, $0x4  }
0x25: {  	s5 =	sand.u32 $0x1FFFFC00, s5  }
0x26: {  	s13 =	simm.s32 $0x6C00;
	s14 =	sadd.s32 s11, s5  }
0x27: {  	[tilespmem:s13], [sflag:$0x4] =	stream.linear.gather [hbm4b:s14+s9], $0x2000, $0x38;
	[tilespmem:$0xFD00] =	vst v63  }
0x28: {  	_ =	swait.ge [sflag:s31], $0x2000  }
0x29: {  	[sflag:s31] =	ssyncset.done $0x0  }
0x2a: {  	[sflag:s31] =	ssyncadd.s32 $0xFFFFE000  }
0x2b: {  	_ =	swait.ge [sflag:s3], $0x2000  }
0x2c: {  	[sflag:s3] =	ssyncset.done $0x0  }
0x2d: {  	s8 =	simm.s32 $0x0;
	[sflag:s3] =	ssyncadd.s32 $0xFFFFE000  }
0x2e: {  	v7 =	vld [tilespmem:s8+$0xC00]  }
0x2f: {  	v11 =	vld [tilespmem:s8+$0xC10]  }
0x30: {  	v5 =	vld [tilespmem:s8+$0xC20]  }
0x31: {  	v4 =	vld [tilespmem:s8+$0xC30]  }
0x32: {  	v3 =	vld [tilespmem:s8+$0xC40]  }
0x33: {  	v2 =	vld [tilespmem:s8+$0xC50]  }
0x34: {  	v1 =	vld [tilespmem:s8+$0xC60]  }
0x35: {  	v0 =	vld [tilespmem:s8+$0xC70]  }
0x36: {  	v12 =	vld [tilespmem:s8+$0x4C00]  }
0x37: {  	v13 =	vld [tilespmem:s8+$0x4C10]  }
0x38: {  	v10 =	vld [tilespmem:s8+$0x4C20]  }
0x39: {  	v9 =	vld [tilespmem:s8+$0x4C30]  }
0x3a: {  	v8 =	vld [tilespmem:s8+$0x4C40]  }
0x3b: {  	v6 =	vld [tilespmem:s8+$0x4C50];
	v12 =	vadd.f32 v7, v12  }
0x3c: {  	s9 =	simm.s32 $0x200;
	v11 =	vadd.f32 v11, v13;
	v7 =	vld [tilespmem:s8+$0x4C60]  }
.LBB2_3:
0x3d: {  	s10 =	sshra.s32 s9, $0x2;
	p0 =	sne.s32 s9, $0x7E00;
	[tilespmem:s8+$0x4C00] =	vst v12;
	v5 =	vadd.f32 v5, v10;
	v10 =	vld [tilespmem:s8+$0x4C70]  }
0x3e: {  	v12 =	vld [tilespmem:s10+$0xC00];
	[tilespmem:s8+$0x4C10] =	vst v11;
	v4 =	vadd.f32 v4, v9  }
0x3f: {  	v11 =	vld [tilespmem:s10+$0xC10];
	[tilespmem:s8+$0x4C20] =	vst v5;
	v3 =	vadd.f32 v3, v8  }
0x40: {  	v5 =	vld [tilespmem:s10+$0xC20];
	[tilespmem:s8+$0x4C30] =	vst v4;
	v2 =	vadd.f32 v2, v6  }
0x41: {  	v4 =	vld [tilespmem:s10+$0xC30];
	[tilespmem:s8+$0x4C40] =	vst v3;
	v1 =	vadd.f32 v1, v7  }
0x42: {  	v3 =	vld [tilespmem:s10+$0xC40];
	[tilespmem:s8+$0x4C50] =	vst v2;
	v0 =	vadd.f32 v0, v10  }
0x43: {  	v2 =	vld [tilespmem:s10+$0xC50];
	[tilespmem:s8+$0x4C60] =	vst v1  }
0x44: {  	v1 =	vld [tilespmem:s10+$0xC60];
	[tilespmem:s8+$0x4C70] =	vst v0;
	s8 =	smov.u32 s10  }
0x45: {  	v0 =	vld [tilespmem:s8+$0xC70]  }
0x46: {  	v6 =	vld [tilespmem:s8+$0x4C00]  }
0x47: {  	v7 =	vld [tilespmem:s8+$0x4C10]  }
.Ltmp0:
0x48: {  	v10 =	vld [tilespmem:s8+$0x4C20];
	(pc) =	sbr.rel @p0 .LBB2_3-.Ltmp0, $4  }
0x49: {  	v9 =	vld [tilespmem:s8+$0x4C30]  }
0x4a: {  	v8 =	vld [tilespmem:s8+$0x4C40]  }
0x4b: {  	v12 =	vadd.f32 v12, v6;
	v6 =	vld [tilespmem:s8+$0x4C50]  }
0x4c: {  	s9 =	sadd.s32 $0x200, s9;
	v11 =	vadd.f32 v11, v7;
	v7 =	vld [tilespmem:s8+$0x4C60]  }
0x4d: {  	[tilespmem:s8+$0x4C00] =	vst v12;
	v5 =	vadd.f32 v5, v10;
	v10 =	vld [tilespmem:s8+$0x4C70]  }
0x4e: {  	[tilespmem:s8+$0x4C10] =	vst v11;
	v4 =	vadd.f32 v4, v9  }
0x4f: {  	[tilespmem:s8+$0x4C20] =	vst v5;
	v3 =	vadd.f32 v3, v8  }
0x50: {  	[tilespmem:s8+$0x4C30] =	vst v4;
	v2 =	vadd.f32 v2, v6  }
0x51: {  	[tilespmem:s8+$0x4C40] =	vst v3;
	v1 =	vadd.f32 v1, v7  }
0x52: {  	[tilespmem:s8+$0x4C50] =	vst v2;
	v0 =	vadd.f32 v0, v10  }
0x53: {  	[tilespmem:s8+$0x4C60] =	vst v1  }
0x54: {  	s30 =	sadd.s32 s19, s30;
	s9 =	simm.s32 $0x0;
	s10 =	simm.s32 $0x4C00;
	[tilespmem:s8+$0x4C70] =	vst v0  }
0x55: {  	[hbm4b:s30+s9] =	stream.linear.scatter [tilespmem:s10], [sflag:$0x5], $0x2000, $0x38;
	[tilespmem:$0xFD00] =	vst v63  }
0x56: {  	_ =	swait.ge [sflag:s0], $0x2000  }
0x57: {  	[sflag:s0] =	ssyncset.done $0x0  }
0x58: {  	[sflag:s0] =	ssyncadd.s32 $0xFFFFE000  }
0x59: {  	_ =	swait.ge [sflag:s21], $0x2000  }
0x5a: {  	[sflag:s21] =	ssyncset.done $0x0  }
0x5b: {  	s8 =	simm.s32 $0x0;
	[sflag:s21] =	ssyncadd.s32 $0xFFFFE000  }
0x5c: {  	v7 =	vld [tilespmem:s8+$0x2C00]  }
0x5d: {  	v11 =	vld [tilespmem:s8+$0x2C10]  }
0x5e: {  	v5 =	vld [tilespmem:s8+$0x2C20]  }
0x5f: {  	v4 =	vld [tilespmem:s8+$0x2C30]  }
0x60: {  	v3 =	vld [tilespmem:s8+$0x2C40]  }
0x61: {  	v2 =	vld [tilespmem:s8+$0x2C50]  }
0x62: {  	v1 =	vld [tilespmem:s8+$0x2C60]  }
0x63: {  	v0 =	vld [tilespmem:s8+$0x2C70]  }
0x64: {  	v12 =	vld [tilespmem:s8+$0x6C00]  }
0x65: {  	v13 =	vld [tilespmem:s8+$0x6C10]  }
0x66: {  	v10 =	vld [tilespmem:s8+$0x6C20]  }
0x67: {  	v9 =	vld [tilespmem:s8+$0x6C30]  }
0x68: {  	v8 =	vld [tilespmem:s8+$0x6C40]  }
0x69: {  	v6 =	vld [tilespmem:s8+$0x6C50];
	v12 =	vadd.f32 v7, v12  }
0x6a: {  	s9 =	simm.s32 $0x200;
	v11 =	vadd.f32 v11, v13;
	v7 =	vld [tilespmem:s8+$0x6C60]  }
.LBB2_5:
0x6b: {  	s10 =	sshra.s32 s9, $0x2;
	p0 =	sne.s32 s9, $0x7E00;
	[tilespmem:s8+$0x6C00] =	vst v12;
	v5 =	vadd.f32 v5, v10;
	v10 =	vld [tilespmem:s8+$0x6C70]  }
0x6c: {  	v12 =	vld [tilespmem:s10+$0x2C00];
	[tilespmem:s8+$0x6C10] =	vst v11;
	v4 =	vadd.f32 v4, v9  }
0x6d: {  	v11 =	vld [tilespmem:s10+$0x2C10];
	[tilespmem:s8+$0x6C20] =	vst v5;
	v3 =	vadd.f32 v3, v8  }
0x6e: {  	v5 =	vld [tilespmem:s10+$0x2C20];
	[tilespmem:s8+$0x6C30] =	vst v4;
	v2 =	vadd.f32 v2, v6  }
0x6f: {  	v4 =	vld [tilespmem:s10+$0x2C30];
	[tilespmem:s8+$0x6C40] =	vst v3;
	v1 =	vadd.f32 v1, v7  }
0x70: {  	v3 =	vld [tilespmem:s10+$0x2C40];
	[tilespmem:s8+$0x6C50] =	vst v2;
	v0 =	vadd.f32 v0, v10  }
0x71: {  	v2 =	vld [tilespmem:s10+$0x2C50];
	[tilespmem:s8+$0x6C60] =	vst v1  }
0x72: {  	v1 =	vld [tilespmem:s10+$0x2C60];
	[tilespmem:s8+$0x6C70] =	vst v0;
	s8 =	smov.u32 s10  }
0x73: {  	v0 =	vld [tilespmem:s8+$0x2C70]  }
0x74: {  	v6 =	vld [tilespmem:s8+$0x6C00]  }
0x75: {  	v7 =	vld [tilespmem:s8+$0x6C10]  }
.Ltmp1:
0x76: {  	v10 =	vld [tilespmem:s8+$0x6C20];
	(pc) =	sbr.rel @p0 .LBB2_5-.Ltmp1, $4  }
0x77: {  	v9 =	vld [tilespmem:s8+$0x6C30]  }
0x78: {  	v8 =	vld [tilespmem:s8+$0x6C40]  }
0x79: {  	v12 =	vadd.f32 v12, v6;
	v6 =	vld [tilespmem:s8+$0x6C50]  }
0x7a: {  	s9 =	sadd.s32 $0x200, s9;
	v11 =	vadd.f32 v11, v7;
	v7 =	vld [tilespmem:s8+$0x6C60]  }
0x7b: {  	[tilespmem:s8+$0x6C00] =	vst v12;
	v5 =	vadd.f32 v5, v10;
	v63 =	vld [tilespmem:s8+$0x6C70]  }
0x7c: {  	[tilespmem:s8+$0x6C10] =	vst v11;
	v4 =	vadd.f32 v4, v9  }
0x7d: {  	[tilespmem:s8+$0x6C20] =	vst v5;
	v3 =	vadd.f32 v3, v8  }
0x7e: {  	[tilespmem:s8+$0x6C30] =	vst v4;
	v2 =	vadd.f32 v2, v6  }
0x7f: {  	[tilespmem:s8+$0x6C40] =	vst v3;
	v1 =	vadd.f32 v1, v7  }
0x80: {  	[tilespmem:s8+$0x6C50] =	vst v2;
	v0 =	vadd.f32 v0, v63  }
0x81: {  	s30 =	sadd.s32 s19, s5;
	[tilespmem:s8+$0x6C60] =	vst v1  }
0x82: {  	s5 =	simm.s32 $0x0;
	s9 =	simm.s32 $0x6C00;
	s29 =	sadd.s32 $0x1, s29;
	[tilespmem:s8+$0x6C70] =	vst v0  }
0x83: {  	[hbm4b:s30+s5] =	stream.linear.scatter [tilespmem:s9], [sflag:$0x6], $0x2000, $0x38;
	[tilespmem:$0xFD00] =	vst v63  }
0x84: {  	p0 =	sne.s32 s29, $0x18;
	_ =	swait.ge [sflag:s23], $0x2000  }
.Ltmp2:
0x85: {  	[sflag:s23] =	ssyncset.done $0x0;
	(pc) =	sbr.rel @p0 .LBB2_2-.Ltmp2, $4  }
0x86: {  	[sflag:s23] =	ssyncadd.s32 $0xFFFFE000  }
0x87: {  	_ =	swait.ge [sflag:s7], $0x2000  }
0x88: {  	[sflag:s7] =	ssyncset.done $0x0  }
0x89: {  	[sflag:s7] =	ssyncadd.s32 $0xFFFFE000  }
0x8a: {  	s29 =	simm.s32 $0x0;
	s13 =	rddreg [dreg:$0xe];
	s14 =	simm.s32 $0xBC00  }
.LBB2_8:
0x8b: {  	s8 =	sshll.u32 s29, $0x7;
	s9 =	rddreg [dreg:$0xc]  }
0x8c: {  	s9 =	sadd.s32 s9, s8  }
0x8d: {  	s11 =	rddreg [dreg:$0x1];
	s8 =	sshrl.u32 s9, $0x3  }
0x8e: {  	s8 =	sadd.s32 s11, s8  }
0x8f: {  	[tilespmem:s26], [sflag:$0x9] =	stream.linear.gather [hbm4b:s8+s5], $0x40, $0x38;
	[tilespmem:$0xFD00] =	vst v63  }
0x90: {  	_ =	swait.ge [sflag:s24], $0x40  }
0x91: {  	s10 =	simm.s32 $0x8C00;
	[sflag:s24] =	ssyncset.done $0x0  }
0x92: {  	s8 =	sshll.u32 s9, $0x3;
	s9 =	sadd.s32 $0x40, s9;
	[sflag:s24] =	ssyncadd.s32 $0xFFFFFFC0  }
0x93: {  	[tilespmem:s10], [sflag:$0x1] =	stream.indirect.gather [hbm4b:s13+s25], $0x40, s26, s25, $0xb8;
	[tilespmem:$0xFD00] =	vst v63  }
0x94: {  	s30 =	simm.s32 $0xAC00;
	s12 =	sshrl.u32 s9, $0x3;
	s10 =	sadd.s32 s18, s8  }
0x95: {  	[tilespmem:s30], [sflag:$0x3] =	stream.linear.gather [hbm4b:s10+s5], $0x1000, $0x38;
	[tilespmem:$0xFD00] =	vst v63  }
0x96: {  	s10 =	sadd.s32 s11, s12  }
0x97: {  	[tilespmem:s1], [sflag:$0x9] =	stream.linear.gather [hbm4b:s10+s5], $0x40, $0x38;
	[tilespmem:$0xFD00] =	vst v63  }
0x98: {  	_ =	swait.ge [sflag:s24], $0x40  }
0x99: {  	s9 =	sshll.u32 s9, $0x3;
	[sflag:s24] =	ssyncset.done $0x0  }
0x9a: {  	s12 =	simm.s32 $0x9C00;
	s30 =	sand.u32 $0x1FFFFE00, s9;
	[sflag:s24] =	ssyncadd.s32 $0xFFFFFFC0  }
0x9b: {  	[tilespmem:s12], [sflag:$0x2] =	stream.indirect.gather [hbm4b:s13+s25], $0x40, s1, s25, $0xb8;
	[tilespmem:$0xFD00] =	vst v63  }
0x9c: {  	s9 =	sadd.s32 s18, s30  }
0x9d: {  	[tilespmem:s14], [sflag:$0x4] =	stream.linear.gather [hbm4b:s9+s5], $0x1000, $0x38;
	[tilespmem:$0xFD00] =	vst v63  }
0x9e: {  	_ =	swait.ge [sflag:s31], $0x1000  }
0x9f: {  	[sflag:s31] =	ssyncset.done $0x0  }
0xa0: {  	[sflag:s31] =	ssyncadd.s32 $0xFFFFF000  }
0xa1: {  	_ =	swait.ge [sflag:s3], $0x1000  }
0xa2: {  	[sflag:s3] =	ssyncset.done $0x0  }
0xa3: {  	s9 =	simm.s32 $0x0;
	[sflag:s3] =	ssyncadd.s32 $0xFFFFF000  }
0xa4: {  	v5 =	vld [tilespmem:s9+$0x8C00]  }
0xa5: {  	v6 =	vld [tilespmem:s9+$0x8C10]  }
0xa6: {  	v1 =	vld [tilespmem:s9+$0x8C20]  }
0xa7: {  	v0 =	vld [tilespmem:s9+$0x8C30]  }
0xa8: {  	v2 =	vld [tilespmem:s9+$0xAC00]  }
0xa9: {  	v4 =	vld [tilespmem:s9+$0xAC10]  }
0xaa: {  	s10 =	simm.s32 $0x100;
	v3 =	vld [tilespmem:s9+$0xAC20]  }
.LBB2_9:
0xab: {  	s11 =	sshra.s32 s10, $0x2;
	p0 =	sne.s32 s10, $0x3F00;
	v7 =	vld [tilespmem:s9+$0xAC30];
	v8 =	vmov v1  }
0xac: {  	v9 =	vld [tilespmem:s11+$0x8C00];
	v10 =	vmov v0  }
0xad: {  	v11 =	vld [tilespmem:s11+$0x8C10];
	v2 =	vadd.f32 v5, v2  }
.Ltmp3:
0xae: {  	v1 =	vld [tilespmem:s11+$0x8C20];
	v4 =	vadd.f32 v6, v4;
	(pc) =	sbr.rel @p0 .LBB2_9-.Ltmp3, $4  }
0xaf: {  	v0 =	vld [tilespmem:s11+$0x8C30];
	[tilespmem:s9+$0xAC00] =	vst v2;
	v3 =	vadd.f32 v8, v3  }
0xb0: {  	v2 =	vld [tilespmem:s11+$0xAC00];
	[tilespmem:s9+$0xAC10] =	vst v4;
	v7 =	vadd.f32 v10, v7  }
0xb1: {  	v4 =	vld [tilespmem:s11+$0xAC10];
	[tilespmem:s9+$0xAC20] =	vst v3;
	v5 =	vmov v9  }
0xb2: {  	s10 =	sadd.s32 $0x100, s10;
	v3 =	vld [tilespmem:s11+$0xAC20];
	[tilespmem:s9+$0xAC30] =	vst v7;
	v6 =	vmov v11;
	s9 =	smov.u32 s11  }
0xb3: {  	v7 =	vld [tilespmem:s9+$0xAC30];
	_ =	sdelay $0x1  }
0xb4: {  	v2 =	vadd.f32 v5, v2  }
0xb5: {  	v4 =	vadd.f32 v6, v4  }
0xb6: {  	[tilespmem:s9+$0xAC00] =	vst v2;
	v1 =	vadd.f32 v1, v3  }
0xb7: {  	[tilespmem:s9+$0xAC10] =	vst v4;
	v0 =	vadd.f32 v0, v7  }
0xb8: {  	s12 =	rddreg [dreg:$0x3];
	[tilespmem:s9+$0xAC20] =	vst v1  }
0xb9: {  	s14 =	simm.s32 $0x0;
	s10 =	simm.s32 $0xAC00;
	s8 =	sadd.s32 s12, s8;
	[tilespmem:s9+$0xAC30] =	vst v0  }
0xba: {  	[hbm4b:s8+s14] =	stream.linear.scatter [tilespmem:s10], [sflag:$0x5], $0x1000, $0x38;
	[tilespmem:$0xFD00] =	vst v63  }
0xbb: {  	_ =	swait.ge [sflag:s0], $0x1000  }
0xbc: {  	[sflag:s0] =	ssyncset.done $0x0  }
0xbd: {  	[sflag:s0] =	ssyncadd.s32 $0xFFFFF000  }
0xbe: {  	_ =	swait.ge [sflag:s21], $0x1000  }
0xbf: {  	[sflag:s21] =	ssyncset.done $0x0  }
0xc0: {  	s8 =	simm.s32 $0x0;
	[sflag:s21] =	ssyncadd.s32 $0xFFFFF000  }
0xc1: {  	v5 =	vld [tilespmem:s8+$0x9C00]  }
0xc2: {  	v6 =	vld [tilespmem:s8+$0x9C10]  }
0xc3: {  	v1 =	vld [tilespmem:s8+$0x9C20]  }
0xc4: {  	v0 =	vld [tilespmem:s8+$0x9C30]  }
0xc5: {  	v2 =	vld [tilespmem:s8+$0xBC00]  }
0xc6: {  	v4 =	vld [tilespmem:s8+$0xBC10]  }
0xc7: {  	s9 =	simm.s32 $0x100;
	v3 =	vld [tilespmem:s8+$0xBC20]  }
.LBB2_11:
0xc8: {  	s10 =	sshra.s32 s9, $0x2;
	p0 =	sne.s32 s9, $0x3F00;
	v7 =	vld [tilespmem:s8+$0xBC30];
	v8 =	vmov v1  }
0xc9: {  	v9 =	vld [tilespmem:s10+$0x9C00];
	v10 =	vmov v0  }
0xca: {  	v11 =	vld [tilespmem:s10+$0x9C10];
	v2 =	vadd.f32 v5, v2  }
.Ltmp4:
0xcb: {  	v1 =	vld [tilespmem:s10+$0x9C20];
	v4 =	vadd.f32 v6, v4;
	(pc) =	sbr.rel @p0 .LBB2_11-.Ltmp4, $4  }
0xcc: {  	v0 =	vld [tilespmem:s10+$0x9C30];
	[tilespmem:s8+$0xBC00] =	vst v2;
	v3 =	vadd.f32 v8, v3  }
0xcd: {  	v2 =	vld [tilespmem:s10+$0xBC00];
	[tilespmem:s8+$0xBC10] =	vst v4;
	v7 =	vadd.f32 v10, v7  }
0xce: {  	v4 =	vld [tilespmem:s10+$0xBC10];
	[tilespmem:s8+$0xBC20] =	vst v3;
	v5 =	vmov v9  }
0xcf: {  	s9 =	sadd.s32 $0x100, s9;
	v3 =	vld [tilespmem:s10+$0xBC20];
	[tilespmem:s8+$0xBC30] =	vst v7;
	v6 =	vmov v11;
	s8 =	smov.u32 s10  }
0xd0: {  	v7 =	vld [tilespmem:s8+$0xBC30];
	_ =	sdelay $0x1  }
0xd1: {  	v2 =	vadd.f32 v5, v2  }
0xd2: {  	v4 =	vadd.f32 v6, v4  }
0xd3: {  	[tilespmem:s8+$0xBC00] =	vst v2;
	v1 =	vadd.f32 v1, v3  }
0xd4: {  	[tilespmem:s8+$0xBC10] =	vst v4;
	v0 =	vadd.f32 v0, v7  }
0xd5: {  	s14 =	rddreg [dreg:$0x3];
	s29 =	sadd.s32 $0x1, s29;
	[tilespmem:s8+$0xBC20] =	vst v1  }
0xd6: {  	[tilespmem:s8+$0xBC30] =	vst v0;
	s8 =	sadd.s32 s14, s30;
	s30 =	simm.s32 $0x0;
	s14 =	simm.s32 $0xBC00  }
0xd7: {  	[hbm4b:s8+s30] =	stream.linear.scatter [tilespmem:s14], [sflag:$0x6], $0x1000, $0x38;
	[tilespmem:$0xFD00] =	vst v63  }
0xd8: {  	p0 =	sne.s32 s29, $0x60;
	_ =	swait.ge [sflag:s23], $0x1000  }
.Ltmp5:
0xd9: {  	[sflag:s23] =	ssyncset.done $0x0;
	(pc) =	sbr.rel @p0 .LBB2_8-.Ltmp5, $4  }
0xda: {  	[sflag:s23] =	ssyncadd.s32 $0xFFFFF000  }
0xdb: {  	_ =	swait.ge [sflag:s7], $0x1000  }
0xdc: {  	[sflag:s7] =	ssyncset.done $0x0  }
0xdd: {  	[sflag:s7] =	ssyncadd.s32 $0xFFFFF000  }
0xde: {  	s29 =	simm.s32 $0x0;
	s14 =	rddreg [dreg:$0xf]  }
.LBB2_14:
0xdf: {  	s5 =	sshll.u32 s29, $0x7  }
0xe0: {  	s8 =	sadd.s32 s6, s5  }
0xe1: {  	s10 =	rddreg [dreg:$0x6];
	s5 =	sshrl.u32 s8, $0x3  }
0xe2: {  	s9 =	sadd.s32 s10, s5  }
0xe3: {  	[tilespmem:s26], [sflag:$0x9] =	stream.linear.gather [hbm4b:s9+s30], $0x40, $0x38;
	[tilespmem:$0xFD00] =	vst v63  }
0xe4: {  	_ =	swait.ge [sflag:s24], $0x40  }
0xe5: {  	[sflag:s24] =	ssyncset.done $0x0;
	s11 =	rddreg [dreg:$0x7]  }
0xe6: {  	[sflag:s24] =	ssyncadd.s32 $0xFFFFFFC0;
	s5 =	sadd.s32 s11, s5  }
0xe7: {  	[tilespmem:s4], [sflag:$0x9] =	stream.linear.gather [hbm4b:s5+s30], $0x40, $0x38;
	[tilespmem:$0xFD00] =	vst v63  }
0xe8: {  	_ =	swait.ge [sflag:s24], $0x40  }
0xe9: {  	[sflag:s24] =	ssyncset.done $0x0  }
0xea: {  	s9 =	simm.s32 $0xCC00;
	s5 =	sadd.s32 $0x40, s8;
	[sflag:s24] =	ssyncadd.s32 $0xFFFFFFC0  }
0xeb: {  	[tilespmem:s9], [sflag:$0x1] =	stream.indirect.gather [hbm4b:s14+s25], $0x20, s26, s25, $0xb8;
	[tilespmem:$0xFD00] =	vst v63  }
0xec: {  	s12 =	simm.s32 $0xDC00;
	s13 =	sshrl.u32 s5, $0x3  }
0xed: {  	[tilespmem:s12], [sflag:$0x7] =	stream.indirect.gather [hbm4b:s15+s25], $0x20, s4, s25, $0xb8;
	[tilespmem:$0xFD00] =	vst v63  }
0xee: {  	s10 =	sadd.s32 s10, s13  }
0xef: {  	[tilespmem:s1], [sflag:$0x9] =	stream.linear.gather [hbm4b:s10+s30], $0x40, $0x38;
	[tilespmem:$0xFD00] =	vst v63  }
0xf0: {  	_ =	swait.ge [sflag:s24], $0x40  }
0xf1: {  	[sflag:s24] =	ssyncset.done $0x0  }
0xf2: {  	s9 =	sadd.s32 s11, s13;
	[sflag:s24] =	ssyncadd.s32 $0xFFFFFFC0  }
0xf3: {  	[tilespmem:s28], [sflag:$0x9] =	stream.linear.gather [hbm4b:s9+s30], $0x40, $0x38;
	[tilespmem:$0xFD00] =	vst v63  }
0xf4: {  	_ =	swait.ge [sflag:s24], $0x40  }
0xf5: {  	[sflag:s24] =	ssyncset.done $0x0  }
0xf6: {  	s12 =	simm.s32 $0xD400;
	[sflag:s24] =	ssyncadd.s32 $0xFFFFFFC0  }
0xf7: {  	[tilespmem:s12], [sflag:$0x2] =	stream.indirect.gather [hbm4b:s14+s25], $0x20, s1, s25, $0xb8;
	[tilespmem:$0xFD00] =	vst v63  }
0xf8: {  	s13 =	simm.s32 $0xE400  }
0xf9: {  	[tilespmem:s13], [sflag:$0x8] =	stream.indirect.gather [hbm4b:s15+s25], $0x20, s28, s25, $0xb8;
	[tilespmem:$0xFD00] =	vst v63  }
0xfa: {  	_ =	swait.ge [sflag:s31], $0x800  }
0xfb: {  	[sflag:s31] =	ssyncset.done $0x0  }
0xfc: {  	[sflag:s31] =	ssyncadd.s32 $0xFFFFF800  }
0xfd: {  	_ =	swait.ge [sflag:s2], $0x800  }
0xfe: {  	[sflag:s2] =	ssyncset.done $0x0  }
0xff: {  	s9 =	simm.s32 $0x0;
	[sflag:s2] =	ssyncadd.s32 $0xFFFFF800  }
0x100: {  	v0 =	vld [tilespmem:s9+$0xCC10]  }
0x101: {  	v2 =	vld [tilespmem:s9+$0xDC10]  }
0x102: {  	v1 =	vld [tilespmem:s9+$0xCC00]  }
0x103: {  	v3 =	vld [tilespmem:s9+$0xDC00]  }
0x104: {  	s10 =	simm.s32 $0x80  }
.LBB2_15:
0x105: {  	s11 =	sshra.s32 s10, $0x2;
	p0 =	sne.s32 s10, $0x1F80  }
.Ltmp6:
0x106: {  	s10 =	sadd.s32 $0x80, s10;
	v4 =	vadd.f32 v2, v0;
	v0 =	vld [tilespmem:s11+$0xCC10];
	(pc) =	sbr.rel @p0 .LBB2_15-.Ltmp6, $4  }
0x107: {  	v2 =	vld [tilespmem:s11+$0xDC10]  }
0x108: {  	v5 =	vadd.f32 v3, v1;
	v1 =	vld [tilespmem:s11+$0xCC00];
	[tilespmem:s9+$0xEC10] =	vst v4  }
0x109: {  	v3 =	vld [tilespmem:s11+$0xDC00]  }
0x10a: {  	[tilespmem:s9+$0xEC00] =	vst v5;
	s9 =	smov.u32 s11  }
0x10b: {  	_ =	sdelay $0x1  }
0x10c: {  	v0 =	vadd.f32 v2, v0  }
0x10d: {  	v1 =	vadd.f32 v3, v1  }
0x10e: {  	s8 =	sshll.u32 s8, $0x2;
	s12 =	rddreg [dreg:$0x4];
	[tilespmem:s9+$0xEC10] =	vst v0  }
0x10f: {  	s13 =	simm.s32 $0x0;
	s10 =	simm.s32 $0xEC00;
	s8 =	sadd.s32 s12, s8;
	[tilespmem:s9+$0xEC00] =	vst v1  }
0x110: {  	[hbm4b:s8+s13] =	stream.linear.scatter [tilespmem:s10], [sflag:$0x5], $0x800, $0x38;
	[tilespmem:$0xFD00] =	vst v63  }
0x111: {  	_ =	swait.ge [sflag:s0], $0x800  }
0x112: {  	[sflag:s0] =	ssyncset.done $0x0  }
0x113: {  	[sflag:s0] =	ssyncadd.s32 $0xFFFFF800  }
0x114: {  	_ =	swait.ge [sflag:s22], $0x800  }
0x115: {  	[sflag:s22] =	ssyncset.done $0x0  }
0x116: {  	s8 =	simm.s32 $0x0;
	[sflag:s22] =	ssyncadd.s32 $0xFFFFF800  }
0x117: {  	v0 =	vld [tilespmem:s8+$0xD410]  }
0x118: {  	v2 =	vld [tilespmem:s8+$0xE410]  }
0x119: {  	v1 =	vld [tilespmem:s8+$0xD400]  }
0x11a: {  	v3 =	vld [tilespmem:s8+$0xE400]  }
0x11b: {  	s9 =	simm.s32 $0x80  }
.LBB2_17:
0x11c: {  	s10 =	sshra.s32 s9, $0x2;
	p0 =	sne.s32 s9, $0x1F80  }
.Ltmp7:
0x11d: {  	s9 =	sadd.s32 $0x80, s9;
	v4 =	vadd.f32 v2, v0;
	v0 =	vld [tilespmem:s10+$0xD410];
	(pc) =	sbr.rel @p0 .LBB2_17-.Ltmp7, $4  }
0x11e: {  	v2 =	vld [tilespmem:s10+$0xE410]  }
0x11f: {  	v5 =	vadd.f32 v3, v1;
	v1 =	vld [tilespmem:s10+$0xD400];
	[tilespmem:s8+$0xF410] =	vst v4  }
0x120: {  	v3 =	vld [tilespmem:s10+$0xE400]  }
0x121: {  	[tilespmem:s8+$0xF400] =	vst v5;
	s8 =	smov.u32 s10  }
0x122: {  	_ =	sdelay $0x1  }
0x123: {  	v0 =	vadd.f32 v2, v0  }
0x124: {  	s5 =	sshll.u32 s5, $0x2;
	v1 =	vadd.f32 v3, v1  }
0x125: {  	s13 =	rddreg [dreg:$0x4];
	s9 =	simm.s32 $0xF400;
	s5 =	sand.u32 $0x1FFFFF00, s5;
	[tilespmem:s8+$0xF410] =	vst v0  }
0x126: {  	s29 =	sadd.s32 $0x1, s29;
	[tilespmem:s8+$0xF400] =	vst v1;
	s8 =	sadd.s32 s13, s5;
	s5 =	simm.s32 $0x0  }
0x127: {  	[hbm4b:s8+s5] =	stream.linear.scatter [tilespmem:s9], [sflag:$0x6], $0x800, $0x38;
	[tilespmem:$0xFD00] =	vst v63  }
0x128: {  	p0 =	sne.s32 s29, $0x18;
	_ =	swait.ge [sflag:s23], $0x800  }
.Ltmp8:
0x129: {  	[sflag:s23] =	ssyncset.done $0x0;
	(pc) =	sbr.rel @p0 .LBB2_14-.Ltmp8, $4  }
0x12a: {  	[sflag:s23] =	ssyncadd.s32 $0xFFFFF800  }
0x12b: {  	_ =	swait.ge [sflag:s7], $0x800  }
0x12c: {  	[sflag:s7] =	ssyncset.done $0x0  }
0x12d: {  	[sflag:s7] =	ssyncadd.s32 $0xFFFFF800  }
0x12e: {  	s29 =	simm.s32 $0x0  }
.LBB2_20:
0x12f: {  	s8 =	sshll.u32 s29, $0x7  }
0x130: {  	s8 =	sadd.s32 s6, s8  }
0x131: {  	s11 =	rddreg [dreg:$0x8];
	s9 =	sshrl.u32 s8, $0x3  }
0x132: {  	s10 =	sadd.s32 s11, s9  }
0x133: {  	[tilespmem:s26], [sflag:$0x9] =	stream.linear.gather [hbm4b:s10+s5], $0x40, $0x38;
	[tilespmem:$0xFD00] =	vst v63  }
0x134: {  	_ =	swait.ge [sflag:s24], $0x40  }
0x135: {  	[sflag:s24] =	ssyncset.done $0x0;
	s12 =	rddreg [dreg:$0x9]  }
0x136: {  	[sflag:s24] =	ssyncadd.s32 $0xFFFFFFC0;
	s9 =	sadd.s32 s12, s9  }
0x137: {  	[tilespmem:s4], [sflag:$0x9] =	stream.linear.gather [hbm4b:s9+s5], $0x40, $0x38;
	[tilespmem:$0xFD00] =	vst v63  }
0x138: {  	_ =	swait.ge [sflag:s24], $0x40  }
0x139: {  	[sflag:s24] =	ssyncset.done $0x0  }
0x13a: {  	s30 =	sadd.s32 $0x40, s8;
	s10 =	simm.s32 $0xCC00;
	[sflag:s24] =	ssyncadd.s32 $0xFFFFFFC0  }
0x13b: {  	[tilespmem:s10], [sflag:$0x1] =	stream.indirect.gather [hbm4b:s16+s25], $0x20, s26, s25, $0xb8;
	[tilespmem:$0xFD00] =	vst v63  }
0x13c: {  	s13 =	simm.s32 $0xDC00;
	s14 =	sshrl.u32 s30, $0x3  }
0x13d: {  	[tilespmem:s13], [sflag:$0x7] =	stream.indirect.gather [hbm4b:s17+s25], $0x20, s4, s25, $0xb8;
	[tilespmem:$0xFD00] =	vst v63  }
0x13e: {  	s11 =	sadd.s32 s11, s14  }
0x13f: {  	[tilespmem:s1], [sflag:$0x9] =	stream.linear.gather [hbm4b:s11+s5], $0x40, $0x38;
	[tilespmem:$0xFD00] =	vst v63  }
0x140: {  	_ =	swait.ge [sflag:s24], $0x40  }
0x141: {  	[sflag:s24] =	ssyncset.done $0x0  }
0x142: {  	s9 =	sadd.s32 s12, s14;
	[sflag:s24] =	ssyncadd.s32 $0xFFFFFFC0  }
0x143: {  	[tilespmem:s28], [sflag:$0x9] =	stream.linear.gather [hbm4b:s9+s5], $0x40, $0x38;
	[tilespmem:$0xFD00] =	vst v63  }
0x144: {  	_ =	swait.ge [sflag:s24], $0x40  }
0x145: {  	[sflag:s24] =	ssyncset.done $0x0  }
0x146: {  	s13 =	simm.s32 $0xD400;
	[sflag:s24] =	ssyncadd.s32 $0xFFFFFFC0  }
0x147: {  	[tilespmem:s13], [sflag:$0x2] =	stream.indirect.gather [hbm4b:s16+s25], $0x20, s1, s25, $0xb8;
	[tilespmem:$0xFD00] =	vst v63  }
0x148: {  	s14 =	simm.s32 $0xE400  }
0x149: {  	[tilespmem:s14], [sflag:$0x8] =	stream.indirect.gather [hbm4b:s17+s25], $0x20, s28, s25, $0xb8;
	[tilespmem:$0xFD00] =	vst v63  }
0x14a: {  	_ =	swait.ge [sflag:s31], $0x800  }
0x14b: {  	[sflag:s31] =	ssyncset.done $0x0  }
0x14c: {  	[sflag:s31] =	ssyncadd.s32 $0xFFFFF800  }
0x14d: {  	_ =	swait.ge [sflag:s2], $0x800  }
0x14e: {  	[sflag:s2] =	ssyncset.done $0x0  }
0x14f: {  	s9 =	simm.s32 $0x0;
	[sflag:s2] =	ssyncadd.s32 $0xFFFFF800  }
0x150: {  	v0 =	vld [tilespmem:s9+$0xCC10]  }
0x151: {  	v2 =	vld [tilespmem:s9+$0xDC10]  }
0x152: {  	v1 =	vld [tilespmem:s9+$0xCC00]  }
0x153: {  	v3 =	vld [tilespmem:s9+$0xDC00]  }
0x154: {  	s10 =	simm.s32 $0x80  }
.LBB2_21:
0x155: {  	s11 =	sshra.s32 s10, $0x2;
	p0 =	sne.s32 s10, $0x1F80  }
.Ltmp9:
0x156: {  	s10 =	sadd.s32 $0x80, s10;
	v4 =	vadd.f32 v2, v0;
	v0 =	vld [tilespmem:s11+$0xCC10];
	(pc) =	sbr.rel @p0 .LBB2_21-.Ltmp9, $4  }
0x157: {  	v2 =	vld [tilespmem:s11+$0xDC10]  }
0x158: {  	v5 =	vadd.f32 v3, v1;
	v1 =	vld [tilespmem:s11+$0xCC00];
	[tilespmem:s9+$0xEC10] =	vst v4  }
0x159: {  	v3 =	vld [tilespmem:s11+$0xDC00]  }
0x15a: {  	[tilespmem:s9+$0xEC00] =	vst v5;
	s9 =	smov.u32 s11  }
0x15b: {  	_ =	sdelay $0x1  }
0x15c: {  	v0 =	vadd.f32 v2, v0  }
0x15d: {  	v1 =	vadd.f32 v3, v1  }
0x15e: {  	s8 =	sshll.u32 s8, $0x2;
	[tilespmem:s9+$0xEC10] =	vst v0  }
0x15f: {  	s14 =	simm.s32 $0x0;
	s10 =	simm.s32 $0xEC00;
	s8 =	sadd.s32 s20, s8;
	[tilespmem:s9+$0xEC00] =	vst v1  }
0x160: {  	[hbm4b:s8+s14] =	stream.linear.scatter [tilespmem:s10], [sflag:$0x5], $0x800, $0x38;
	[tilespmem:$0xFD00] =	vst v63  }
0x161: {  	_ =	swait.ge [sflag:s0], $0x800  }
0x162: {  	[sflag:s0] =	ssyncset.done $0x0  }
0x163: {  	[sflag:s0] =	ssyncadd.s32 $0xFFFFF800  }
0x164: {  	_ =	swait.ge [sflag:s22], $0x800  }
0x165: {  	[sflag:s22] =	ssyncset.done $0x0  }
0x166: {  	s8 =	simm.s32 $0x0;
	[sflag:s22] =	ssyncadd.s32 $0xFFFFF800  }
0x167: {  	v0 =	vld [tilespmem:s8+$0xD410]  }
0x168: {  	v2 =	vld [tilespmem:s8+$0xE410]  }
0x169: {  	v1 =	vld [tilespmem:s8+$0xD400]  }
0x16a: {  	v3 =	vld [tilespmem:s8+$0xE400]  }
0x16b: {  	s9 =	simm.s32 $0x80  }
.LBB2_23:
0x16c: {  	s10 =	sshra.s32 s9, $0x2;
	p0 =	sne.s32 s9, $0x1F80  }
.Ltmp10:
0x16d: {  	s9 =	sadd.s32 $0x80, s9;
	v4 =	vadd.f32 v2, v0;
	v0 =	vld [tilespmem:s10+$0xD410];
	(pc) =	sbr.rel @p0 .LBB2_23-.Ltmp10, $4  }
0x16e: {  	v2 =	vld [tilespmem:s10+$0xE410]  }
0x16f: {  	v5 =	vadd.f32 v3, v1;
	v1 =	vld [tilespmem:s10+$0xD400];
	[tilespmem:s8+$0xF410] =	vst v4  }
0x170: {  	v3 =	vld [tilespmem:s10+$0xE400]  }
0x171: {  	[tilespmem:s8+$0xF400] =	vst v5;
	s8 =	smov.u32 s10  }
0x172: {  	_ =	sdelay $0x1  }
0x173: {  	v0 =	vadd.f32 v2, v0  }
0x174: {  	s9 =	sshll.u32 s30, $0x2;
	v1 =	vadd.f32 v3, v1  }
0x175: {  	s30 =	simm.s32 $0x0;
	s9 =	sand.u32 $0x1FFFFF00, s9;
	[tilespmem:s8+$0xF410] =	vst v0  }
0x176: {  	s10 =	simm.s32 $0xF400;
	s29 =	sadd.s32 $0x1, s29;
	s14 =	sadd.s32 s20, s9;
	[tilespmem:s8+$0xF400] =	vst v1  }
0x177: {  	[hbm4b:s14+s30] =	stream.linear.scatter [tilespmem:s10], [sflag:$0x6], $0x800, $0x38;
	[tilespmem:$0xFD00] =	vst v63  }
0x178: {  	p0 =	sne.s32 s29, $0x18;
	_ =	swait.ge [sflag:s23], $0x800  }
.Ltmp11:
0x179: {  	[sflag:s23] =	ssyncset.done $0x0;
	(pc) =	sbr.rel @p0 .LBB2_20-.Ltmp11, $4  }
0x17a: {  	[sflag:s23] =	ssyncadd.s32 $0xFFFFF800  }
0x17b: {  	_ =	swait.ge [sflag:s7], $0x800  }
0x17c: {  	[sflag:s7] =	ssyncset.done $0x0  }
0x17d: {  	[sflag:s7] =	ssyncadd.s32 $0xFFFFF800  }
0x17e: {  	s8 =	rddreg [dreg:$0x10]  }
0x17f: {  	s5 =	rddreg [dreg:$0xd];
	s8 =	sadd.s32 $0x1, s8  }
0x180: {  	p0 =	sne.s32 s8, s5  }
.Ltmp12:
0x181: {  	_ = 	snop;
	(pc) =	sbr.rel @p0 .LBB2_1-.Ltmp12, $3  }
0x182: {  	_ =	sdelay $0x1  }
0x183: {  	s11 =	rddreg [dreg:$0x2]  }
0x184: {  	s12 =	rddreg [dreg:$0xa]  }
0x185: {  	_ =	sfence.sel $0x180000  }
0x186: {  	[bflag:$0x0] =	sbarrier.arrive $0xFFFF  }
0x187: {  	_ =	strace $0x90000047  }
0x188: {  	s0 =	stileid.u32;
	[bflag:$0x2] =	sbarrier.arrive $0xFFFF  }
0x189: {  	p0 =	sne.s32 s0, $0x0;
	s0 =	rddreg [dreg:$0x5]  }
0x18a: {  	s0 =	sadd.s32 @!p0 $0x100000, s0  }
0x18b: {  	[sflag:s0] =	ssyncadd.tile.s32 @!p0 $0x1;
	_ =	shalt  }
.Lfunc_end2:
_tile_overlayer_lowered:
.L_overlay_start_2:
0x18c: {  	(tag) =	ssettag $0x2  }
0x18d: {  	s0 =	rddreg [dreg:$0x0];
	s2 =	stileid.u32  }
0x18e: {  	s1 =	rddreg [dreg:$0x1];
	p0 =	sne.s32 s2, $0x0  }
0x18f: {  	s3 =	rddreg [dreg:$0x2];
	[bflag:$0x3] =	sbarrier.arrive $0xFFFF;
	s2 =	simm.s32 @!p0 $0x1C09  }
0x190: {  	[timem:s3], [sflag:s2] =	dma.local @!p0 [hbm:s0], s1  }
0x191: {  	s0 =	simm.s32 @!p0 $0x9  }
0x192: {  	_ =	swait.ge @!p0 [sflag:s0], s1  }
0x193: {  	s1 =	ssub.s32 @!p0 $0x0, s1;
	[sflag:s0] =	ssyncset.done @!p0 $0x0  }
0x194: {  	[sflag:s0] =	ssyncadd.s32 @!p0 s1  }
0x195: {  	[bflag:$0x3] =	sbarrier.arrive $0xFFFF  }
0x196: {  	_ =	shalt  }

// kernel: sparse-core-data-format-call.1.cloned.1.call-start
scs
called_computation.1_lowered:
.L_overlay_start_0:
0x0: {  	s2 =	sld [smem:$0x3FD9]  }
0x1: {  	s3 =	sld [smem:$0x3FFE];
	_ =	sdelay $0x1  }
0x2: {  	s1 =	srdreg.scid  }
0x3: {  	s0 =	sand.u32 $0x1, s1  }
0x4: {  	s15 =	sshll.u32 s0, $0xA;
	s2 =	sadd.s32 s3, s2  }
0x5: {  	s2 =	sadd.s32 s2, s15  }
0x6: {  	[smem:$0x3FA5] =	sst s2  }
0x7: {  	_ = 	snop  }
0x8: {  	s2 =	sld [smem:$0x3FD0];
	_ =	sdelay $0x2  }
0x9: {  	s16 =	simm.s32 $0xB;
	s4 =	simm.s32 $0x10  }
0xa: {  	[smem:s4], [sflag:s16] =	dma.local [hbm:s2], $0x1  }
0xb: {  	_ =	swait.eq [sflag:s16], $0x1  }
0xc: {  	[sflag:s16] =	ssyncset.done $0x0  }
0xd: {  	[sflag:s16] =	ssyncadd.s32 $0xFFFFFFFF  }
0xe: {  	s17 =	sld [smem:$0x10];
	(tm) =	ssettm $0x1  }
0xf: {  	s18 =	sld [smem:$0x3FFB];
	_ =	sdelay $0x3  }
0x10: {  	_ =	strace s18  }
0x11: {  	s3 =	sld [smem:$0x3FFC];
	_ =	sdelay $0x3  }
0x12: {  	_ =	strace s3  }
0x13: {  	s3 =	sld [smem:$0x3FFD];
	_ =	sdelay $0x3  }
0x14: {  	_ =	strace s3  }
0x15: {  	_ =	strace $0x8FFFFFFF  }
0x16: {  	s19 =	sld [smem:$0x3FDB];
	_ =	sdelay $0x1  }
0x17: {  	s20 =	simm.s32 $_scs_section_size  }
0x18: {  	s5 =	simm.s32 $_size__tile_overlayer_lowered;
	s6 =	simm.s32 $_tile_overlayer_lowered  }
0x19: {  	s23 =	simm.s32 $0x1BFF;
	s22 =	sshll.u32 s6, $0x1;
	s3 =	sadd.s32 s20, s19  }
0x1a: {  	s7 =	simm.s32 $0x0;
	s21 =	sshll.u32 s5, $0x1;
	s5 =	sadd.s32 s22, s3  }
0x1b: {  	[timem:s7], [sflag:s23] =	dma.local [hbm:s5], s21  }
0x1c: {  	_ =	swait.ge [sflag:s23], s21  }
0x1d: {  	s4 =	ssub.s32 $0x0, s21;
	[sflag:s23] =	ssyncset.done $0x0  }
0x1e: {  	[sflag:s23] =	ssyncadd.s32 s4;
	_ =	sdelay $0x1  }
0x1f: {  	s24 =	simm.s32 $0x1B8B  }
0x20: {  	_ =	swait.ge [sflag:s24], $0x1  }
0x21: {  	[sflag:s24] =	ssyncset.done $0x0  }
0x22: {  	s26 =	simm.s32 $0x1B8E;
	s25 =	sld [smem:$0x3FFE];
	[sflag:s24] =	ssyncadd.s32 $0xFFFFFFFF  }
0x23: {  	s27 =	simm.s32 $execute0_lowered;
	[smem:$0x3FD2] =	sst s26  }
0x24: {  	s5 =	sshll.u32 s27, $0x1;
	_ =	strace $0x80000049;
	[dreg:$0x1] =	wrdreg $0xFFFFFFFF  }
0x25: {  	s28 =	simm.s32 $_size_execute0_lowered;
	s3 =	sadd.s32 s3, s5;
	[dreg:$0x0] =	wrdreg $0x0  }
0x26: {  	s5 =	sshll.u32 s28, $0x1;
	[dreg:$0x2] =	wrdreg s3  }
0x27: {  	[dreg:$0x3] =	wrdreg s5  }
0x28: {  	[dreg:$0x4] =	wrdreg $0xC0  }
0x29: {  	_ =	task [dreg:s7], $0x5FFFF  }
0x2a: {  	[dreg:$0x1] =	wrdreg $0xFFFFFFFF  }
0x2b: {  	[dreg:$0x0] =	wrdreg $0x60  }
0x2c: {  	[dreg:$0x2] =	wrdreg s25  }
0x2d: {  	[dreg:$0x3] =	wrdreg s17  }
0x2e: {  	[dreg:$0x4] =	wrdreg $0xA  }
0x2f: {  	_ =	task.clear_ibuf [dreg:s7], $0x5FFFF;
	_ =	strace $0x90000049  }
0x30: {  	s29 =	simm.s32 $0xA;
	_ =	strace $0x8000004B  }
0x31: {  	_ =	swait.ge [sflag:s29], $0x1  }
0x32: {  	[sflag:s29] =	ssyncadd.s32 $0xFFFFFFFF  }
0x33: {  	_ =	strace $0x9000004B  }
0x34: {  	_ =	sfence  }
0x35: {  	s30 =	sld [smem:$0x0];
	_ =	sdelay $0x2  }
0x36: {  	s31 =	sshll.u32 s1, $0xD;
	s1 =	sshrl.u32 s1, $0x2  }
0x37: {  	s3 =	sand.u32 $0x4000, s31;
	s1 =	sadd.s32 s1, s30  }
0x38: {  	s0 =	sor.u32 s3, s0;
	s1 =	sshll.u32 s1, $0x11  }
0x39: {  	s0 =	sor.u32 s1, s0  }
0x3a: {  	s0 =	sadd.s32 $0x8F2B, s0  }
0x3b: {  	[sflag:s0] =	ssyncadd.remote.s32 $0x1  }
0x3c: {  	_ =	sfence.sel $0xFFFF  }
0x3d: {  	[dreg:$0x0] =	wrdreg $0xFFFFFFFF;
	(pc) =	sbr.abs _section_cstart, $3  }
0x3e: {  	[dreg:$0x1] =	wrdreg $0xFFFFFFFF  }
0x3f: {  	_ =	task.clear_ibuf [dreg:s7], $0x2FFFF;
	_ =	strace $0x9FFFFFFF  }
0x40: {  	(tm) =	ssettm $0x7FFFFFFF  }
0x41: {  	_ =	shalt  }
tec
execute0_lowered:
.L_overlay_start_1:
0x0: {  	(tag) =	ssettag $0x1  }
0x1: {  	s0 =	srdreg.scid  }
0x2: {  	s1 =	sshll.u32 s0, $0x4  }
0x3: {  	s0 =	stileid.u32;
	s1 =	sand.u32 $0x10, s1  }
0x4: {  	s1 =	sor.u32 s0, s1  }
0x5: {  	s6 =	rddreg [dreg:$0x0];
	s4 =	simm.s32 $0x1;
	s2 =	sshll.u32 s1, $0x6  }
0x6: {  	s7 =	simm.s32 $0x2;
	s13 =	simm.s32 $0x0;
	s1 =	ssub.s32 $0x4000, s2  }
0x7: {  	s8 =	simm.s32 $0x2000;
	s9 =	simm.s32 $0x200000;
	s3 =	sand.u32 $0x7C0, s1  }
0x8: {  	s14 =	simm.s32 $0x0;
	s5 =	sshrl.u32 s1, $0xB;
	p0 =	sne.s32 s3, $0x0  }
.Ltmp0:
0x9: {  	s1 =	rddreg [dreg:$0x2];
	s4 =	simm.s32 @!p0 $0x0;
	(pc) =	sbr.rel .LBB1_1-.Ltmp0, $4  }
0xa: {  	s10 =	simm.s32 $0x0;
	s3 =	rddreg [dreg:$0x1];
	s5 =	sadd.s32 s4, s5  }
0xb: {  	_ =	strace $0x8000004A;
	s4 =	simm.s32 $0x1;
	s5 =	smul.u32 $0x3, s5  }
0xc: {  	s12 =	simm.s32 $0x0;
	s6 =	sadd.s32 $0x19BA00, s6;
	[sflag:s4] =	ssyncpa.u1 $0x0  }
0xd: {  	s11 =	smov.u32 s2;
	[sflag:s7] =	ssyncpa.u1 $0x0;
	s7 =	sadd.s32 $0x1, s5  }
.LBB1_7:
0xe: {  	s15 =	sadd.s32 $0x2, s10  }
0xf: {  	s13 =	sadd.s32 $0x800, s11;
	s17 =	smov.u32 s11;
	p1 =	sgt.s32 s15, $0x5  }
0x10: {  	s17 =	smov.u32 @p1 s13  }
0x11: {  	s15 =	simm.s32 @p1 $0x0;
	p1 =	sgt.s32 s17, $0x3FFF  }
0x12: {  	s17 =	smov.u32 @p1 s2;
	p1 =	sne.s32 s12, s7  }
.Ltmp1:
0x13: {  	p0 =	slt.u32 s12, $0x2;
	(pc) =	sbr.rel @!p1 .LBB1_8-.Ltmp1, $4  }
0x14: {  	s16 =	simm.s32 @!p0 $0x2  }
0x15: {  	s14 =	smov.u32 s11;
	_ =	swait.ge @!p0 [sflag:s16], $0x4000  }
0x16: {  	s13 =	smov.u32 s10;
	[sflag:s16] =	ssyncset.done @!p0 $0x0;
	s10 =	smov.u32 s15  }
0x17: {  	s12 =	sadd.s32 $0x1, s12;
	[sflag:s16] =	ssyncadd.s32 @!p0 $0xFFFFC000;
	s11 =	smov.u32 s17  }
.LBB1_1:
0x18: {  	p0 =	sge.u32 s12, s5  }
0x19: {  	s31 =	sadd.s32 $0xFFFFFFFF, s12;
	s15 =	sxor.u32 @!p0 $0xFFFFFFFF, s12  }
0x1a: {  	s16 =	sshll.u32 @!p0 s11, $0x7;
	s17 =	sshll.u32 @!p0 s10, $0x4;
	s18 =	simm.s32 @!p0 $0x400  }
0x1b: {  	s15 =	sshll.u32 @!p0 s15, $0xE;
	s17 =	sand.u32 @!p0 $0x70, s17;
	s16 =	sadd.s32 @!p0 s6, s16  }
0x1c: {  	s15 =	sand.u32 @!p0 $0x4000, s15;
	s16 =	sadd.s32 @!p0 s17, s16;
	s17 =	simm.s32 @!p0 $0x100  }
0x1d: {  	[tilespmem:s15], [sflag:$0x1] =	stream.strided.gather @!p0 [hbm4b:s16+s17], $0x4000, s18, s17, $0x38;
	[tilespmem:$0x10000] =	vst v63  }
0x1e: {  	p0 =	sge.u32 s31, s5  }
.Ltmp2:
0x1f: {  	_ = 	snop;
	(pc) =	sbr.rel @p0 .LBB1_7-.Ltmp2, $1  }
0x20: {  	_ =	sdelay $0x3  }
0x21: {  	_ =	swait.ge [sflag:s4], $0x4000;
	s15 =	sshll.u32 s12, $0xE  }
0x22: {  	[sflag:s4] =	ssyncset.done $0x0;
	s16 =	sand.u32 $0x4000, s15  }
0x23: {  	s17 =	simm.s32 $0x0;
	[sflag:s4] =	ssyncadd.s32 $0xFFFFC000;
	s15 =	sor.u32 $0x8000, s16  }
.LBB1_3:
0x24: {  	s18 =	sshll.u32 s17, $0x8  }
0x25: {  	s18 =	sand.u32 $0x3FFFFF00, s18  }
0x26: {  	s19 =	sshll.u32 s17, $0x7;
	s18 =	sadd.s32 s18, s16  }
0x27: {  	s19 =	sand.u32 $0x3FFFFF80, s19;
	v0 =	vmov s18  }
0x28: {  	s19 =	sadd.s32 s19, s15  }
0x29: {  	p0 =	por $0x1, $0x1;
	v1 =	vmov s19;
	s18 =	simm.s32 $0x0  }
.LBB1_4:
0x2a: {  	s19 =	sshll.u32 s18, $0x7  }
0x2b: {  	s19 =	sand.u32 $0x3FFFFF80, s19  }
0x2c: {  	v2 =	vld.idx.msk [tilespmem:v0+s19+$0x0 ss:$0x1], $0xffff  }
0x2d: {  	v3 =	vld.idx.msk [tilespmem:v0+s19+$0x10 ss:$0x1], $0xffff  }
0x2e: {  	v4 =	vld.idx.msk [tilespmem:v0+s19+$0x20 ss:$0x1], $0xffff  }
0x2f: {  	s31 =	sshll.u32 s18, $0xD;
	v5 =	vld.idx.msk [tilespmem:v0+s19+$0x30 ss:$0x1], $0xffff  }
0x30: {  	s18 =	sand.u32 $0x3FFFE000, s31;
	v6 =	vld.idx.msk [tilespmem:v0+s19+$0x40 ss:$0x1], $0xffff  }
0x31: {  	v63 =	vld.idx.msk [tilespmem:v0+s19+$0x70 ss:$0x1], $0xffff;
	[tilespmem:v1+s18+$0x0 ss:$0x1] =	vst.idx.msk $0xffff, v2  }
0x32: {  	v2 =	vld.idx.msk [tilespmem:v0+s19+$0x50 ss:$0x1], $0xffff;
	[tilespmem:v1+s18+$0x10 ss:$0x1] =	vst.idx.msk $0xffff, v3  }
0x33: {  	p1 =	por p0, p0;
	v3 =	vld.idx.msk [tilespmem:v0+s19+$0x60 ss:$0x1], $0xffff;
	[tilespmem:v1+s18+$0x20 ss:$0x1] =	vst.idx.msk $0xffff, v4  }
.Ltmp3:
0x34: {  	[tilespmem:v1+s18+$0x30 ss:$0x1] =	vst.idx.msk $0xffff, v5;
	(pc) =	sbr.rel @p1 .LBB1_4-.Ltmp3, $4  }
0x35: {  	[tilespmem:v1+s18+$0x40 ss:$0x1] =	vst.idx.msk $0xffff, v6  }
0x36: {  	[tilespmem:v1+s18+$0x70 ss:$0x1] =	vst.idx.msk $0xffff, v63  }
0x37: {  	[tilespmem:v1+s18+$0x50 ss:$0x1] =	vst.idx.msk $0xffff, v2  }
0x38: {  	p0 =	por $0x0, $0x0;
	[tilespmem:v1+s18+$0x60 ss:$0x1] =	vst.idx.msk $0xffff, v3;
	s18 =	simm.s32 $0x1  }
0x39: {  	s17 =	sadd.s32 $0x1, s17  }
0x3a: {  	p0 =	sne.s32 s17, $0x40  }
.Ltmp4:
0x3b: {  	_ = 	snop;
	(pc) =	sbr.rel @p0 .LBB1_3-.Ltmp4, $1  }
0x3c: {  	_ =	sdelay $0x3  }
.Ltmp5:
0x3d: {  	s14 =	sshll.u32 s14, $0x4;
	(pc) =	sbr.rel .LBB1_7-.Ltmp5, $4  }
0x3e: {  	s14 =	sand.u32 $0x3FFF0, s14  }
0x3f: {  	s13 =	sshll.u32 s13, $0x12;
	s14 =	sadd.s32 s3, s14  }
0x40: {  	s13 =	sadd.s32 s13, s14  }
0x41: {  	[hbm4b:s13+s8] =	stream.strided.scatter [tilespmem:s15], [sflag:$0x2], $0x4000, s9, s8, $0x38;
	[tilespmem:$0x10000] =	vst v63  }
.LBB1_8:
0x42: {  	_ =	sfence.sel $0x180000  }
0x43: {  	s2 =	simm.s32 $0x1;
	[bflag:$0x0] =	sbarrier.arrive $0xFFFF  }
0x44: {  	s31 =	simm.s32 $0x2;
	[sflag:s2] =	ssyncpa.u1 $0x1  }
0x45: {  	[sflag:s31] =	ssyncpa.u1 $0x1  }
0x46: {  	p0 =	sne.s32 s0, $0x0;
	_ =	strace $0x9000004A  }
0x47: {  	s0 =	sadd.s32 @!p0 $0x100000, s1;
	[bflag:$0x2] =	sbarrier.arrive $0xFFFF  }
0x48: {  	[sflag:s0] =	ssyncadd.tile.s32 @!p0 $0x1;
	_ =	shalt  }
.Lfunc_end1:
_tile_overlayer_lowered:
.L_overlay_start_2:
0x49: {  	(tag) =	ssettag $0x2  }
0x4a: {  	s0 =	rddreg [dreg:$0x0];
	s2 =	stileid.u32  }
0x4b: {  	s1 =	rddreg [dreg:$0x1];
	p0 =	sne.s32 s2, $0x0  }
0x4c: {  	s3 =	rddreg [dreg:$0x2];
	[bflag:$0x3] =	sbarrier.arrive $0xFFFF;
	s2 =	simm.s32 @!p0 $0x1C01  }
0x4d: {  	[timem:s3], [sflag:s2] =	dma.local @!p0 [hbm:s0], s1  }
0x4e: {  	s0 =	simm.s32 @!p0 $0x1  }
0x4f: {  	_ =	swait.ge @!p0 [sflag:s0], s1  }
0x50: {  	s1 =	ssub.s32 @!p0 $0x0, s1;
	[sflag:s0] =	ssyncset.done @!p0 $0x0  }
0x51: {  	[sflag:s0] =	ssyncadd.s32 @!p0 s1  }
0x52: {  	[bflag:$0x3] =	sbarrier.arrive $0xFFFF  }
0x53: {  	_ =	shalt  }

// kernel: sparse-core-data-format-call.cloned.1.call-start
scs
called_computation_lowered:
.L_overlay_start_0:
0x0: {  	s2 =	sld [smem:$0x3FD9]  }
0x1: {  	s3 =	sld [smem:$0x3FFE];
	_ =	sdelay $0x1  }
0x2: {  	s1 =	srdreg.scid  }
0x3: {  	s0 =	sand.u32 $0x1, s1  }
0x4: {  	s16 =	sshll.u32 s0, $0xA;
	s2 =	sadd.s32 s3, s2  }
0x5: {  	s2 =	sadd.s32 s2, s16  }
0x6: {  	[smem:$0x3FA5] =	sst s2  }
0x7: {  	_ = 	snop  }
0x8: {  	s2 =	sld [smem:$0x3FD0];
	_ =	sdelay $0x2  }
0x9: {  	s17 =	simm.s32 $0xB;
	s4 =	simm.s32 $0x10  }
0xa: {  	[smem:s4], [sflag:s17] =	dma.local [hbm:s2], $0x1  }
0xb: {  	_ =	swait.eq [sflag:s17], $0x1  }
0xc: {  	[sflag:s17] =	ssyncset.done $0x0  }
0xd: {  	[sflag:s17] =	ssyncadd.s32 $0xFFFFFFFF  }
0xe: {  	s18 =	sld [smem:$0x11];
	(tm) =	ssettm $0x1  }
0xf: {  	s19 =	sld [smem:$0x3FFB];
	_ =	sdelay $0x3  }
0x10: {  	_ =	strace s19  }
0x11: {  	s2 =	sld [smem:$0x3FFC];
	_ =	sdelay $0x3  }
0x12: {  	_ =	strace s2  }
0x13: {  	s2 =	sld [smem:$0x3FFD];
	_ =	sdelay $0x3  }
0x14: {  	_ =	strace s2  }
0x15: {  	_ =	strace $0x8FFFFFFF  }
0x16: {  	s20 =	sld [smem:$0x3FDB];
	_ =	sdelay $0x1  }
0x17: {  	s21 =	simm.s32 $_scs_section_size  }
0x18: {  	s5 =	simm.s32 $_size__tile_overlayer_lowered;
	s6 =	simm.s32 $_tile_overlayer_lowered  }
0x19: {  	s7 =	simm.s32 $0x1BFF;
	s22 =	sshll.u32 s6, $0x1;
	s4 =	sadd.s32 s21, s20  }
0x1a: {  	s23 =	simm.s32 $0x0;
	s5 =	sshll.u32 s5, $0x1;
	s6 =	sadd.s32 s22, s4  }
0x1b: {  	[timem:s23], [sflag:s7] =	dma.local [hbm:s6], s5  }
0x1c: {  	_ =	swait.ge [sflag:s7], s5  }
0x1d: {  	s5 =	ssub.s32 $0x0, s5;
	[sflag:s7] =	ssyncset.done $0x0  }
0x1e: {  	[sflag:s7] =	ssyncadd.s32 s5;
	_ =	sdelay $0x1  }
0x1f: {  	s24 =	simm.s32 $0x1B8B  }
0x20: {  	_ =	swait.ge [sflag:s24], $0x1  }
0x21: {  	[sflag:s24] =	ssyncset.done $0x0  }
0x22: {  	[sflag:s24] =	ssyncadd.s32 $0xFFFFFFFF  }
0x23: {  	s5 =	sld [smem:$0x0]  }
0x24: {  	s6 =	sand.u32 $0xFFFFFFFE, s1  }
0x25: {  	p0 =	sne.s32 s1, s6  }
0x26: {  	s6 =	sshll.u32 @p0 s6, $0xE  }
0x27: {  	s6 =	sadd.s32 @p0 $0x11B8D, s6;
	s7 =	sshll.u32 @p0 s5, $0x11  }
0x28: {  	s6 =	sor.u32 @p0 s7, s6  }
0x29: {  	[sflag:s6] =	ssyncadd.remote.s32 @p0 $0x1;
	_ =	sdelay $0x1  }
0x2a: {  	s6 =	simm.s32 @p0 $0x1B8D  }
0x2b: {  	_ =	swait.eq @p0 [sflag:s6], $0x1  }
0x2c: {  	[sflag:s6] =	ssyncadd.s32 @p0 $0xFFFFFFFF  }
0x2d: {  	s7 =	sshll.u32 @!p0 s1, $0xE  }
0x2e: {  	s7 =	sor.u32 @!p0 $0x4000, s7;
	s6 =	simm.s32 @!p0 $0x1B8D  }
0x2f: {  	s5 =	sshll.u32 @!p0 s5, $0x11;
	s7 =	sadd.s32 @!p0 $0x11B8D, s7;
	_ =	swait.eq @!p0 [sflag:s6], $0x1  }
0x30: {  	s5 =	sor.u32 @!p0 s5, s7;
	[sflag:s6] =	ssyncadd.s32 @!p0 $0xFFFFFFFF  }
0x31: {  	s26 =	simm.s32 $0x1B8E;
	s25 =	sld [smem:$0x3FFE];
	[sflag:s5] =	ssyncadd.remote.s32 @!p0 $0x1  }
0x32: {  	s27 =	simm.s32 $execute0_lowered;
	[smem:$0x3FD2] =	sst s26  }
0x33: {  	s6 =	sshll.u32 s27, $0x1;
	_ =	strace $0x8000004C;
	[dreg:$0x1] =	wrdreg $0xFFFFFFFF  }
0x34: {  	s28 =	simm.s32 $_size_execute0_lowered;
	s4 =	sadd.s32 s4, s6;
	[dreg:$0x0] =	wrdreg $0x0  }
0x35: {  	s6 =	sshll.u32 s28, $0x1;
	[dreg:$0x2] =	wrdreg s4  }
0x36: {  	[dreg:$0x3] =	wrdreg s6  }
0x37: {  	[dreg:$0x4] =	wrdreg $0xC0  }
0x38: {  	_ =	task [dreg:s23], $0x5FFFF  }
0x39: {  	[dreg:$0x1] =	wrdreg $0xFFFFFFFF  }
0x3a: {  	[dreg:$0x0] =	wrdreg $0x60  }
0x3b: {  	[dreg:$0x2] =	wrdreg s25  }
0x3c: {  	[dreg:$0x3] =	wrdreg s18  }
0x3d: {  	[dreg:$0x4] =	wrdreg $0x9  }
0x3e: {  	_ =	task.clear_ibuf [dreg:s23], $0x5FFFF;
	_ =	strace $0x9000004C  }
0x3f: {  	s29 =	simm.s32 $0x9;
	_ =	strace $0x8000004E  }
0x40: {  	_ =	swait.ge [sflag:s29], $0x1  }
0x41: {  	[sflag:s29] =	ssyncadd.s32 $0xFFFFFFFF  }
0x42: {  	_ =	strace $0x9000004E  }
0x43: {  	_ =	sfence  }
0x44: {  	s30 =	sld [smem:$0x0];
	_ =	sdelay $0x2  }
0x45: {  	s31 =	sshll.u32 s1, $0xD;
	s1 =	sshrl.u32 s1, $0x2  }
0x46: {  	s4 =	sand.u32 $0x4000, s31;
	s1 =	sadd.s32 s1, s30  }
0x47: {  	s0 =	sor.u32 s4, s0;
	s1 =	sshll.u32 s1, $0x11  }
0x48: {  	s0 =	sor.u32 s1, s0  }
0x49: {  	s0 =	sadd.s32 $0x8F2B, s0  }
0x4a: {  	[sflag:s0] =	ssyncadd.remote.s32 $0x1  }
0x4b: {  	_ =	sfence.sel $0xFFFF  }
0x4c: {  	[dreg:$0x0] =	wrdreg $0xFFFFFFFF;
	(pc) =	sbr.abs _section_cstart, $3  }
0x4d: {  	[dreg:$0x1] =	wrdreg $0xFFFFFFFF  }
0x4e: {  	_ =	task.clear_ibuf [dreg:s23], $0x2FFFF;
	_ =	strace $0x9FFFFFFF  }
0x4f: {  	(tm) =	ssettm $0x7FFFFFFF  }
tec
execute0_lowered:
.L_overlay_start_1:
0x0: {  	(tag) =	ssettag $0x1  }
0x1: {  	s0 =	srdreg.scid  }
0x2: {  	s1 =	sshll.u32 s0, $0x4  }
0x3: {  	s6 =	rddreg [dreg:$0x0];
	s0 =	stileid.u32;
	s1 =	sand.u32 $0x10, s1  }
0x4: {  	s3 =	rddreg [dreg:$0x1];
	s1 =	sor.u32 s0, s1  }
0x5: {  	s5 =	simm.s32 $0x1;
	s31 =	simm.s32 $0x2;
	s2 =	sshll.u32 s1, $0x7  }
0x6: {  	s13 =	simm.s32 $0x0;
	s8 =	simm.s32 $0x20000;
	s4 =	ssub.s32 $0x4000, s2  }
0x7: {  	s15 =	simm.s32 $0x0;
	s14 =	simm.s32 $0x0;
	s30 =	sand.u32 $0xF80, s4  }
0x8: {  	s9 =	simm.s32 $0x0;
	s10 =	simm.s32 $0x0;
	p0 =	sne.s32 s30, $0x0  }
.Ltmp0:
0x9: {  	s7 =	sshrl.u32 s4, $0xC;
	s5 =	simm.s32 @!p0 $0x0;
	(pc) =	sbr.rel .LBB1_1-.Ltmp0, $4  }
0xa: {  	s12 =	simm.s32 $0x0;
	s1 =	rddreg [dreg:$0x2];
	s5 =	sadd.s32 s5, s7  }
0xb: {  	_ =	strace $0x8000004D;
	s4 =	simm.s32 $0x1;
	s5 =	smul.u32 $0x18, s5  }
0xc: {  	s6 =	sadd.s32 $0x50D000, s6;
	s11 =	smov.u32 s2;
	[sflag:s4] =	ssyncpa.u1 $0x0  }
0xd: {  	[sflag:s31] =	ssyncpa.u1 $0x0;
	p0 =	por $0x0, $0x0;
	s7 =	sor.u32 $0x1, s5  }
.LBB1_4:
0xe: {  	s18 =	sshll.u32 s14, $0x3  }
0xf: {  	s19 =	sand.u32 $0x78, s14;
	s20 =	sand.u32 $0x1F800, s14;
	s15 =	sshll.u32 s15, $0x13  }
0x10: {  	s13 =	sshll.u32 s13, $0x11;
	s18 =	sand.u32 $0x3C00, s18;
	s30 =	sadd.s32 s3, s20  }
0x11: {  	[tilespmem:s17+$0x810 ss:$0x81] =	vst.msk $0xffff, v2;
	s31 =	sand.u32 $0x7, s14;
	s18 =	sor.u32 s19, s18;
	s15 =	sadd.s32 s15, s30  }
0x12: {  	[tilespmem:s17+$0x1020 ss:$0x81] =	vst.msk $0xffff, v0;
	s14 =	sshll.u32 s31, $0x12;
	s18 =	sshrl.u32 s18, $0x3;
	s13 =	sadd.s32 s13, s15  }
0x13: {  	[tilespmem:s17+$0x0 ss:$0x81] =	vst.msk $0xffff, v1;
	s14 =	sor.u32 $0x400, s14;
	s13 =	sadd.s32 s18, s13  }
0x14: {  	[hbm4b:s13+s14] =	stream.strided.scatter [tilespmem:s16], [sflag:$0x2], $0x2000, s8, s14, $0x20;
	[tilespmem:$0x8080] =	vst v63  }
.LBB1_5:
0x15: {  	s16 =	sadd.s32 $0x1, s9  }
0x16: {  	s13 =	simm.s32 $0x1;
	p2 =	sgt.s32 s16, $0x3  }
0x17: {  	s13 =	simm.s32 @!p2 $0x0  }
0x18: {  	s17 =	sadd.s32 s13, s10  }
0x19: {  	s19 =	smov.u32 s11;
	s13 =	sadd.s32 $0x1000, s11;
	p3 =	sgt.s32 s17, $0x5  }
0x1a: {  	s19 =	smov.u32 @p3 s13  }
0x1b: {  	p1 =	slt.u32 s12, $0x2;
	s16 =	simm.s32 @p2 $0x0;
	p2 =	sgt.s32 s19, $0x3FFF  }
0x1c: {  	s18 =	simm.s32 @!p1 $0x2;
	s19 =	smov.u32 @p2 s2;
	p2 =	sne.s32 s12, s7  }
.Ltmp1:
0x1d: {  	_ =	swait.ge @!p1 [sflag:s18], $0x2000;
	(pc) =	sbr.rel @!p2 .LBB1_6-.Ltmp1, $4  }
0x1e: {  	s15 =	smov.u32 s10;
	[sflag:s18] =	ssyncset.done @!p1 $0x0  }
0x1f: {  	s14 =	smov.u32 s11;
	p0 =	por !p0, !p0;
	[sflag:s18] =	ssyncadd.s32 @!p1 $0xFFFFE000  }
0x20: {  	s17 =	simm.s32 @p3 $0x0;
	s13 =	smov.u32 s9;
	s9 =	smov.u32 s16  }
0x21: {  	s10 =	smov.u32 s17;
	s12 =	sadd.s32 $0x1, s12;
	s11 =	smov.u32 s19  }
.LBB1_1:
0x22: {  	p1 =	sge.u32 s12, s5  }
0x23: {  	s17 =	smul.u32 @!p1 $0x180, s11  }
0x24: {  	s31 =	sadd.s32 $0xFFFFFFFF, s12;
	s16 =	sxor.u32 @!p1 $0xFFFFFFFF, s12;
	s18 =	sshll.u32 @!p1 s10, $0x6  }
0x25: {  	s19 =	sshll.u32 @!p1 s9, $0x4;
	s16 =	sshll.u32 @!p1 s16, $0xD;
	s17 =	sadd.s32 @!p1 s6, s17  }
0x26: {  	s19 =	sand.u32 @!p1 $0x30, s19;
	s16 =	sand.u32 @!p1 $0x2000, s16;
	s17 =	sadd.s32 @!p1 s18, s17  }
0x27: {  	s18 =	simm.s32 @!p1 $0x40;
	s17 =	sadd.s32 @!p1 s19, s17;
	s19 =	simm.s32 @!p1 $0xC00  }
0x28: {  	[tilespmem:s16], [sflag:$0x1] =	stream.strided.gather @!p1 [hbm4b:s17+s18], $0x2000, s19, s18, $0x38;
	[tilespmem:$0x8080] =	vst v63  }
0x29: {  	p1 =	sge.u32 s31, s5  }
.Ltmp2:
0x2a: {  	_ = 	snop;
	(pc) =	sbr.rel @p1 .LBB1_5-.Ltmp2, $1  }
0x2b: {  	_ =	sdelay $0x3  }
0x2c: {  	s16 =	simm.s32 $0x1  }
0x2d: {  	_ =	swait.ge [sflag:s4], $0x2000;
	s16 =	simm.s32 @!p0 $0x0  }
0x2e: {  	[sflag:s4] =	ssyncset.done $0x0;
	s17 =	sshll.u32 s16, $0xD  }
0x2f: {  	[sflag:s4] =	ssyncadd.s32 $0xFFFFE000;
	s20 =	sor.u32 $0x20, s17  }
0x30: {  	s16 =	smul.u32 $0x8100, s16;
	v3 =	vld [tilespmem:s20+$0x10]  }
0x31: {  	s30 =	sand.u32 $0x1, s12;
	v2 =	vld [tilespmem:s20+$0xFFFFFFF0]  }
0x32: {  	s17 =	smul.u32 $0x8100, s30;
	s16 =	sshrl.u32 s16, $0x2;
	v0 =	vld [tilespmem:s20+$0x0]  }
0x33: {  	v1 =	vld [tilespmem:s20+$0xFFFFFFE0];
	s18 =	sor.u32 $0x4000, s16  }
0x34: {  	s31 =	sshrl.u32 s17, $0x2;
	s17 =	sadd.s32 $0x0, s18  }
0x35: {  	s19 =	simm.s32 $0x4;
	s20 =	sadd.s32 $0x40, s20;
	s16 =	sor.u32 $0x4000, s31;
	[tilespmem:s17+$0x1830 ss:$0x81] =	vst.msk $0xffff, v3  }
.LBB1_3:
0x36: {  	v3 =	vld [tilespmem:s20+$0x10];
	p1 =	sne.s32 s19, $0x1FC;
	[tilespmem:s17+$0x810 ss:$0x81] =	vst.msk $0xffff, v2;
	s21 =	smov.u32 s19;
	s19 =	sadd.s32 $0x4, s19  }
.Ltmp3:
0x37: {  	v2 =	vld [tilespmem:s20+$0xFFFFFFF0];
	[tilespmem:s17+$0x1020 ss:$0x81] =	vst.msk $0xffff, v0;
	(pc) =	sbr.rel @p1 .LBB1_3-.Ltmp3, $4  }
0x38: {  	v0 =	vld [tilespmem:s20+$0x0];
	[tilespmem:s17+$0x0 ss:$0x81] =	vst.msk $0xffff, v1  }
0x39: {  	s17 =	sshra.s32 s21, $0x2;
	v1 =	vld [tilespmem:s20+$0xFFFFFFE0]  }
0x3a: {  	s17 =	sadd.s32 s17, s18  }
0x3b: {  	s20 =	sadd.s32 $0x40, s20;
	[tilespmem:s17+$0x1830 ss:$0x81] =	vst.msk $0xffff, v3  }
.Ltmp4:
0x3c: {  	_ = 	snop;
	(pc) =	sbr.rel .LBB1_4-.Ltmp4, $1  }
0x3d: {  	_ =	sdelay $0x3  }
.LBB1_6:
0x3e: {  	_ =	sfence.sel $0x180000  }
0x3f: {  	s2 =	simm.s32 $0x1;
	[bflag:$0x0] =	sbarrier.arrive $0xFFFF  }
0x40: {  	s31 =	simm.s32 $0x2;
	[sflag:s2] =	ssyncpa.u1 $0x1  }
0x41: {  	[sflag:s31] =	ssyncpa.u1 $0x1  }
0x42: {  	p0 =	sne.s32 s0, $0x0;
	_ =	strace $0x9000004D  }
0x43: {  	s0 =	sadd.s32 @!p0 $0x100000, s1;
	[bflag:$0x2] =	sbarrier.arrive $0xFFFF  }
0x44: {  	[sflag:s0] =	ssyncadd.tile.s32 @!p0 $0x1;
	_ =	shalt  }
.Lfunc_end1:
_tile_overlayer_lowered:
.L_overlay_start_2:
0x45: {  	(tag) =	ssettag $0x2  }
0x46: {  	s0 =	rddreg [dreg:$0x0];
	s2 =	stileid.u32  }
0x47: {  	s1 =	rddreg [dreg:$0x1];
	p0 =	sne.s32 s2, $0x0  }
0x48: {  	s3 =	rddreg [dreg:$0x2];
	[bflag:$0x3] =	sbarrier.arrive $0xFFFF;
	s2 =	simm.s32 @!p0 $0x1C01  }
0x49: {  	[timem:s3], [sflag:s2] =	dma.local @!p0 [hbm:s0], s1  }
0x4a: {  	s0 =	simm.s32 @!p0 $0x1  }
0x4b: {  	_ =	swait.ge @!p0 [sflag:s0], s1  }
0x4c: {  	s1 =	ssub.s32 @!p0 $0x0, s1;
	[sflag:s0] =	ssyncset.done @!p0 $0x0  }
0x4d: {  	[sflag:s0] =	ssyncadd.s32 @!p0 s1  }
0x4e: {  	[bflag:$0x3] =	sbarrier.arrive $0xFFFF  }
0x4f: {  	_ =	shalt  }

</sc_bundles>
